<compile_context>
chip_gen: v7x
topology: tpu7x:2x2x1
jax: 0.10.2.dev20260603
libtpu: 0.0.44.dev20260713+nightly
codegen_flags: <defaults>
</compile_context>

<pallas_src>
import functools

import jax
import jax.numpy as jnp
from jax import lax
from jax.experimental import pallas as pl
from jax.experimental.pallas import tpu as pltpu
from jax.experimental.pallas import tpu_sc as plsc

N = 10000
E = 320000
D = 128
G = 16

NC = 2
NS = 16
NW = NC * NS
CHUNK = 128
NROWSP = 2560
EPAD = NROWSP * CHUNK - E
CPT = NROWSP // NW
NACC = 10112
RPT = NACC // NS
HCPT = CPT // 2
CPT0 = 128
CPT1 = 32
SBUF = CPT0 // 2
DBUF = CPT0 // 4

DEG_W = 16
NPADD = 10240
DEG_RPT = NPADD // NS

_mesh = plsc.VectorSubcoreMesh(core_axis_name="c", subcore_axis_name="s")


@functools.partial(
    pl.kernel,
    out_type=jax.ShapeDtypeStruct((NC, NACC, D), jnp.float32),
    mesh=_mesh,
    scratch_types=[
        pltpu.VMEM((CPT, CHUNK), jnp.int32),
        pltpu.VMEM((CHUNK, D), jnp.float32),
        pltpu.VMEM_SHARED((NACC, D), jnp.float32),
        pltpu.SemaphoreType.DMA,
    ],
)
def _sc_deg(dstr_hbm, ones_hbm, zeros_hbm, out_hbm, dst_v, ones_v, acc_sh,
            sem):
    c = lax.axis_index("c")
    s = lax.axis_index("s")
    wid = s * NC + c

    pltpu.sync_copy(zeros_hbm.at[pl.ds(s * RPT, RPT)],
                    acc_sh.at[pl.ds(s * RPT, RPT)])
    pltpu.sync_copy(ones_hbm, ones_v)
    pltpu.sync_copy(dstr_hbm.at[pl.ds(wid * CPT, CPT)], dst_v)

    plsc.subcore_barrier()

    K8 = 8

    def step(j8, carry):
        base = j8 * K8
        for k in range(K8):
            pltpu.async_copy(ones_v, acc_sh.at[dst_v.at[base + k]], sem,
                             add=True)
        for k in range(K8):
            pltpu.make_async_copy(ones_v, acc_sh.at[dst_v.at[base + k]],
                                  sem).wait()
        return carry

    lax.fori_loop(0, CPT // K8, step, 0)

    plsc.subcore_barrier()
    pltpu.sync_copy(acc_sh.at[pl.ds(s * RPT, RPT)],
                    out_hbm.at[c].at[pl.ds(s * RPT, RPT)])


@functools.partial(
    pl.kernel,
    out_type=jax.ShapeDtypeStruct((NC, NACC, D), jnp.float32),
    mesh=_mesh,
    scratch_types=[
        pltpu.VMEM((SBUF, CHUNK), jnp.int32),
        pltpu.VMEM((DBUF, CHUNK), jnp.int32),
        pltpu.VMEM((CHUNK, D), jnp.float32),
        pltpu.VMEM((CHUNK, D), jnp.float32),
        pltpu.VMEM_SHARED((NACC, D), jnp.float32),
        pltpu.SemaphoreType.DMA,
        pltpu.SemaphoreType.DMA,
        pltpu.SemaphoreType.DMA,
        pltpu.SemaphoreType.DMA,
    ],
)
def _sc_agg(u_hbm, srcr_hbm, dstr_hbm, zeros_hbm, out_hbm,
            src_v, dst_v, gbuf0, gbuf1, acc_sh, sem0, sem1, sem2, sem3):
    c = lax.axis_index("c")
    s = lax.axis_index("s")

    pltpu.sync_copy(zeros_hbm.at[pl.ds(s * RPT, RPT)],
                    acc_sh.at[pl.ds(s * RPT, RPT)])

    def run_core(cpt, base):
        sh = cpt // 2
        dq = cpt // 4
        np2 = cpt // 2

        pltpu.sync_copy(srcr_hbm.at[pl.ds(base, sh)], src_v.at[pl.ds(0, sh)])
        pltpu.sync_copy(dstr_hbm.at[pl.ds(base, dq)], dst_v.at[pl.ds(0, dq)])

        pltpu.async_copy(u_hbm.at[src_v.at[0]], gbuf0, sem0)
        pltpu.async_copy(u_hbm.at[src_v.at[1]], gbuf1, sem1)

        def step(j2, carry):
            c0 = 2 * j2
            seg_d = c0 // dq
            r0 = c0 - seg_d * dq
            rs2 = (c0 + 2) - ((c0 + 2) // sh) * sh
            rs3 = (c0 + 3) - ((c0 + 3) // sh) * sh

            @pl.when((c0 > 0) & (r0 == 0))
            def _():
                pltpu.sync_copy(dstr_hbm.at[pl.ds(base + seg_d * dq, dq)],
                                dst_v.at[pl.ds(0, dq)])

            pltpu.make_async_copy(u_hbm.at[src_v.at[0]], gbuf0, sem0).wait()
            pltpu.async_copy(gbuf0, acc_sh.at[dst_v.at[r0]], sem2, add=True)
            pltpu.make_async_copy(u_hbm.at[src_v.at[0]], gbuf1, sem1).wait()
            pltpu.async_copy(gbuf1, acc_sh.at[dst_v.at[r0 + 1]], sem3,
                             add=True)

            @pl.when(c0 + 2 == sh)
            def _():
                pltpu.sync_copy(srcr_hbm.at[pl.ds(base + sh, sh)],
                                src_v.at[pl.ds(0, sh)])

            @pl.when(j2 + 1 < np2)
            def _():
                pltpu.make_async_copy(gbuf0, acc_sh.at[dst_v.at[r0]],
                                      sem2).wait()
                pltpu.async_copy(u_hbm.at[src_v.at[rs2]], gbuf0, sem0)
                pltpu.make_async_copy(gbuf1, acc_sh.at[dst_v.at[r0 + 1]],
                                      sem3).wait()
                pltpu.async_copy(u_hbm.at[src_v.at[rs3]], gbuf1, sem1)
            return carry

        lax.fori_loop(0, np2, step, 0)

        pltpu.make_async_copy(gbuf0, acc_sh.at[dst_v.at[0]], sem2).wait()
        pltpu.make_async_copy(gbuf1, acc_sh.at[dst_v.at[0]], sem3).wait()

    plsc.subcore_barrier()

    @pl.when(c == 0)
    def _():
        run_core(CPT0, s * CPT0)

    @pl.when(c == 1)
    def _():
        run_core(CPT1, NS * CPT0 + s * CPT1)

    plsc.subcore_barrier()
    pltpu.sync_copy(acc_sh.at[pl.ds(s * RPT, RPT)],
                    out_hbm.at[c].at[pl.ds(s * RPT, RPT)])


BN = 1000
GRID = N // BN


def _mm1_body(x_ref, w_ref, dega_ref, degb_ref, o_ref):
    dinv = lax.rsqrt(dega_ref[...] + degb_ref[...] + 1.0)
    h = jnp.dot(x_ref[...], w_ref[...], preferred_element_type=jnp.float32)
    o_ref[...] = dinv * h


_tc_mm1 = pl.pallas_call(
    _mm1_body,
    grid=(GRID,),
    in_specs=[
        pl.BlockSpec((BN, D), lambda i: (i, 0)),
        pl.BlockSpec((D, D), lambda i: (0, 0)),
        pl.BlockSpec((BN, 1), lambda i: (i, 0)),
        pl.BlockSpec((BN, 1), lambda i: (i, 0)),
    ],
    out_specs=pl.BlockSpec((BN, D), lambda i: (i, 0)),
    out_shape=jax.ShapeDtypeStruct((N, D), jnp.float32),
)


def _mm2_body(acca_ref, accb_ref, u_ref, dega_ref, degb_ref, b_ref, w_ref,
              o_ref):
    dinv = lax.rsqrt(dega_ref[...] + degb_ref[...] + 1.0)
    z = dinv * (acca_ref[...] + accb_ref[...] + u_ref[...]) + b_ref[...]
    z = jnp.maximum(z, 0.0)
    h = jnp.dot(z, w_ref[...], preferred_element_type=jnp.float32)
    o_ref[...] = dinv * h


_tc_mm2 = pl.pallas_call(
    _mm2_body,
    grid=(GRID,),
    in_specs=[
        pl.BlockSpec((BN, D), lambda i: (i, 0)),
        pl.BlockSpec((BN, D), lambda i: (i, 0)),
        pl.BlockSpec((BN, D), lambda i: (i, 0)),
        pl.BlockSpec((BN, 1), lambda i: (i, 0)),
        pl.BlockSpec((BN, 1), lambda i: (i, 0)),
        pl.BlockSpec((1, D), lambda i: (0, 0)),
        pl.BlockSpec((D, D), lambda i: (0, 0)),
    ],
    out_specs=pl.BlockSpec((BN, D), lambda i: (i, 0)),
    out_shape=jax.ShapeDtypeStruct((N, D), jnp.float32),
)


def _pool_body(acca_ref, accb_ref, u_ref, dega_ref, degb_ref, b_ref,
               batch_ref, o_ref, sums_ref, counts_ref):
    i = pl.program_id(0)

    @pl.when(i == 0)
    def _():
        sums_ref[...] = jnp.zeros_like(sums_ref)
        counts_ref[...] = jnp.zeros_like(counts_ref)

    dinv = lax.rsqrt(dega_ref[...] + degb_ref[...] + 1.0)
    h = dinv * (acca_ref[...] + accb_ref[...] + u_ref[...]) + b_ref[...]
    gids = lax.broadcasted_iota(jnp.int32, (1, G), 1).astype(jnp.float32)
    mask = (batch_ref[...] == gids).astype(jnp.float32)
    sums_ref[...] += lax.dot_general(
        mask, h, (((0,), (0,)), ((), ())),
        preferred_element_type=jnp.float32)
    counts_ref[...] += jnp.sum(mask, axis=0)[:, None]

    @pl.when(i == GRID - 1)
    def _():
        o_ref[...] = sums_ref[...] / jnp.maximum(counts_ref[...], 1.0)


_tc_pool = pl.pallas_call(
    _pool_body,
    grid=(GRID,),
    in_specs=[
        pl.BlockSpec((BN, D), lambda i: (i, 0)),
        pl.BlockSpec((BN, D), lambda i: (i, 0)),
        pl.BlockSpec((BN, D), lambda i: (i, 0)),
        pl.BlockSpec((BN, 1), lambda i: (i, 0)),
        pl.BlockSpec((BN, 1), lambda i: (i, 0)),
        pl.BlockSpec((1, D), lambda i: (0, 0)),
        pl.BlockSpec((BN, 1), lambda i: (i, 0)),
    ],
    out_specs=pl.BlockSpec((G, D), lambda i: (0, 0)),
    out_shape=jax.ShapeDtypeStruct((G, D), jnp.float32),
    scratch_shapes=[
        pltpu.VMEM((G, D), jnp.float32),
        pltpu.VMEM((G, 1), jnp.float32),
    ],
)


def kernel(x, edge_index, batch_index, W1, b1, W2, b2):
    pad_src = jnp.zeros((EPAD,), jnp.int32)
    pad_dst = jnp.full((EPAD,), N, jnp.int32)
    srcr = jnp.concatenate([edge_index[0], pad_src]).reshape(NROWSP, CHUNK)
    dstr = jnp.concatenate([edge_index[1], pad_dst]).reshape(NROWSP, CHUNK)
    batch_col = batch_index.astype(jnp.float32).reshape(N, 1)

    zeros_agg = jnp.zeros((NACC, D), jnp.float32)
    ones_nd = jnp.ones((CHUNK, D), jnp.float32)

    degp = _sc_deg(dstr, ones_nd, zeros_agg)
    dega = degp[0, :N, 0:1]
    degb = degp[1, :N, 0:1]

    u1 = _tc_mm1(x, W1, dega, degb)
    acc1 = _sc_agg(u1, srcr, dstr, zeros_agg)
    u2 = _tc_mm2(acc1[0, :N], acc1[1, :N], u1, dega, degb,
                 b1.reshape(1, D), W2)
    acc2 = _sc_agg(u2, srcr, dstr, zeros_agg)
    return _tc_pool(acc2[0, :N], acc2[1, :N], u2, dega, degb,
                    b2.reshape(1, D), batch_col)

# --- scband reference (transcript-rebuilt; emitter-appended) ---
"""Pipeline reference for scband-gcnencoder-206158430595 (READ-ONLY COPY).

The authoritative reference and input builder live on the scoring server;
editing this copy changes nothing except your own understanding.
"""

import jax, jax.numpy as jnp
import numpy as np

N = 10000
E = 320000
D_IN = 128
D_HID = 128
D_OUT = 128
G = 16


def setup_inputs(seed: int = 0) -> dict:
    key = jax.random.key(seed)
    k1, k2, k3, k4, k5 = jax.random.split(key, 5)
    x = jax.random.normal(k1, (N, D_IN), dtype=jnp.float32)
    edge_index = jax.random.randint(k2, (2, E), 0, N, dtype=jnp.int32)
    batch_index = jnp.sort(jax.random.randint(k3, (N,), 0, G, dtype=jnp.int32))
    W1 = jax.random.normal(k4, (D_IN, D_HID), dtype=jnp.float32) * (1.0 / np.sqrt(D_IN))
    b1 = jnp.zeros((D_HID,), dtype=jnp.float32)
    W2 = jax.random.normal(k5, (D_HID, D_OUT), dtype=jnp.float32) * (1.0 / np.sqrt(D_HID))
    b2 = jnp.zeros((D_OUT,), dtype=jnp.float32)
    return {"x": x, "edge_index": edge_index, "batch_index": batch_index, "W1": W1, "b1": b1, "W2": W2, "b2": b2}


def _gcn_conv(x, src, dst, W, b):
    # PyG GCNConv: add self-loops, symmetric normalization, linear, scatter-add aggregate, bias
    n = x.shape[0]
    loop = jnp.arange(n, dtype=src.dtype)
    s = jnp.concatenate([src, loop])
    d = jnp.concatenate([dst, loop])
    deg = jnp.zeros((n,), x.dtype).at[d].add(1.0)
    dinv = jnp.where(deg > 0, jax.lax.rsqrt(deg), 0.0)
    norm = dinv[s] * dinv[d]
    h = x @ W
    msg = h[s] * norm[:, None]
    out = jnp.zeros((n, W.shape[1]), x.dtype).at[d].add(msg)
    return out + b


def reference(x, edge_index, batch_index, W1, b1, W2, b2):
    src, dst = edge_index[0], edge_index[1]
    h = _gcn_conv(x, src, dst, W1, b1)
    # use_layer_norm=False -> Identity; dropout=0.0 -> no-op
    h = jax.nn.relu(h)
    h = _gcn_conv(h, src, dst, W2, b2)
    # global_mean_pool
    counts = jnp.zeros((G,), h.dtype).at[batch_index].add(1.0)
    sums = jnp.zeros((G, h.shape[1]), h.dtype).at[batch_index].add(h)
    g = sums / jnp.clip(counts, 1.0)[:, None]
    return g

if __name__ == "__main__":
    import jax
    _d = setup_inputs()
    print(jax.jit(kernel)(*tuple(_d.values())))

</pallas_src>

<mosaic_0001>
#map = affine_map<(d0, d1) -> (0, 0)>
#map1 = affine_map<(d0, d1) -> (0, 0, 0)>
module attributes {stable_mosaic.version = 14 : i64} {
  func.func @_sc_agg(%arg0: i32, %arg1: i32, %arg2: memref<10000x128xf32, #tpu.memory_space<hbm>>, %arg3: memref<2560x128xi32, #tpu.memory_space<hbm>>, %arg4: memref<2560x128xi32, #tpu.memory_space<hbm>>, %arg5: memref<10112x128xf32, #tpu.memory_space<hbm>>, %arg6: memref<2x10112x128xf32, #tpu.memory_space<hbm>>, %arg7: memref<64x128xi32, #tpu.memory_space<vmem>>, %arg8: memref<32x128xi32, #tpu.memory_space<vmem>>, %arg9: memref<128x128xf32, #tpu.memory_space<vmem>>, %arg10: memref<128x128xf32, #tpu.memory_space<vmem>>, %arg11: memref<10112x128xf32, #tpu.memory_space<vmem_shared>>, %arg12: memref<!tpu.dma_semaphore, #tpu.memory_space<semaphore_mem>>, %arg13: memref<!tpu.dma_semaphore, #tpu.memory_space<semaphore_mem>>, %arg14: memref<!tpu.dma_semaphore, #tpu.memory_space<semaphore_mem>>, %arg15: memref<!tpu.dma_semaphore, #tpu.memory_space<semaphore_mem>>) attributes {dimension_semantics = [#tpu.dimension_semantics<core_parallel>, #tpu.dimension_semantics<subcore_parallel>], iteration_bounds = array<i64: 2, 16>, scalar_prefetch = 0 : i64, scratch_operands = 9 : i64, tpu.core_type = #tpu.core_type<sc_vector_subcore>, window_params = [{transform_indices = #map}, {transform_indices = #map}, {transform_indices = #map}, {transform_indices = #map}, {transform_indices = #map1}]} {
    %mul3A = arith.constant 632 : i32
    %mul3A_0 = arith.muli %arg1, %mul3A : i32
    %mul3A_1 = arith.constant 632 : i32
    %mul3A_2 = arith.muli %arg1, %mul3A_1 : i32
    "tpu.region"() ({
      %run_scoped3A = tpu.sem_alloc : memref<!tpu.dma_semaphore, #tpu.memory_space<semaphore_mem>>
      %dma_start3A = arith.constant 0 : i32
      %dma_start3A_15 = tpu.memref_slice %arg11[%mul3A_2, %dma_start3A] : memref<10112x128xf32, #tpu.memory_space<vmem_shared>> -> memref<632x128xf32, #tpu.memory_space<vmem_shared>>
      %dma_start3A_16 = arith.constant 0 : i32
      %dma_start3A_17 = tpu.memref_slice %arg5[%mul3A_0, %dma_start3A_16] : memref<10112x128xf32, #tpu.memory_space<hbm>> -> memref<632x128xf32, #tpu.memory_space<hbm>>
      tpu.enqueue_dma source(%dma_start3A_17 : memref<632x128xf32, #tpu.memory_space<hbm>>) target(%dma_start3A_15 : memref<632x128xf32, #tpu.memory_space<vmem_shared>>) target_semaphore(%run_scoped3A : memref<!tpu.dma_semaphore, #tpu.memory_space<semaphore_mem>>)
      %dma_wait3A = arith.constant 0 : i32
      %dma_wait3A_18 = tpu.memref_slice %arg11[%mul3A_2, %dma_wait3A] : memref<10112x128xf32, #tpu.memory_space<vmem_shared>> -> memref<632x128xf32, #tpu.memory_space<vmem_shared>>
      %dma_wait3A_19 = arith.constant 0 : i32
      %dma_wait3A_20 = tpu.memref_slice %arg5[%mul3A_0, %dma_wait3A_19] : memref<10112x128xf32, #tpu.memory_space<hbm>> -> memref<632x128xf32, #tpu.memory_space<hbm>>
      tpu.wait_dma2 semaphore(%run_scoped3A : memref<!tpu.dma_semaphore, #tpu.memory_space<semaphore_mem>>) src(%dma_wait3A_20 : memref<632x128xf32, #tpu.memory_space<hbm>>) dst(%dma_wait3A_18 : memref<632x128xf32, #tpu.memory_space<vmem_shared>>)
      tpu.yield
    }) : () -> ()
    %barrier3A = arith.constant 0 : index
    tpu.barrier barrier_id(%barrier3A)
    %eq3A = arith.constant 0 : i32
    %eq3A_3 = arith.cmpi eq, %arg0, %eq3A : i32
    %convert_element_type3A = arith.extui %eq3A_3 : i1 to i32
    %cond3A = arith.constant 0 : i32
    %cond3A_4 = arith.cmpi ne, %convert_element_type3A, %cond3A : i32
    scf.if %cond3A_4 {
      %mul3A_15 = arith.constant 128 : i32
      %mul3A_16 = arith.muli %arg1, %mul3A_15 : i32
      "tpu.region"() ({
        %run_scoped3A = tpu.sem_alloc : memref<!tpu.dma_semaphore, #tpu.memory_space<semaphore_mem>>
        %dma_start3A_48 = arith.constant 0 : i32
        %dma_start3A_49 = arith.constant 0 : i32
        %dma_start3A_50 = tpu.memref_slice %arg7[%dma_start3A_48, %dma_start3A_49] : memref<64x128xi32, #tpu.memory_space<vmem>> -> memref<64x128xi32, #tpu.memory_space<vmem>>
        %dma_start3A_51 = arith.constant 0 : i32
        %dma_start3A_52 = tpu.memref_slice %arg3[%mul3A_16, %dma_start3A_51] : memref<2560x128xi32, #tpu.memory_space<hbm>> -> memref<64x128xi32, #tpu.memory_space<hbm>>
        %dma_start3A_53 = arith.constant 0 : i32
        %dma_start3A_54 = arith.constant 0 : i32
        %dma_start3A_55 = tpu.memref_slice %arg7[%dma_start3A_53, %dma_start3A_54] : memref<64x128xi32, #tpu.memory_space<vmem>> -> memref<64x128xi32, #tpu.memory_space<vmem>>
        %dma_start3A_56 = arith.constant 0 : i32
        %dma_start3A_57 = tpu.memref_slice %arg3[%mul3A_16, %dma_start3A_56] : memref<2560x128xi32, #tpu.memory_space<hbm>> -> memref<64x128xi32, #tpu.memory_space<hbm>>
        tpu.enqueue_dma source(%dma_start3A_57 : memref<64x128xi32, #tpu.memory_space<hbm>>) target(%dma_start3A_55 : memref<64x128xi32, #tpu.memory_space<vmem>>) target_semaphore(%run_scoped3A : memref<!tpu.dma_semaphore, #tpu.memory_space<semaphore_mem>>)
        %dma_wait3A_58 = arith.constant 0 : i32
        %dma_wait3A_59 = arith.constant 0 : i32
        %dma_wait3A_60 = tpu.memref_slice %arg7[%dma_wait3A_58, %dma_wait3A_59] : memref<64x128xi32, #tpu.memory_space<vmem>> -> memref<64x128xi32, #tpu.memory_space<vmem>>
        %dma_wait3A_61 = arith.constant 0 : i32
        %dma_wait3A_62 = tpu.memref_slice %arg3[%mul3A_16, %dma_wait3A_61] : memref<2560x128xi32, #tpu.memory_space<hbm>> -> memref<64x128xi32, #tpu.memory_space<hbm>>
        %dma_wait3A_63 = arith.constant 0 : i32
        %dma_wait3A_64 = arith.constant 0 : i32
        %dma_wait3A_65 = tpu.memref_slice %arg7[%dma_wait3A_63, %dma_wait3A_64] : memref<64x128xi32, #tpu.memory_space<vmem>> -> memref<64x128xi32, #tpu.memory_space<vmem>>
        %dma_wait3A_66 = arith.constant 0 : i32
        %dma_wait3A_67 = tpu.memref_slice %arg3[%mul3A_16, %dma_wait3A_66] : memref<2560x128xi32, #tpu.memory_space<hbm>> -> memref<64x128xi32, #tpu.memory_space<hbm>>
        tpu.wait_dma2 semaphore(%run_scoped3A : memref<!tpu.dma_semaphore, #tpu.memory_space<semaphore_mem>>) src(%dma_wait3A_67 : memref<64x128xi32, #tpu.memory_space<hbm>>) dst(%dma_wait3A_65 : memref<64x128xi32, #tpu.memory_space<vmem>>)
        tpu.yield
      }) : () -> ()
      "tpu.region"() ({
        %run_scoped3A = tpu.sem_alloc : memref<!tpu.dma_semaphore, #tpu.memory_space<semaphore_mem>>
        %dma_start3A_48 = arith.constant 0 : i32
        %dma_start3A_49 = arith.constant 0 : i32
        %dma_start3A_50 = tpu.memref_slice %arg8[%dma_start3A_48, %dma_start3A_49] : memref<32x128xi32, #tpu.memory_space<vmem>> -> memref<32x128xi32, #tpu.memory_space<vmem>>
        %dma_start3A_51 = arith.constant 0 : i32
        %dma_start3A_52 = tpu.memref_slice %arg4[%mul3A_16, %dma_start3A_51] : memref<2560x128xi32, #tpu.memory_space<hbm>> -> memref<32x128xi32, #tpu.memory_space<hbm>>
        %dma_start3A_53 = arith.constant 0 : i32
        %dma_start3A_54 = arith.constant 0 : i32
        %dma_start3A_55 = tpu.memref_slice %arg8[%dma_start3A_53, %dma_start3A_54] : memref<32x128xi32, #tpu.memory_space<vmem>> -> memref<32x128xi32, #tpu.memory_space<vmem>>
        %dma_start3A_56 = arith.constant 0 : i32
        %dma_start3A_57 = tpu.memref_slice %arg4[%mul3A_16, %dma_start3A_56] : memref<2560x128xi32, #tpu.memory_space<hbm>> -> memref<32x128xi32, #tpu.memory_space<hbm>>
        tpu.enqueue_dma source(%dma_start3A_57 : memref<32x128xi32, #tpu.memory_space<hbm>>) target(%dma_start3A_55 : memref<32x128xi32, #tpu.memory_space<vmem>>) target_semaphore(%run_scoped3A : memref<!tpu.dma_semaphore, #tpu.memory_space<semaphore_mem>>)
        %dma_wait3A_58 = arith.constant 0 : i32
        %dma_wait3A_59 = arith.constant 0 : i32
        %dma_wait3A_60 = tpu.memref_slice %arg8[%dma_wait3A_58, %dma_wait3A_59] : memref<32x128xi32, #tpu.memory_space<vmem>> -> memref<32x128xi32, #tpu.memory_space<vmem>>
        %dma_wait3A_61 = arith.constant 0 : i32
        %dma_wait3A_62 = tpu.memref_slice %arg4[%mul3A_16, %dma_wait3A_61] : memref<2560x128xi32, #tpu.memory_space<hbm>> -> memref<32x128xi32, #tpu.memory_space<hbm>>
        %dma_wait3A_63 = arith.constant 0 : i32
        %dma_wait3A_64 = arith.constant 0 : i32
        %dma_wait3A_65 = tpu.memref_slice %arg8[%dma_wait3A_63, %dma_wait3A_64] : memref<32x128xi32, #tpu.memory_space<vmem>> -> memref<32x128xi32, #tpu.memory_space<vmem>>
        %dma_wait3A_66 = arith.constant 0 : i32
        %dma_wait3A_67 = tpu.memref_slice %arg4[%mul3A_16, %dma_wait3A_66] : memref<2560x128xi32, #tpu.memory_space<hbm>> -> memref<32x128xi32, #tpu.memory_space<hbm>>
        tpu.wait_dma2 semaphore(%run_scoped3A : memref<!tpu.dma_semaphore, #tpu.memory_space<semaphore_mem>>) src(%dma_wait3A_67 : memref<32x128xi32, #tpu.memory_space<hbm>>) dst(%dma_wait3A_65 : memref<32x128xi32, #tpu.memory_space<vmem>>)
        tpu.yield
      }) : () -> ()
      %dma_start3A = arith.constant 0 : i32
      %dma_start3A_17 = arith.constant 0 : i32
      %dma_start3A_18 = tpu.memref_slice %arg7[%dma_start3A, %dma_start3A_17] : memref<64x128xi32, #tpu.memory_space<vmem>> -> memref<1x128xi32, #tpu.memory_space<vmem>>
      %dma_start3A_19 = tpu.memref_squeeze %dma_start3A_18 : memref<1x128xi32, #tpu.memory_space<vmem>> -> memref<128xi32, #tpu.memory_space<vmem>>
      %dma_start3A_20 = arith.constant 0 : i32
      %dma_start3A_21 = arith.constant 0 : i32
      %dma_start3A_22 = tpu.memref_slice %arg2[%dma_start3A_20, %dma_start3A_21] : memref<10000x128xf32, #tpu.memory_space<hbm>> -> memref<10000x128xf32, #tpu.memory_space<hbm>>
      tpu.enqueue_indirect_dma source(%dma_start3A_22 : memref<10000x128xf32, #tpu.memory_space<hbm>>) target(%arg9 : memref<128x128xf32, #tpu.memory_space<vmem>>) offsets(%dma_start3A_19 : memref<128xi32, #tpu.memory_space<vmem>>) semaphore(%arg12 : memref<!tpu.dma_semaphore, #tpu.memory_space<semaphore_mem>>)
      %dma_start3A_23 = arith.constant 1 : i32
      %dma_start3A_24 = arith.constant 0 : i32
      %dma_start3A_25 = tpu.memref_slice %arg7[%dma_start3A_23, %dma_start3A_24] : memref<64x128xi32, #tpu.memory_space<vmem>> -> memref<1x128xi32, #tpu.memory_space<vmem>>
      %dma_start3A_26 = tpu.memref_squeeze %dma_start3A_25 : memref<1x128xi32, #tpu.memory_space<vmem>> -> memref<128xi32, #tpu.memory_space<vmem>>
      %dma_start3A_27 = arith.constant 0 : i32
      %dma_start3A_28 = arith.constant 0 : i32
      %dma_start3A_29 = tpu.memref_slice %arg2[%dma_start3A_27, %dma_start3A_28] : memref<10000x128xf32, #tpu.memory_space<hbm>> -> memref<10000x128xf32, #tpu.memory_space<hbm>>
      tpu.enqueue_indirect_dma source(%dma_start3A_29 : memref<10000x128xf32, #tpu.memory_space<hbm>>) target(%arg10 : memref<128x128xf32, #tpu.memory_space<vmem>>) offsets(%dma_start3A_26 : memref<128xi32, #tpu.memory_space<vmem>>) semaphore(%arg13 : memref<!tpu.dma_semaphore, #tpu.memory_space<semaphore_mem>>)
      %scan3A = arith.constant 0 : i32
      %scan3A_30 = arith.constant 0 : i32
      %scan3A_31 = arith.constant 64 : i32
      %scan3A_32 = arith.addi %scan3A_30, %scan3A_31 : i32
      %scan3A_33 = arith.constant 1 : i32
      scf.for %scan3A_48 = %scan3A_30 to %scan3A_32 step %scan3A_33  : i32 {
        %mul3A_49 = arith.constant 2 : i32
        %mul3A_50 = arith.muli %mul3A_49, %scan3A_48 : i32
        %jit3A = arith.constant 32 : i32
        %div3A = arith.divsi %mul3A_50, %jit3A : i32
        %sign3A = arith.constant 0 : i32
        %sign3A_51 = arith.cmpi sgt, %mul3A_50, %sign3A : i32
        %sign3A_52 = arith.extui %sign3A_51 : i1 to i32
        %sign3A_53 = arith.constant 0 : i32
        %sign3A_54 = arith.cmpi slt, %mul3A_50, %sign3A_53 : i32
        %sign3A_55 = arith.extui %sign3A_54 : i1 to i32
        %sign3A_56 = arith.subi %sign3A_52, %sign3A_55 : i32
        %sign3A_57 = arith.constant 0 : i32
        %sign3A_58 = arith.cmpi sgt, %jit3A, %sign3A_57 : i32
        %sign3A_59 = arith.extui %sign3A_58 : i1 to i32
        %sign3A_60 = arith.constant 0 : i32
        %sign3A_61 = arith.cmpi slt, %jit3A, %sign3A_60 : i32
        %sign3A_62 = arith.extui %sign3A_61 : i1 to i32
        %sign3A_63 = arith.subi %sign3A_59, %sign3A_62 : i32
        %ne3A = arith.cmpi ne, %sign3A_56, %sign3A_63 : i32
        %rem3A = arith.remsi %mul3A_50, %jit3A : i32
        %ne3A_64 = arith.constant 0 : i32
        %ne3A_65 = arith.cmpi ne, %rem3A, %ne3A_64 : i32
        %and3A = arith.andi %ne3A, %ne3A_65 : i1
        %sub3A = arith.constant 1 : i32
        %sub3A_66 = arith.subi %div3A, %sub3A : i32
        %select_n3A = arith.select %and3A, %sub3A_66, %div3A : i32
        %mul3A_67 = arith.constant 32 : i32
        %mul3A_68 = arith.muli %select_n3A, %mul3A_67 : i32
        %sub3A_69 = arith.subi %mul3A_50, %mul3A_68 : i32
        %add3A = arith.constant 2 : i32
        %add3A_70 = arith.addi %mul3A_50, %add3A : i32
        %add3A_71 = arith.constant 2 : i32
        %add3A_72 = arith.addi %mul3A_50, %add3A_71 : i32
        %jit3A_73 = arith.constant 64 : i32
        %div3A_74 = arith.divsi %add3A_72, %jit3A_73 : i32
        %sign3A_75 = arith.constant 0 : i32
        %sign3A_76 = arith.cmpi sgt, %add3A_72, %sign3A_75 : i32
        %sign3A_77 = arith.extui %sign3A_76 : i1 to i32
        %sign3A_78 = arith.constant 0 : i32
        %sign3A_79 = arith.cmpi slt, %add3A_72, %sign3A_78 : i32
        %sign3A_80 = arith.extui %sign3A_79 : i1 to i32
        %sign3A_81 = arith.subi %sign3A_77, %sign3A_80 : i32
        %sign3A_82 = arith.constant 0 : i32
        %sign3A_83 = arith.cmpi sgt, %jit3A_73, %sign3A_82 : i32
        %sign3A_84 = arith.extui %sign3A_83 : i1 to i32
        %sign3A_85 = arith.constant 0 : i32
        %sign3A_86 = arith.cmpi slt, %jit3A_73, %sign3A_85 : i32
        %sign3A_87 = arith.extui %sign3A_86 : i1 to i32
        %sign3A_88 = arith.subi %sign3A_84, %sign3A_87 : i32
        %ne3A_89 = arith.cmpi ne, %sign3A_81, %sign3A_88 : i32
        %rem3A_90 = arith.remsi %add3A_72, %jit3A_73 : i32
        %ne3A_91 = arith.constant 0 : i32
        %ne3A_92 = arith.cmpi ne, %rem3A_90, %ne3A_91 : i32
        %and3A_93 = arith.andi %ne3A_89, %ne3A_92 : i1
        %sub3A_94 = arith.constant 1 : i32
        %sub3A_95 = arith.subi %div3A_74, %sub3A_94 : i32
        %select_n3A_96 = arith.select %and3A_93, %sub3A_95, %div3A_74 : i32
        %mul3A_97 = arith.constant 64 : i32
        %mul3A_98 = arith.muli %select_n3A_96, %mul3A_97 : i32
        %sub3A_99 = arith.subi %add3A_70, %mul3A_98 : i32
        %add3A_100 = arith.constant 3 : i32
        %add3A_101 = arith.addi %mul3A_50, %add3A_100 : i32
        %add3A_102 = arith.constant 3 : i32
        %add3A_103 = arith.addi %mul3A_50, %add3A_102 : i32
        %jit3A_104 = arith.constant 64 : i32
        %div3A_105 = arith.divsi %add3A_103, %jit3A_104 : i32
        %sign3A_106 = arith.constant 0 : i32
        %sign3A_107 = arith.cmpi sgt, %add3A_103, %sign3A_106 : i32
        %sign3A_108 = arith.extui %sign3A_107 : i1 to i32
        %sign3A_109 = arith.constant 0 : i32
        %sign3A_110 = arith.cmpi slt, %add3A_103, %sign3A_109 : i32
        %sign3A_111 = arith.extui %sign3A_110 : i1 to i32
        %sign3A_112 = arith.subi %sign3A_108, %sign3A_111 : i32
        %sign3A_113 = arith.constant 0 : i32
        %sign3A_114 = arith.cmpi sgt, %jit3A_104, %sign3A_113 : i32
        %sign3A_115 = arith.extui %sign3A_114 : i1 to i32
        %sign3A_116 = arith.constant 0 : i32
        %sign3A_117 = arith.cmpi slt, %jit3A_104, %sign3A_116 : i32
        %sign3A_118 = arith.extui %sign3A_117 : i1 to i32
        %sign3A_119 = arith.subi %sign3A_115, %sign3A_118 : i32
        %ne3A_120 = arith.cmpi ne, %sign3A_112, %sign3A_119 : i32
        %rem3A_121 = arith.remsi %add3A_103, %jit3A_104 : i32
        %ne3A_122 = arith.constant 0 : i32
        %ne3A_123 = arith.cmpi ne, %rem3A_121, %ne3A_122 : i32
        %and3A_124 = arith.andi %ne3A_120, %ne3A_123 : i1
        %sub3A_125 = arith.constant 1 : i32
        %sub3A_126 = arith.subi %div3A_105, %sub3A_125 : i32
        %select_n3A_127 = arith.select %and3A_124, %sub3A_126, %div3A_105 : i32
        %mul3A_128 = arith.constant 64 : i32
        %mul3A_129 = arith.muli %select_n3A_127, %mul3A_128 : i32
        %sub3A_130 = arith.subi %add3A_101, %mul3A_129 : i32
        %gt3A = arith.constant 0 : i32
        %gt3A_131 = arith.cmpi sgt, %mul3A_50, %gt3A : i32
        %eq3A_132 = arith.constant 0 : i32
        %eq3A_133 = arith.cmpi eq, %sub3A_69, %eq3A_132 : i32
        %and3A_134 = arith.andi %gt3A_131, %eq3A_133 : i1
        %convert_element_type3A_135 = arith.extui %and3A_134 : i1 to i32
        %cond3A_136 = arith.constant 0 : i32
        %cond3A_137 = arith.cmpi ne, %convert_element_type3A_135, %cond3A_136 : i32
        scf.if %cond3A_137 {
          %mul3A_179 = arith.constant 32 : i32
          %mul3A_180 = arith.muli %select_n3A, %mul3A_179 : i32
          %add3A_181 = arith.addi %mul3A_16, %mul3A_180 : i32
          "tpu.region"() ({
            %run_scoped3A = tpu.sem_alloc : memref<!tpu.dma_semaphore, #tpu.memory_space<semaphore_mem>>
            %dma_start3A_182 = arith.constant 0 : i32
            %dma_start3A_183 = arith.constant 0 : i32
            %dma_start3A_184 = tpu.memref_slice %arg8[%dma_start3A_182, %dma_start3A_183] : memref<32x128xi32, #tpu.memory_space<vmem>> -> memref<32x128xi32, #tpu.memory_space<vmem>>
            %dma_start3A_185 = arith.constant 0 : i32
            %dma_start3A_186 = tpu.memref_slice %arg4[%add3A_181, %dma_start3A_185] : memref<2560x128xi32, #tpu.memory_space<hbm>> -> memref<32x128xi32, #tpu.memory_space<hbm>>
            %dma_start3A_187 = arith.constant 0 : i32
            %dma_start3A_188 = arith.constant 0 : i32
            %dma_start3A_189 = tpu.memref_slice %arg8[%dma_start3A_187, %dma_start3A_188] : memref<32x128xi32, #tpu.memory_space<vmem>> -> memref<32x128xi32, #tpu.memory_space<vmem>>
            %dma_start3A_190 = arith.constant 0 : i32
            %dma_start3A_191 = tpu.memref_slice %arg4[%add3A_181, %dma_start3A_190] : memref<2560x128xi32, #tpu.memory_space<hbm>> -> memref<32x128xi32, #tpu.memory_space<hbm>>
            tpu.enqueue_dma source(%dma_start3A_191 : memref<32x128xi32, #tpu.memory_space<hbm>>) target(%dma_start3A_189 : memref<32x128xi32, #tpu.memory_space<vmem>>) target_semaphore(%run_scoped3A : memref<!tpu.dma_semaphore, #tpu.memory_space<semaphore_mem>>)
            %dma_wait3A_192 = arith.constant 0 : i32
            %dma_wait3A_193 = arith.constant 0 : i32
            %dma_wait3A_194 = tpu.memref_slice %arg8[%dma_wait3A_192, %dma_wait3A_193] : memref<32x128xi32, #tpu.memory_space<vmem>> -> memref<32x128xi32, #tpu.memory_space<vmem>>
            %dma_wait3A_195 = arith.constant 0 : i32
            %dma_wait3A_196 = tpu.memref_slice %arg4[%add3A_181, %dma_wait3A_195] : memref<2560x128xi32, #tpu.memory_space<hbm>> -> memref<32x128xi32, #tpu.memory_space<hbm>>
            %dma_wait3A_197 = arith.constant 0 : i32
            %dma_wait3A_198 = arith.constant 0 : i32
            %dma_wait3A_199 = tpu.memref_slice %arg8[%dma_wait3A_197, %dma_wait3A_198] : memref<32x128xi32, #tpu.memory_space<vmem>> -> memref<32x128xi32, #tpu.memory_space<vmem>>
            %dma_wait3A_200 = arith.constant 0 : i32
            %dma_wait3A_201 = tpu.memref_slice %arg4[%add3A_181, %dma_wait3A_200] : memref<2560x128xi32, #tpu.memory_space<hbm>> -> memref<32x128xi32, #tpu.memory_space<hbm>>
            tpu.wait_dma2 semaphore(%run_scoped3A : memref<!tpu.dma_semaphore, #tpu.memory_space<semaphore_mem>>) src(%dma_wait3A_201 : memref<32x128xi32, #tpu.memory_space<hbm>>) dst(%dma_wait3A_199 : memref<32x128xi32, #tpu.memory_space<vmem>>)
            tpu.yield
          }) : () -> ()
        } else {
        }
        %dma_wait3A_138 = arith.constant 0 : i32
        %dma_wait3A_139 = arith.constant 0 : i32
        %dma_wait3A_140 = tpu.memref_slice %arg7[%dma_wait3A_138, %dma_wait3A_139] : memref<64x128xi32, #tpu.memory_space<vmem>> -> memref<1x128xi32, #tpu.memory_space<vmem>>
        %dma_wait3A_141 = tpu.memref_squeeze %dma_wait3A_140 : memref<1x128xi32, #tpu.memory_space<vmem>> -> memref<128xi32, #tpu.memory_space<vmem>>
        %dma_wait3A_142 = arith.constant 0 : i32
        %dma_wait3A_143 = arith.constant 0 : i32
        %dma_wait3A_144 = tpu.memref_slice %arg2[%dma_wait3A_142, %dma_wait3A_143] : memref<10000x128xf32, #tpu.memory_space<hbm>> -> memref<10000x128xf32, #tpu.memory_space<hbm>>
        tpu.wait_indirect_dma semaphore(%arg12 : memref<!tpu.dma_semaphore, #tpu.memory_space<semaphore_mem>>) src(%dma_wait3A_144 : memref<10000x128xf32, #tpu.memory_space<hbm>>) dst(%arg9 : memref<128x128xf32, #tpu.memory_space<vmem>>)
        %dma_start3A_145 = arith.constant 0 : i32
        %dma_start3A_146 = tpu.memref_slice %arg8[%sub3A_69, %dma_start3A_145] : memref<32x128xi32, #tpu.memory_space<vmem>> -> memref<1x128xi32, #tpu.memory_space<vmem>>
        %dma_start3A_147 = tpu.memref_squeeze %dma_start3A_146 : memref<1x128xi32, #tpu.memory_space<vmem>> -> memref<128xi32, #tpu.memory_space<vmem>>
        %dma_start3A_148 = arith.constant 0 : i32
        %dma_start3A_149 = arith.constant 0 : i32
        %dma_start3A_150 = tpu.memref_slice %arg11[%dma_start3A_148, %dma_start3A_149] : memref<10112x128xf32, #tpu.memory_space<vmem_shared>> -> memref<10112x128xf32, #tpu.memory_space<vmem_shared>>
        tpu.enqueue_indirect_dma source(%arg9 : memref<128x128xf32, #tpu.memory_space<vmem>>) target(%dma_start3A_150 : memref<10112x128xf32, #tpu.memory_space<vmem_shared>>) offsets(%dma_start3A_147 : memref<128xi32, #tpu.memory_space<vmem>>) semaphore(%arg14 : memref<!tpu.dma_semaphore, #tpu.memory_space<semaphore_mem>>) {add = true}
        %dma_wait3A_151 = arith.constant 0 : i32
        %dma_wait3A_152 = arith.constant 0 : i32
        %dma_wait3A_153 = tpu.memref_slice %arg7[%dma_wait3A_151, %dma_wait3A_152] : memref<64x128xi32, #tpu.memory_space<vmem>> -> memref<1x128xi32, #tpu.memory_space<vmem>>
        %dma_wait3A_154 = tpu.memref_squeeze %dma_wait3A_153 : memref<1x128xi32, #tpu.memory_space<vmem>> -> memref<128xi32, #tpu.memory_space<vmem>>
        %dma_wait3A_155 = arith.constant 0 : i32
        %dma_wait3A_156 = arith.constant 0 : i32
        %dma_wait3A_157 = tpu.memref_slice %arg2[%dma_wait3A_155, %dma_wait3A_156] : memref<10000x128xf32, #tpu.memory_space<hbm>> -> memref<10000x128xf32, #tpu.memory_space<hbm>>
        tpu.wait_indirect_dma semaphore(%arg13 : memref<!tpu.dma_semaphore, #tpu.memory_space<semaphore_mem>>) src(%dma_wait3A_157 : memref<10000x128xf32, #tpu.memory_space<hbm>>) dst(%arg10 : memref<128x128xf32, #tpu.memory_space<vmem>>)
        %add3A_158 = arith.constant 1 : i32
        %add3A_159 = arith.addi %sub3A_69, %add3A_158 : i32
        %dma_start3A_160 = arith.constant 0 : i32
        %dma_start3A_161 = tpu.memref_slice %arg8[%add3A_159, %dma_start3A_160] : memref<32x128xi32, #tpu.memory_space<vmem>> -> memref<1x128xi32, #tpu.memory_space<vmem>>
        %dma_start3A_162 = tpu.memref_squeeze %dma_start3A_161 : memref<1x128xi32, #tpu.memory_space<vmem>> -> memref<128xi32, #tpu.memory_space<vmem>>
        %dma_start3A_163 = arith.constant 0 : i32
        %dma_start3A_164 = arith.constant 0 : i32
        %dma_start3A_165 = tpu.memref_slice %arg11[%dma_start3A_163, %dma_start3A_164] : memref<10112x128xf32, #tpu.memory_space<vmem_shared>> -> memref<10112x128xf32, #tpu.memory_space<vmem_shared>>
        tpu.enqueue_indirect_dma source(%arg10 : memref<128x128xf32, #tpu.memory_space<vmem>>) target(%dma_start3A_165 : memref<10112x128xf32, #tpu.memory_space<vmem_shared>>) offsets(%dma_start3A_162 : memref<128xi32, #tpu.memory_space<vmem>>) semaphore(%arg15 : memref<!tpu.dma_semaphore, #tpu.memory_space<semaphore_mem>>) {add = true}
        %add3A_166 = arith.constant 2 : i32
        %add3A_167 = arith.addi %mul3A_50, %add3A_166 : i32
        %eq3A_168 = arith.constant 64 : i32
        %eq3A_169 = arith.cmpi eq, %add3A_167, %eq3A_168 : i32
        %convert_element_type3A_170 = arith.extui %eq3A_169 : i1 to i32
        %cond3A_171 = arith.constant 0 : i32
        %cond3A_172 = arith.cmpi ne, %convert_element_type3A_170, %cond3A_171 : i32
        scf.if %cond3A_172 {
          %add3A_179 = arith.constant 64 : i32
          %add3A_180 = arith.addi %mul3A_16, %add3A_179 : i32
          "tpu.region"() ({
            %run_scoped3A = tpu.sem_alloc : memref<!tpu.dma_semaphore, #tpu.memory_space<semaphore_mem>>
            %dma_start3A_181 = arith.constant 0 : i32
            %dma_start3A_182 = arith.constant 0 : i32
            %dma_start3A_183 = tpu.memref_slice %arg7[%dma_start3A_181, %dma_start3A_182] : memref<64x128xi32, #tpu.memory_space<vmem>> -> memref<64x128xi32, #tpu.memory_space<vmem>>
            %dma_start3A_184 = arith.constant 0 : i32
            %dma_start3A_185 = tpu.memref_slice %arg3[%add3A_180, %dma_start3A_184] : memref<2560x128xi32, #tpu.memory_space<hbm>> -> memref<64x128xi32, #tpu.memory_space<hbm>>
            %dma_start3A_186 = arith.constant 0 : i32
            %dma_start3A_187 = arith.constant 0 : i32
            %dma_start3A_188 = tpu.memref_slice %arg7[%dma_start3A_186, %dma_start3A_187] : memref<64x128xi32, #tpu.memory_space<vmem>> -> memref<64x128xi32, #tpu.memory_space<vmem>>
            %dma_start3A_189 = arith.constant 0 : i32
            %dma_start3A_190 = tpu.memref_slice %arg3[%add3A_180, %dma_start3A_189] : memref<2560x128xi32, #tpu.memory_space<hbm>> -> memref<64x128xi32, #tpu.memory_space<hbm>>
            tpu.enqueue_dma source(%dma_start3A_190 : memref<64x128xi32, #tpu.memory_space<hbm>>) target(%dma_start3A_188 : memref<64x128xi32, #tpu.memory_space<vmem>>) target_semaphore(%run_scoped3A : memref<!tpu.dma_semaphore, #tpu.memory_space<semaphore_mem>>)
            %dma_wait3A_191 = arith.constant 0 : i32
            %dma_wait3A_192 = arith.constant 0 : i32
            %dma_wait3A_193 = tpu.memref_slice %arg7[%dma_wait3A_191, %dma_wait3A_192] : memref<64x128xi32, #tpu.memory_space<vmem>> -> memref<64x128xi32, #tpu.memory_space<vmem>>
            %dma_wait3A_194 = arith.constant 0 : i32
            %dma_wait3A_195 = tpu.memref_slice %arg3[%add3A_180, %dma_wait3A_194] : memref<2560x128xi32, #tpu.memory_space<hbm>> -> memref<64x128xi32, #tpu.memory_space<hbm>>
            %dma_wait3A_196 = arith.constant 0 : i32
            %dma_wait3A_197 = arith.constant 0 : i32
            %dma_wait3A_198 = tpu.memref_slice %arg7[%dma_wait3A_196, %dma_wait3A_197] : memref<64x128xi32, #tpu.memory_space<vmem>> -> memref<64x128xi32, #tpu.memory_space<vmem>>
            %dma_wait3A_199 = arith.constant 0 : i32
            %dma_wait3A_200 = tpu.memref_slice %arg3[%add3A_180, %dma_wait3A_199] : memref<2560x128xi32, #tpu.memory_space<hbm>> -> memref<64x128xi32, #tpu.memory_space<hbm>>
            tpu.wait_dma2 semaphore(%run_scoped3A : memref<!tpu.dma_semaphore, #tpu.memory_space<semaphore_mem>>) src(%dma_wait3A_200 : memref<64x128xi32, #tpu.memory_space<hbm>>) dst(%dma_wait3A_198 : memref<64x128xi32, #tpu.memory_space<vmem>>)
            tpu.yield
          }) : () -> ()
        } else {
        }
        %add3A_173 = arith.constant 1 : i32
        %add3A_174 = arith.addi %scan3A_48, %add3A_173 : i32
        %lt3A = arith.constant 64 : i32
        %lt3A_175 = arith.cmpi slt, %add3A_174, %lt3A : i32
        %convert_element_type3A_176 = arith.extui %lt3A_175 : i1 to i32
        %cond3A_177 = arith.constant 0 : i32
        %cond3A_178 = arith.cmpi ne, %convert_element_type3A_176, %cond3A_177 : i32
        scf.if %cond3A_178 {
          %dma_wait3A_179 = arith.constant 0 : i32
          %dma_wait3A_180 = tpu.memref_slice %arg8[%sub3A_69, %dma_wait3A_179] : memref<32x128xi32, #tpu.memory_space<vmem>> -> memref<1x128xi32, #tpu.memory_space<vmem>>
          %dma_wait3A_181 = tpu.memref_squeeze %dma_wait3A_180 : memref<1x128xi32, #tpu.memory_space<vmem>> -> memref<128xi32, #tpu.memory_space<vmem>>
          %dma_wait3A_182 = arith.constant 0 : i32
          %dma_wait3A_183 = arith.constant 0 : i32
          %dma_wait3A_184 = tpu.memref_slice %arg11[%dma_wait3A_182, %dma_wait3A_183] : memref<10112x128xf32, #tpu.memory_space<vmem_shared>> -> memref<10112x128xf32, #tpu.memory_space<vmem_shared>>
          tpu.wait_indirect_dma semaphore(%arg14 : memref<!tpu.dma_semaphore, #tpu.memory_space<semaphore_mem>>) src(%arg9 : memref<128x128xf32, #tpu.memory_space<vmem>>) dst(%dma_wait3A_184 : memref<10112x128xf32, #tpu.memory_space<vmem_shared>>)
          %dma_start3A_185 = arith.constant 0 : i32
          %dma_start3A_186 = tpu.memref_slice %arg7[%sub3A_99, %dma_start3A_185] : memref<64x128xi32, #tpu.memory_space<vmem>> -> memref<1x128xi32, #tpu.memory_space<vmem>>
          %dma_start3A_187 = tpu.memref_squeeze %dma_start3A_186 : memref<1x128xi32, #tpu.memory_space<vmem>> -> memref<128xi32, #tpu.memory_space<vmem>>
          %dma_start3A_188 = arith.constant 0 : i32
          %dma_start3A_189 = arith.constant 0 : i32
          %dma_start3A_190 = tpu.memref_slice %arg2[%dma_start3A_188, %dma_start3A_189] : memref<10000x128xf32, #tpu.memory_space<hbm>> -> memref<10000x128xf32, #tpu.memory_space<hbm>>
          tpu.enqueue_indirect_dma source(%dma_start3A_190 : memref<10000x128xf32, #tpu.memory_space<hbm>>) target(%arg9 : memref<128x128xf32, #tpu.memory_space<vmem>>) offsets(%dma_start3A_187 : memref<128xi32, #tpu.memory_space<vmem>>) semaphore(%arg12 : memref<!tpu.dma_semaphore, #tpu.memory_space<semaphore_mem>>)
          %add3A_191 = arith.constant 1 : i32
          %add3A_192 = arith.addi %sub3A_69, %add3A_191 : i32
          %dma_wait3A_193 = arith.constant 0 : i32
          %dma_wait3A_194 = tpu.memref_slice %arg8[%add3A_192, %dma_wait3A_193] : memref<32x128xi32, #tpu.memory_space<vmem>> -> memref<1x128xi32, #tpu.memory_space<vmem>>
          %dma_wait3A_195 = tpu.memref_squeeze %dma_wait3A_194 : memref<1x128xi32, #tpu.memory_space<vmem>> -> memref<128xi32, #tpu.memory_space<vmem>>
          %dma_wait3A_196 = arith.constant 0 : i32
          %dma_wait3A_197 = arith.constant 0 : i32
          %dma_wait3A_198 = tpu.memref_slice %arg11[%dma_wait3A_196, %dma_wait3A_197] : memref<10112x128xf32, #tpu.memory_space<vmem_shared>> -> memref<10112x128xf32, #tpu.memory_space<vmem_shared>>
          tpu.wait_indirect_dma semaphore(%arg15 : memref<!tpu.dma_semaphore, #tpu.memory_space<semaphore_mem>>) src(%arg10 : memref<128x128xf32, #tpu.memory_space<vmem>>) dst(%dma_wait3A_198 : memref<10112x128xf32, #tpu.memory_space<vmem_shared>>)
          %dma_start3A_199 = arith.constant 0 : i32
          %dma_start3A_200 = tpu.memref_slice %arg7[%sub3A_130, %dma_start3A_199] : memref<64x128xi32, #tpu.memory_space<vmem>> -> memref<1x128xi32, #tpu.memory_space<vmem>>
          %dma_start3A_201 = tpu.memref_squeeze %dma_start3A_200 : memref<1x128xi32, #tpu.memory_space<vmem>> -> memref<128xi32, #tpu.memory_space<vmem>>
          %dma_start3A_202 = arith.constant 0 : i32
          %dma_start3A_203 = arith.constant 0 : i32
          %dma_start3A_204 = tpu.memref_slice %arg2[%dma_start3A_202, %dma_start3A_203] : memref<10000x128xf32, #tpu.memory_space<hbm>> -> memref<10000x128xf32, #tpu.memory_space<hbm>>
          tpu.enqueue_indirect_dma source(%dma_start3A_204 : memref<10000x128xf32, #tpu.memory_space<hbm>>) target(%arg10 : memref<128x128xf32, #tpu.memory_space<vmem>>) offsets(%dma_start3A_201 : memref<128xi32, #tpu.memory_space<vmem>>) semaphore(%arg13 : memref<!tpu.dma_semaphore, #tpu.memory_space<semaphore_mem>>)
        } else {
        }
      }
      %scan3A_34 = arith.constant 64 : i32
      %dma_wait3A = arith.constant 0 : i32
      %dma_wait3A_35 = arith.constant 0 : i32
      %dma_wait3A_36 = tpu.memref_slice %arg8[%dma_wait3A, %dma_wait3A_35] : memref<32x128xi32, #tpu.memory_space<vmem>> -> memref<1x128xi32, #tpu.memory_space<vmem>>
      %dma_wait3A_37 = tpu.memref_squeeze %dma_wait3A_36 : memref<1x128xi32, #tpu.memory_space<vmem>> -> memref<128xi32, #tpu.memory_space<vmem>>
      %dma_wait3A_38 = arith.constant 0 : i32
      %dma_wait3A_39 = arith.constant 0 : i32
      %dma_wait3A_40 = tpu.memref_slice %arg11[%dma_wait3A_38, %dma_wait3A_39] : memref<10112x128xf32, #tpu.memory_space<vmem_shared>> -> memref<10112x128xf32, #tpu.memory_space<vmem_shared>>
      tpu.wait_indirect_dma semaphore(%arg14 : memref<!tpu.dma_semaphore, #tpu.memory_space<semaphore_mem>>) src(%arg9 : memref<128x128xf32, #tpu.memory_space<vmem>>) dst(%dma_wait3A_40 : memref<10112x128xf32, #tpu.memory_space<vmem_shared>>)
      %dma_wait3A_41 = arith.constant 0 : i32
      %dma_wait3A_42 = arith.constant 0 : i32
      %dma_wait3A_43 = tpu.memref_slice %arg8[%dma_wait3A_41, %dma_wait3A_42] : memref<32x128xi32, #tpu.memory_space<vmem>> -> memref<1x128xi32, #tpu.memory_space<vmem>>
      %dma_wait3A_44 = tpu.memref_squeeze %dma_wait3A_43 : memref<1x128xi32, #tpu.memory_space<vmem>> -> memref<128xi32, #tpu.memory_space<vmem>>
      %dma_wait3A_45 = arith.constant 0 : i32
      %dma_wait3A_46 = arith.constant 0 : i32
      %dma_wait3A_47 = tpu.memref_slice %arg11[%dma_wait3A_45, %dma_wait3A_46] : memref<10112x128xf32, #tpu.memory_space<vmem_shared>> -> memref<10112x128xf32, #tpu.memory_space<vmem_shared>>
      tpu.wait_indirect_dma semaphore(%arg15 : memref<!tpu.dma_semaphore, #tpu.memory_space<semaphore_mem>>) src(%arg10 : memref<128x128xf32, #tpu.memory_space<vmem>>) dst(%dma_wait3A_47 : memref<10112x128xf32, #tpu.memory_space<vmem_shared>>)
    } else {
    }
    %eq3A_5 = arith.constant 1 : i32
    %eq3A_6 = arith.cmpi eq, %arg0, %eq3A_5 : i32
    %convert_element_type3A_7 = arith.extui %eq3A_6 : i1 to i32
    %cond3A_8 = arith.constant 0 : i32
    %cond3A_9 = arith.cmpi ne, %convert_element_type3A_7, %cond3A_8 : i32
    scf.if %cond3A_9 {
      %mul3A_15 = arith.constant 32 : i32
      %mul3A_16 = arith.muli %arg1, %mul3A_15 : i32
      %add3A = arith.constant 2048 : i32
      %add3A_17 = arith.addi %add3A, %mul3A_16 : i32
      "tpu.region"() ({
        %run_scoped3A = tpu.sem_alloc : memref<!tpu.dma_semaphore, #tpu.memory_space<semaphore_mem>>
        %dma_start3A_49 = arith.constant 0 : i32
        %dma_start3A_50 = arith.constant 0 : i32
        %dma_start3A_51 = tpu.memref_slice %arg7[%dma_start3A_49, %dma_start3A_50] : memref<64x128xi32, #tpu.memory_space<vmem>> -> memref<16x128xi32, #tpu.memory_space<vmem>>
        %dma_start3A_52 = arith.constant 0 : i32
        %dma_start3A_53 = tpu.memref_slice %arg3[%add3A_17, %dma_start3A_52] : memref<2560x128xi32, #tpu.memory_space<hbm>> -> memref<16x128xi32, #tpu.memory_space<hbm>>
        %dma_start3A_54 = arith.constant 0 : i32
        %dma_start3A_55 = arith.constant 0 : i32
        %dma_start3A_56 = tpu.memref_slice %arg7[%dma_start3A_54, %dma_start3A_55] : memref<64x128xi32, #tpu.memory_space<vmem>> -> memref<16x128xi32, #tpu.memory_space<vmem>>
        %dma_start3A_57 = arith.constant 0 : i32
        %dma_start3A_58 = tpu.memref_slice %arg3[%add3A_17, %dma_start3A_57] : memref<2560x128xi32, #tpu.memory_space<hbm>> -> memref<16x128xi32, #tpu.memory_space<hbm>>
        tpu.enqueue_dma source(%dma_start3A_58 : memref<16x128xi32, #tpu.memory_space<hbm>>) target(%dma_start3A_56 : memref<16x128xi32, #tpu.memory_space<vmem>>) target_semaphore(%run_scoped3A : memref<!tpu.dma_semaphore, #tpu.memory_space<semaphore_mem>>)
        %dma_wait3A_59 = arith.constant 0 : i32
        %dma_wait3A_60 = arith.constant 0 : i32
        %dma_wait3A_61 = tpu.memref_slice %arg7[%dma_wait3A_59, %dma_wait3A_60] : memref<64x128xi32, #tpu.memory_space<vmem>> -> memref<16x128xi32, #tpu.memory_space<vmem>>
        %dma_wait3A_62 = arith.constant 0 : i32
        %dma_wait3A_63 = tpu.memref_slice %arg3[%add3A_17, %dma_wait3A_62] : memref<2560x128xi32, #tpu.memory_space<hbm>> -> memref<16x128xi32, #tpu.memory_space<hbm>>
        %dma_wait3A_64 = arith.constant 0 : i32
        %dma_wait3A_65 = arith.constant 0 : i32
        %dma_wait3A_66 = tpu.memref_slice %arg7[%dma_wait3A_64, %dma_wait3A_65] : memref<64x128xi32, #tpu.memory_space<vmem>> -> memref<16x128xi32, #tpu.memory_space<vmem>>
        %dma_wait3A_67 = arith.constant 0 : i32
        %dma_wait3A_68 = tpu.memref_slice %arg3[%add3A_17, %dma_wait3A_67] : memref<2560x128xi32, #tpu.memory_space<hbm>> -> memref<16x128xi32, #tpu.memory_space<hbm>>
        tpu.wait_dma2 semaphore(%run_scoped3A : memref<!tpu.dma_semaphore, #tpu.memory_space<semaphore_mem>>) src(%dma_wait3A_68 : memref<16x128xi32, #tpu.memory_space<hbm>>) dst(%dma_wait3A_66 : memref<16x128xi32, #tpu.memory_space<vmem>>)
        tpu.yield
      }) : () -> ()
      "tpu.region"() ({
        %run_scoped3A = tpu.sem_alloc : memref<!tpu.dma_semaphore, #tpu.memory_space<semaphore_mem>>
        %dma_start3A_49 = arith.constant 0 : i32
        %dma_start3A_50 = arith.constant 0 : i32
        %dma_start3A_51 = tpu.memref_slice %arg8[%dma_start3A_49, %dma_start3A_50] : memref<32x128xi32, #tpu.memory_space<vmem>> -> memref<8x128xi32, #tpu.memory_space<vmem>>
        %dma_start3A_52 = arith.constant 0 : i32
        %dma_start3A_53 = tpu.memref_slice %arg4[%add3A_17, %dma_start3A_52] : memref<2560x128xi32, #tpu.memory_space<hbm>> -> memref<8x128xi32, #tpu.memory_space<hbm>>
        %dma_start3A_54 = arith.constant 0 : i32
        %dma_start3A_55 = arith.constant 0 : i32
        %dma_start3A_56 = tpu.memref_slice %arg8[%dma_start3A_54, %dma_start3A_55] : memref<32x128xi32, #tpu.memory_space<vmem>> -> memref<8x128xi32, #tpu.memory_space<vmem>>
        %dma_start3A_57 = arith.constant 0 : i32
        %dma_start3A_58 = tpu.memref_slice %arg4[%add3A_17, %dma_start3A_57] : memref<2560x128xi32, #tpu.memory_space<hbm>> -> memref<8x128xi32, #tpu.memory_space<hbm>>
        tpu.enqueue_dma source(%dma_start3A_58 : memref<8x128xi32, #tpu.memory_space<hbm>>) target(%dma_start3A_56 : memref<8x128xi32, #tpu.memory_space<vmem>>) target_semaphore(%run_scoped3A : memref<!tpu.dma_semaphore, #tpu.memory_space<semaphore_mem>>)
        %dma_wait3A_59 = arith.constant 0 : i32
        %dma_wait3A_60 = arith.constant 0 : i32
        %dma_wait3A_61 = tpu.memref_slice %arg8[%dma_wait3A_59, %dma_wait3A_60] : memref<32x128xi32, #tpu.memory_space<vmem>> -> memref<8x128xi32, #tpu.memory_space<vmem>>
        %dma_wait3A_62 = arith.constant 0 : i32
        %dma_wait3A_63 = tpu.memref_slice %arg4[%add3A_17, %dma_wait3A_62] : memref<2560x128xi32, #tpu.memory_space<hbm>> -> memref<8x128xi32, #tpu.memory_space<hbm>>
        %dma_wait3A_64 = arith.constant 0 : i32
        %dma_wait3A_65 = arith.constant 0 : i32
        %dma_wait3A_66 = tpu.memref_slice %arg8[%dma_wait3A_64, %dma_wait3A_65] : memref<32x128xi32, #tpu.memory_space<vmem>> -> memref<8x128xi32, #tpu.memory_space<vmem>>
        %dma_wait3A_67 = arith.constant 0 : i32
        %dma_wait3A_68 = tpu.memref_slice %arg4[%add3A_17, %dma_wait3A_67] : memref<2560x128xi32, #tpu.memory_space<hbm>> -> memref<8x128xi32, #tpu.memory_space<hbm>>
        tpu.wait_dma2 semaphore(%run_scoped3A : memref<!tpu.dma_semaphore, #tpu.memory_space<semaphore_mem>>) src(%dma_wait3A_68 : memref<8x128xi32, #tpu.memory_space<hbm>>) dst(%dma_wait3A_66 : memref<8x128xi32, #tpu.memory_space<vmem>>)
        tpu.yield
      }) : () -> ()
      %dma_start3A = arith.constant 0 : i32
      %dma_start3A_18 = arith.constant 0 : i32
      %dma_start3A_19 = tpu.memref_slice %arg7[%dma_start3A, %dma_start3A_18] : memref<64x128xi32, #tpu.memory_space<vmem>> -> memref<1x128xi32, #tpu.memory_space<vmem>>
      %dma_start3A_20 = tpu.memref_squeeze %dma_start3A_19 : memref<1x128xi32, #tpu.memory_space<vmem>> -> memref<128xi32, #tpu.memory_space<vmem>>
      %dma_start3A_21 = arith.constant 0 : i32
      %dma_start3A_22 = arith.constant 0 : i32
      %dma_start3A_23 = tpu.memref_slice %arg2[%dma_start3A_21, %dma_start3A_22] : memref<10000x128xf32, #tpu.memory_space<hbm>> -> memref<10000x128xf32, #tpu.memory_space<hbm>>
      tpu.enqueue_indirect_dma source(%dma_start3A_23 : memref<10000x128xf32, #tpu.memory_space<hbm>>) target(%arg9 : memref<128x128xf32, #tpu.memory_space<vmem>>) offsets(%dma_start3A_20 : memref<128xi32, #tpu.memory_space<vmem>>) semaphore(%arg12 : memref<!tpu.dma_semaphore, #tpu.memory_space<semaphore_mem>>)
      %dma_start3A_24 = arith.constant 1 : i32
      %dma_start3A_25 = arith.constant 0 : i32
      %dma_start3A_26 = tpu.memref_slice %arg7[%dma_start3A_24, %dma_start3A_25] : memref<64x128xi32, #tpu.memory_space<vmem>> -> memref<1x128xi32, #tpu.memory_space<vmem>>
      %dma_start3A_27 = tpu.memref_squeeze %dma_start3A_26 : memref<1x128xi32, #tpu.memory_space<vmem>> -> memref<128xi32, #tpu.memory_space<vmem>>
      %dma_start3A_28 = arith.constant 0 : i32
      %dma_start3A_29 = arith.constant 0 : i32
      %dma_start3A_30 = tpu.memref_slice %arg2[%dma_start3A_28, %dma_start3A_29] : memref<10000x128xf32, #tpu.memory_space<hbm>> -> memref<10000x128xf32, #tpu.memory_space<hbm>>
      tpu.enqueue_indirect_dma source(%dma_start3A_30 : memref<10000x128xf32, #tpu.memory_space<hbm>>) target(%arg10 : memref<128x128xf32, #tpu.memory_space<vmem>>) offsets(%dma_start3A_27 : memref<128xi32, #tpu.memory_space<vmem>>) semaphore(%arg13 : memref<!tpu.dma_semaphore, #tpu.memory_space<semaphore_mem>>)
      %scan3A = arith.constant 0 : i32
      %scan3A_31 = arith.constant 0 : i32
      %scan3A_32 = arith.constant 16 : i32
      %scan3A_33 = arith.addi %scan3A_31, %scan3A_32 : i32
      %scan3A_34 = arith.constant 1 : i32
      scf.for %scan3A_49 = %scan3A_31 to %scan3A_33 step %scan3A_34  : i32 {
        %mul3A_50 = arith.constant 2 : i32
        %mul3A_51 = arith.muli %mul3A_50, %scan3A_49 : i32
        %jit3A = arith.constant 8 : i32
        %div3A = arith.divsi %mul3A_51, %jit3A : i32
        %sign3A = arith.constant 0 : i32
        %sign3A_52 = arith.cmpi sgt, %mul3A_51, %sign3A : i32
        %sign3A_53 = arith.extui %sign3A_52 : i1 to i32
        %sign3A_54 = arith.constant 0 : i32
        %sign3A_55 = arith.cmpi slt, %mul3A_51, %sign3A_54 : i32
        %sign3A_56 = arith.extui %sign3A_55 : i1 to i32
        %sign3A_57 = arith.subi %sign3A_53, %sign3A_56 : i32
        %sign3A_58 = arith.constant 0 : i32
        %sign3A_59 = arith.cmpi sgt, %jit3A, %sign3A_58 : i32
        %sign3A_60 = arith.extui %sign3A_59 : i1 to i32
        %sign3A_61 = arith.constant 0 : i32
        %sign3A_62 = arith.cmpi slt, %jit3A, %sign3A_61 : i32
        %sign3A_63 = arith.extui %sign3A_62 : i1 to i32
        %sign3A_64 = arith.subi %sign3A_60, %sign3A_63 : i32
        %ne3A = arith.cmpi ne, %sign3A_57, %sign3A_64 : i32
        %rem3A = arith.remsi %mul3A_51, %jit3A : i32
        %ne3A_65 = arith.constant 0 : i32
        %ne3A_66 = arith.cmpi ne, %rem3A, %ne3A_65 : i32
        %and3A = arith.andi %ne3A, %ne3A_66 : i1
        %sub3A = arith.constant 1 : i32
        %sub3A_67 = arith.subi %div3A, %sub3A : i32
        %select_n3A = arith.select %and3A, %sub3A_67, %div3A : i32
        %mul3A_68 = arith.constant 8 : i32
        %mul3A_69 = arith.muli %select_n3A, %mul3A_68 : i32
        %sub3A_70 = arith.subi %mul3A_51, %mul3A_69 : i32
        %add3A_71 = arith.constant 2 : i32
        %add3A_72 = arith.addi %mul3A_51, %add3A_71 : i32
        %add3A_73 = arith.constant 2 : i32
        %add3A_74 = arith.addi %mul3A_51, %add3A_73 : i32
        %jit3A_75 = arith.constant 16 : i32
        %div3A_76 = arith.divsi %add3A_74, %jit3A_75 : i32
        %sign3A_77 = arith.constant 0 : i32
        %sign3A_78 = arith.cmpi sgt, %add3A_74, %sign3A_77 : i32
        %sign3A_79 = arith.extui %sign3A_78 : i1 to i32
        %sign3A_80 = arith.constant 0 : i32
        %sign3A_81 = arith.cmpi slt, %add3A_74, %sign3A_80 : i32
        %sign3A_82 = arith.extui %sign3A_81 : i1 to i32
        %sign3A_83 = arith.subi %sign3A_79, %sign3A_82 : i32
        %sign3A_84 = arith.constant 0 : i32
        %sign3A_85 = arith.cmpi sgt, %jit3A_75, %sign3A_84 : i32
        %sign3A_86 = arith.extui %sign3A_85 : i1 to i32
        %sign3A_87 = arith.constant 0 : i32
        %sign3A_88 = arith.cmpi slt, %jit3A_75, %sign3A_87 : i32
        %sign3A_89 = arith.extui %sign3A_88 : i1 to i32
        %sign3A_90 = arith.subi %sign3A_86, %sign3A_89 : i32
        %ne3A_91 = arith.cmpi ne, %sign3A_83, %sign3A_90 : i32
        %rem3A_92 = arith.remsi %add3A_74, %jit3A_75 : i32
        %ne3A_93 = arith.constant 0 : i32
        %ne3A_94 = arith.cmpi ne, %rem3A_92, %ne3A_93 : i32
        %and3A_95 = arith.andi %ne3A_91, %ne3A_94 : i1
        %sub3A_96 = arith.constant 1 : i32
        %sub3A_97 = arith.subi %div3A_76, %sub3A_96 : i32
        %select_n3A_98 = arith.select %and3A_95, %sub3A_97, %div3A_76 : i32
        %mul3A_99 = arith.constant 16 : i32
        %mul3A_100 = arith.muli %select_n3A_98, %mul3A_99 : i32
        %sub3A_101 = arith.subi %add3A_72, %mul3A_100 : i32
        %add3A_102 = arith.constant 3 : i32
        %add3A_103 = arith.addi %mul3A_51, %add3A_102 : i32
        %add3A_104 = arith.constant 3 : i32
        %add3A_105 = arith.addi %mul3A_51, %add3A_104 : i32
        %jit3A_106 = arith.constant 16 : i32
        %div3A_107 = arith.divsi %add3A_105, %jit3A_106 : i32
        %sign3A_108 = arith.constant 0 : i32
        %sign3A_109 = arith.cmpi sgt, %add3A_105, %sign3A_108 : i32
        %sign3A_110 = arith.extui %sign3A_109 : i1 to i32
        %sign3A_111 = arith.constant 0 : i32
        %sign3A_112 = arith.cmpi slt, %add3A_105, %sign3A_111 : i32
        %sign3A_113 = arith.extui %sign3A_112 : i1 to i32
        %sign3A_114 = arith.subi %sign3A_110, %sign3A_113 : i32
        %sign3A_115 = arith.constant 0 : i32
        %sign3A_116 = arith.cmpi sgt, %jit3A_106, %sign3A_115 : i32
        %sign3A_117 = arith.extui %sign3A_116 : i1 to i32
        %sign3A_118 = arith.constant 0 : i32
        %sign3A_119 = arith.cmpi slt, %jit3A_106, %sign3A_118 : i32
        %sign3A_120 = arith.extui %sign3A_119 : i1 to i32
        %sign3A_121 = arith.subi %sign3A_117, %sign3A_120 : i32
        %ne3A_122 = arith.cmpi ne, %sign3A_114, %sign3A_121 : i32
        %rem3A_123 = arith.remsi %add3A_105, %jit3A_106 : i32
        %ne3A_124 = arith.constant 0 : i32
        %ne3A_125 = arith.cmpi ne, %rem3A_123, %ne3A_124 : i32
        %and3A_126 = arith.andi %ne3A_122, %ne3A_125 : i1
        %sub3A_127 = arith.constant 1 : i32
        %sub3A_128 = arith.subi %div3A_107, %sub3A_127 : i32
        %select_n3A_129 = arith.select %and3A_126, %sub3A_128, %div3A_107 : i32
        %mul3A_130 = arith.constant 16 : i32
        %mul3A_131 = arith.muli %select_n3A_129, %mul3A_130 : i32
        %sub3A_132 = arith.subi %add3A_103, %mul3A_131 : i32
        %gt3A = arith.constant 0 : i32
        %gt3A_133 = arith.cmpi sgt, %mul3A_51, %gt3A : i32
        %eq3A_134 = arith.constant 0 : i32
        %eq3A_135 = arith.cmpi eq, %sub3A_70, %eq3A_134 : i32
        %and3A_136 = arith.andi %gt3A_133, %eq3A_135 : i1
        %convert_element_type3A_137 = arith.extui %and3A_136 : i1 to i32
        %cond3A_138 = arith.constant 0 : i32
        %cond3A_139 = arith.cmpi ne, %convert_element_type3A_137, %cond3A_138 : i32
        scf.if %cond3A_139 {
          %mul3A_181 = arith.constant 8 : i32
          %mul3A_182 = arith.muli %select_n3A, %mul3A_181 : i32
          %add3A_183 = arith.addi %add3A_17, %mul3A_182 : i32
          "tpu.region"() ({
            %run_scoped3A = tpu.sem_alloc : memref<!tpu.dma_semaphore, #tpu.memory_space<semaphore_mem>>
            %dma_start3A_184 = arith.constant 0 : i32
            %dma_start3A_185 = arith.constant 0 : i32
            %dma_start3A_186 = tpu.memref_slice %arg8[%dma_start3A_184, %dma_start3A_185] : memref<32x128xi32, #tpu.memory_space<vmem>> -> memref<8x128xi32, #tpu.memory_space<vmem>>
            %dma_start3A_187 = arith.constant 0 : i32
            %dma_start3A_188 = tpu.memref_slice %arg4[%add3A_183, %dma_start3A_187] : memref<2560x128xi32, #tpu.memory_space<hbm>> -> memref<8x128xi32, #tpu.memory_space<hbm>>
            %dma_start3A_189 = arith.constant 0 : i32
            %dma_start3A_190 = arith.constant 0 : i32
            %dma_start3A_191 = tpu.memref_slice %arg8[%dma_start3A_189, %dma_start3A_190] : memref<32x128xi32, #tpu.memory_space<vmem>> -> memref<8x128xi32, #tpu.memory_space<vmem>>
            %dma_start3A_192 = arith.constant 0 : i32
            %dma_start3A_193 = tpu.memref_slice %arg4[%add3A_183, %dma_start3A_192] : memref<2560x128xi32, #tpu.memory_space<hbm>> -> memref<8x128xi32, #tpu.memory_space<hbm>>
            tpu.enqueue_dma source(%dma_start3A_193 : memref<8x128xi32, #tpu.memory_space<hbm>>) target(%dma_start3A_191 : memref<8x128xi32, #tpu.memory_space<vmem>>) target_semaphore(%run_scoped3A : memref<!tpu.dma_semaphore, #tpu.memory_space<semaphore_mem>>)
            %dma_wait3A_194 = arith.constant 0 : i32
            %dma_wait3A_195 = arith.constant 0 : i32
            %dma_wait3A_196 = tpu.memref_slice %arg8[%dma_wait3A_194, %dma_wait3A_195] : memref<32x128xi32, #tpu.memory_space<vmem>> -> memref<8x128xi32, #tpu.memory_space<vmem>>
            %dma_wait3A_197 = arith.constant 0 : i32
            %dma_wait3A_198 = tpu.memref_slice %arg4[%add3A_183, %dma_wait3A_197] : memref<2560x128xi32, #tpu.memory_space<hbm>> -> memref<8x128xi32, #tpu.memory_space<hbm>>
            %dma_wait3A_199 = arith.constant 0 : i32
            %dma_wait3A_200 = arith.constant 0 : i32
            %dma_wait3A_201 = tpu.memref_slice %arg8[%dma_wait3A_199, %dma_wait3A_200] : memref<32x128xi32, #tpu.memory_space<vmem>> -> memref<8x128xi32, #tpu.memory_space<vmem>>
            %dma_wait3A_202 = arith.constant 0 : i32
            %dma_wait3A_203 = tpu.memref_slice %arg4[%add3A_183, %dma_wait3A_202] : memref<2560x128xi32, #tpu.memory_space<hbm>> -> memref<8x128xi32, #tpu.memory_space<hbm>>
            tpu.wait_dma2 semaphore(%run_scoped3A : memref<!tpu.dma_semaphore, #tpu.memory_space<semaphore_mem>>) src(%dma_wait3A_203 : memref<8x128xi32, #tpu.memory_space<hbm>>) dst(%dma_wait3A_201 : memref<8x128xi32, #tpu.memory_space<vmem>>)
            tpu.yield
          }) : () -> ()
        } else {
        }
        %dma_wait3A_140 = arith.constant 0 : i32
        %dma_wait3A_141 = arith.constant 0 : i32
        %dma_wait3A_142 = tpu.memref_slice %arg7[%dma_wait3A_140, %dma_wait3A_141] : memref<64x128xi32, #tpu.memory_space<vmem>> -> memref<1x128xi32, #tpu.memory_space<vmem>>
        %dma_wait3A_143 = tpu.memref_squeeze %dma_wait3A_142 : memref<1x128xi32, #tpu.memory_space<vmem>> -> memref<128xi32, #tpu.memory_space<vmem>>
        %dma_wait3A_144 = arith.constant 0 : i32
        %dma_wait3A_145 = arith.constant 0 : i32
        %dma_wait3A_146 = tpu.memref_slice %arg2[%dma_wait3A_144, %dma_wait3A_145] : memref<10000x128xf32, #tpu.memory_space<hbm>> -> memref<10000x128xf32, #tpu.memory_space<hbm>>
        tpu.wait_indirect_dma semaphore(%arg12 : memref<!tpu.dma_semaphore, #tpu.memory_space<semaphore_mem>>) src(%dma_wait3A_146 : memref<10000x128xf32, #tpu.memory_space<hbm>>) dst(%arg9 : memref<128x128xf32, #tpu.memory_space<vmem>>)
        %dma_start3A_147 = arith.constant 0 : i32
        %dma_start3A_148 = tpu.memref_slice %arg8[%sub3A_70, %dma_start3A_147] : memref<32x128xi32, #tpu.memory_space<vmem>> -> memref<1x128xi32, #tpu.memory_space<vmem>>
        %dma_start3A_149 = tpu.memref_squeeze %dma_start3A_148 : memref<1x128xi32, #tpu.memory_space<vmem>> -> memref<128xi32, #tpu.memory_space<vmem>>
        %dma_start3A_150 = arith.constant 0 : i32
        %dma_start3A_151 = arith.constant 0 : i32
        %dma_start3A_152 = tpu.memref_slice %arg11[%dma_start3A_150, %dma_start3A_151] : memref<10112x128xf32, #tpu.memory_space<vmem_shared>> -> memref<10112x128xf32, #tpu.memory_space<vmem_shared>>
        tpu.enqueue_indirect_dma source(%arg9 : memref<128x128xf32, #tpu.memory_space<vmem>>) target(%dma_start3A_152 : memref<10112x128xf32, #tpu.memory_space<vmem_shared>>) offsets(%dma_start3A_149 : memref<128xi32, #tpu.memory_space<vmem>>) semaphore(%arg14 : memref<!tpu.dma_semaphore, #tpu.memory_space<semaphore_mem>>) {add = true}
        %dma_wait3A_153 = arith.constant 0 : i32
        %dma_wait3A_154 = arith.constant 0 : i32
        %dma_wait3A_155 = tpu.memref_slice %arg7[%dma_wait3A_153, %dma_wait3A_154] : memref<64x128xi32, #tpu.memory_space<vmem>> -> memref<1x128xi32, #tpu.memory_space<vmem>>
        %dma_wait3A_156 = tpu.memref_squeeze %dma_wait3A_155 : memref<1x128xi32, #tpu.memory_space<vmem>> -> memref<128xi32, #tpu.memory_space<vmem>>
        %dma_wait3A_157 = arith.constant 0 : i32
        %dma_wait3A_158 = arith.constant 0 : i32
        %dma_wait3A_159 = tpu.memref_slice %arg2[%dma_wait3A_157, %dma_wait3A_158] : memref<10000x128xf32, #tpu.memory_space<hbm>> -> memref<10000x128xf32, #tpu.memory_space<hbm>>
        tpu.wait_indirect_dma semaphore(%arg13 : memref<!tpu.dma_semaphore, #tpu.memory_space<semaphore_mem>>) src(%dma_wait3A_159 : memref<10000x128xf32, #tpu.memory_space<hbm>>) dst(%arg10 : memref<128x128xf32, #tpu.memory_space<vmem>>)
        %add3A_160 = arith.constant 1 : i32
        %add3A_161 = arith.addi %sub3A_70, %add3A_160 : i32
        %dma_start3A_162 = arith.constant 0 : i32
        %dma_start3A_163 = tpu.memref_slice %arg8[%add3A_161, %dma_start3A_162] : memref<32x128xi32, #tpu.memory_space<vmem>> -> memref<1x128xi32, #tpu.memory_space<vmem>>
        %dma_start3A_164 = tpu.memref_squeeze %dma_start3A_163 : memref<1x128xi32, #tpu.memory_space<vmem>> -> memref<128xi32, #tpu.memory_space<vmem>>
        %dma_start3A_165 = arith.constant 0 : i32
        %dma_start3A_166 = arith.constant 0 : i32
        %dma_start3A_167 = tpu.memref_slice %arg11[%dma_start3A_165, %dma_start3A_166] : memref<10112x128xf32, #tpu.memory_space<vmem_shared>> -> memref<10112x128xf32, #tpu.memory_space<vmem_shared>>
        tpu.enqueue_indirect_dma source(%arg10 : memref<128x128xf32, #tpu.memory_space<vmem>>) target(%dma_start3A_167 : memref<10112x128xf32, #tpu.memory_space<vmem_shared>>) offsets(%dma_start3A_164 : memref<128xi32, #tpu.memory_space<vmem>>) semaphore(%arg15 : memref<!tpu.dma_semaphore, #tpu.memory_space<semaphore_mem>>) {add = true}
        %add3A_168 = arith.constant 2 : i32
        %add3A_169 = arith.addi %mul3A_51, %add3A_168 : i32
        %eq3A_170 = arith.constant 16 : i32
        %eq3A_171 = arith.cmpi eq, %add3A_169, %eq3A_170 : i32
        %convert_element_type3A_172 = arith.extui %eq3A_171 : i1 to i32
        %cond3A_173 = arith.constant 0 : i32
        %cond3A_174 = arith.cmpi ne, %convert_element_type3A_172, %cond3A_173 : i32
        scf.if %cond3A_174 {
          %add3A_181 = arith.constant 16 : i32
          %add3A_182 = arith.addi %add3A_17, %add3A_181 : i32
          "tpu.region"() ({
            %run_scoped3A = tpu.sem_alloc : memref<!tpu.dma_semaphore, #tpu.memory_space<semaphore_mem>>
            %dma_start3A_183 = arith.constant 0 : i32
            %dma_start3A_184 = arith.constant 0 : i32
            %dma_start3A_185 = tpu.memref_slice %arg7[%dma_start3A_183, %dma_start3A_184] : memref<64x128xi32, #tpu.memory_space<vmem>> -> memref<16x128xi32, #tpu.memory_space<vmem>>
            %dma_start3A_186 = arith.constant 0 : i32
            %dma_start3A_187 = tpu.memref_slice %arg3[%add3A_182, %dma_start3A_186] : memref<2560x128xi32, #tpu.memory_space<hbm>> -> memref<16x128xi32, #tpu.memory_space<hbm>>
            %dma_start3A_188 = arith.constant 0 : i32
            %dma_start3A_189 = arith.constant 0 : i32
            %dma_start3A_190 = tpu.memref_slice %arg7[%dma_start3A_188, %dma_start3A_189] : memref<64x128xi32, #tpu.memory_space<vmem>> -> memref<16x128xi32, #tpu.memory_space<vmem>>
            %dma_start3A_191 = arith.constant 0 : i32
            %dma_start3A_192 = tpu.memref_slice %arg3[%add3A_182, %dma_start3A_191] : memref<2560x128xi32, #tpu.memory_space<hbm>> -> memref<16x128xi32, #tpu.memory_space<hbm>>
            tpu.enqueue_dma source(%dma_start3A_192 : memref<16x128xi32, #tpu.memory_space<hbm>>) target(%dma_start3A_190 : memref<16x128xi32, #tpu.memory_space<vmem>>) target_semaphore(%run_scoped3A : memref<!tpu.dma_semaphore, #tpu.memory_space<semaphore_mem>>)
            %dma_wait3A_193 = arith.constant 0 : i32
            %dma_wait3A_194 = arith.constant 0 : i32
            %dma_wait3A_195 = tpu.memref_slice %arg7[%dma_wait3A_193, %dma_wait3A_194] : memref<64x128xi32, #tpu.memory_space<vmem>> -> memref<16x128xi32, #tpu.memory_space<vmem>>
            %dma_wait3A_196 = arith.constant 0 : i32
            %dma_wait3A_197 = tpu.memref_slice %arg3[%add3A_182, %dma_wait3A_196] : memref<2560x128xi32, #tpu.memory_space<hbm>> -> memref<16x128xi32, #tpu.memory_space<hbm>>
            %dma_wait3A_198 = arith.constant 0 : i32
            %dma_wait3A_199 = arith.constant 0 : i32
            %dma_wait3A_200 = tpu.memref_slice %arg7[%dma_wait3A_198, %dma_wait3A_199] : memref<64x128xi32, #tpu.memory_space<vmem>> -> memref<16x128xi32, #tpu.memory_space<vmem>>
            %dma_wait3A_201 = arith.constant 0 : i32
            %dma_wait3A_202 = tpu.memref_slice %arg3[%add3A_182, %dma_wait3A_201] : memref<2560x128xi32, #tpu.memory_space<hbm>> -> memref<16x128xi32, #tpu.memory_space<hbm>>
            tpu.wait_dma2 semaphore(%run_scoped3A : memref<!tpu.dma_semaphore, #tpu.memory_space<semaphore_mem>>) src(%dma_wait3A_202 : memref<16x128xi32, #tpu.memory_space<hbm>>) dst(%dma_wait3A_200 : memref<16x128xi32, #tpu.memory_space<vmem>>)
            tpu.yield
          }) : () -> ()
        } else {
        }
        %add3A_175 = arith.constant 1 : i32
        %add3A_176 = arith.addi %scan3A_49, %add3A_175 : i32
        %lt3A = arith.constant 16 : i32
        %lt3A_177 = arith.cmpi slt, %add3A_176, %lt3A : i32
        %convert_element_type3A_178 = arith.extui %lt3A_177 : i1 to i32
        %cond3A_179 = arith.constant 0 : i32
        %cond3A_180 = arith.cmpi ne, %convert_element_type3A_178, %cond3A_179 : i32
        scf.if %cond3A_180 {
          %dma_wait3A_181 = arith.constant 0 : i32
          %dma_wait3A_182 = tpu.memref_slice %arg8[%sub3A_70, %dma_wait3A_181] : memref<32x128xi32, #tpu.memory_space<vmem>> -> memref<1x128xi32, #tpu.memory_space<vmem>>
          %dma_wait3A_183 = tpu.memref_squeeze %dma_wait3A_182 : memref<1x128xi32, #tpu.memory_space<vmem>> -> memref<128xi32, #tpu.memory_space<vmem>>
          %dma_wait3A_184 = arith.constant 0 : i32
          %dma_wait3A_185 = arith.constant 0 : i32
          %dma_wait3A_186 = tpu.memref_slice %arg11[%dma_wait3A_184, %dma_wait3A_185] : memref<10112x128xf32, #tpu.memory_space<vmem_shared>> -> memref<10112x128xf32, #tpu.memory_space<vmem_shared>>
          tpu.wait_indirect_dma semaphore(%arg14 : memref<!tpu.dma_semaphore, #tpu.memory_space<semaphore_mem>>) src(%arg9 : memref<128x128xf32, #tpu.memory_space<vmem>>) dst(%dma_wait3A_186 : memref<10112x128xf32, #tpu.memory_space<vmem_shared>>)
          %dma_start3A_187 = arith.constant 0 : i32
          %dma_start3A_188 = tpu.memref_slice %arg7[%sub3A_101, %dma_start3A_187] : memref<64x128xi32, #tpu.memory_space<vmem>> -> memref<1x128xi32, #tpu.memory_space<vmem>>
          %dma_start3A_189 = tpu.memref_squeeze %dma_start3A_188 : memref<1x128xi32, #tpu.memory_space<vmem>> -> memref<128xi32, #tpu.memory_space<vmem>>
          %dma_start3A_190 = arith.constant 0 : i32
          %dma_start3A_191 = arith.constant 0 : i32
          %dma_start3A_192 = tpu.memref_slice %arg2[%dma_start3A_190, %dma_start3A_191] : memref<10000x128xf32, #tpu.memory_space<hbm>> -> memref<10000x128xf32, #tpu.memory_space<hbm>>
          tpu.enqueue_indirect_dma source(%dma_start3A_192 : memref<10000x128xf32, #tpu.memory_space<hbm>>) target(%arg9 : memref<128x128xf32, #tpu.memory_space<vmem>>) offsets(%dma_start3A_189 : memref<128xi32, #tpu.memory_space<vmem>>) semaphore(%arg12 : memref<!tpu.dma_semaphore, #tpu.memory_space<semaphore_mem>>)
          %add3A_193 = arith.constant 1 : i32
          %add3A_194 = arith.addi %sub3A_70, %add3A_193 : i32
          %dma_wait3A_195 = arith.constant 0 : i32
          %dma_wait3A_196 = tpu.memref_slice %arg8[%add3A_194, %dma_wait3A_195] : memref<32x128xi32, #tpu.memory_space<vmem>> -> memref<1x128xi32, #tpu.memory_space<vmem>>
          %dma_wait3A_197 = tpu.memref_squeeze %dma_wait3A_196 : memref<1x128xi32, #tpu.memory_space<vmem>> -> memref<128xi32, #tpu.memory_space<vmem>>
          %dma_wait3A_198 = arith.constant 0 : i32
          %dma_wait3A_199 = arith.constant 0 : i32
          %dma_wait3A_200 = tpu.memref_slice %arg11[%dma_wait3A_198, %dma_wait3A_199] : memref<10112x128xf32, #tpu.memory_space<vmem_shared>> -> memref<10112x128xf32, #tpu.memory_space<vmem_shared>>
          tpu.wait_indirect_dma semaphore(%arg15 : memref<!tpu.dma_semaphore, #tpu.memory_space<semaphore_mem>>) src(%arg10 : memref<128x128xf32, #tpu.memory_space<vmem>>) dst(%dma_wait3A_200 : memref<10112x128xf32, #tpu.memory_space<vmem_shared>>)
          %dma_start3A_201 = arith.constant 0 : i32
          %dma_start3A_202 = tpu.memref_slice %arg7[%sub3A_132, %dma_start3A_201] : memref<64x128xi32, #tpu.memory_space<vmem>> -> memref<1x128xi32, #tpu.memory_space<vmem>>
          %dma_start3A_203 = tpu.memref_squeeze %dma_start3A_202 : memref<1x128xi32, #tpu.memory_space<vmem>> -> memref<128xi32, #tpu.memory_space<vmem>>
          %dma_start3A_204 = arith.constant 0 : i32
          %dma_start3A_205 = arith.constant 0 : i32
          %dma_start3A_206 = tpu.memref_slice %arg2[%dma_start3A_204, %dma_start3A_205] : memref<10000x128xf32, #tpu.memory_space<hbm>> -> memref<10000x128xf32, #tpu.memory_space<hbm>>
          tpu.enqueue_indirect_dma source(%dma_start3A_206 : memref<10000x128xf32, #tpu.memory_space<hbm>>) target(%arg10 : memref<128x128xf32, #tpu.memory_space<vmem>>) offsets(%dma_start3A_203 : memref<128xi32, #tpu.memory_space<vmem>>) semaphore(%arg13 : memref<!tpu.dma_semaphore, #tpu.memory_space<semaphore_mem>>)
        } else {
        }
      }
      %scan3A_35 = arith.constant 16 : i32
      %dma_wait3A = arith.constant 0 : i32
      %dma_wait3A_36 = arith.constant 0 : i32
      %dma_wait3A_37 = tpu.memref_slice %arg8[%dma_wait3A, %dma_wait3A_36] : memref<32x128xi32, #tpu.memory_space<vmem>> -> memref<1x128xi32, #tpu.memory_space<vmem>>
      %dma_wait3A_38 = tpu.memref_squeeze %dma_wait3A_37 : memref<1x128xi32, #tpu.memory_space<vmem>> -> memref<128xi32, #tpu.memory_space<vmem>>
      %dma_wait3A_39 = arith.constant 0 : i32
      %dma_wait3A_40 = arith.constant 0 : i32
      %dma_wait3A_41 = tpu.memref_slice %arg11[%dma_wait3A_39, %dma_wait3A_40] : memref<10112x128xf32, #tpu.memory_space<vmem_shared>> -> memref<10112x128xf32, #tpu.memory_space<vmem_shared>>
      tpu.wait_indirect_dma semaphore(%arg14 : memref<!tpu.dma_semaphore, #tpu.memory_space<semaphore_mem>>) src(%arg9 : memref<128x128xf32, #tpu.memory_space<vmem>>) dst(%dma_wait3A_41 : memref<10112x128xf32, #tpu.memory_space<vmem_shared>>)
      %dma_wait3A_42 = arith.constant 0 : i32
      %dma_wait3A_43 = arith.constant 0 : i32
      %dma_wait3A_44 = tpu.memref_slice %arg8[%dma_wait3A_42, %dma_wait3A_43] : memref<32x128xi32, #tpu.memory_space<vmem>> -> memref<1x128xi32, #tpu.memory_space<vmem>>
      %dma_wait3A_45 = tpu.memref_squeeze %dma_wait3A_44 : memref<1x128xi32, #tpu.memory_space<vmem>> -> memref<128xi32, #tpu.memory_space<vmem>>
      %dma_wait3A_46 = arith.constant 0 : i32
      %dma_wait3A_47 = arith.constant 0 : i32
      %dma_wait3A_48 = tpu.memref_slice %arg11[%dma_wait3A_46, %dma_wait3A_47] : memref<10112x128xf32, #tpu.memory_space<vmem_shared>> -> memref<10112x128xf32, #tpu.memory_space<vmem_shared>>
      tpu.wait_indirect_dma semaphore(%arg15 : memref<!tpu.dma_semaphore, #tpu.memory_space<semaphore_mem>>) src(%arg10 : memref<128x128xf32, #tpu.memory_space<vmem>>) dst(%dma_wait3A_48 : memref<10112x128xf32, #tpu.memory_space<vmem_shared>>)
    } else {
    }
    %barrier3A_10 = arith.constant 0 : index
    tpu.barrier barrier_id(%barrier3A_10)
    %mul3A_11 = arith.constant 632 : i32
    %mul3A_12 = arith.muli %arg1, %mul3A_11 : i32
    %mul3A_13 = arith.constant 632 : i32
    %mul3A_14 = arith.muli %arg1, %mul3A_13 : i32
    "tpu.region"() ({
      %run_scoped3A = tpu.sem_alloc : memref<!tpu.dma_semaphore, #tpu.memory_space<semaphore_mem>>
      %dma_start3A = arith.constant 0 : i32
      %dma_start3A_15 = arith.constant 0 : i32
      %dma_start3A_16 = tpu.memref_slice %arg6[%arg0, %dma_start3A, %dma_start3A_15] : memref<2x10112x128xf32, #tpu.memory_space<hbm>> -> memref<1x10112x128xf32, #tpu.memory_space<hbm>>
      %dma_start3A_17 = tpu.memref_squeeze %dma_start3A_16 : memref<1x10112x128xf32, #tpu.memory_space<hbm>> -> memref<10112x128xf32, #tpu.memory_space<hbm>>
      %dma_start3A_18 = arith.constant 0 : i32
      %dma_start3A_19 = tpu.memref_slice %dma_start3A_17[%mul3A_14, %dma_start3A_18] : memref<10112x128xf32, #tpu.memory_space<hbm>> -> memref<632x128xf32, #tpu.memory_space<hbm>>
      %dma_start3A_20 = arith.constant 0 : i32
      %dma_start3A_21 = tpu.memref_slice %arg11[%mul3A_12, %dma_start3A_20] : memref<10112x128xf32, #tpu.memory_space<vmem_shared>> -> memref<632x128xf32, #tpu.memory_space<vmem_shared>>
      tpu.enqueue_dma source(%dma_start3A_21 : memref<632x128xf32, #tpu.memory_space<vmem_shared>>) target(%dma_start3A_19 : memref<632x128xf32, #tpu.memory_space<hbm>>) target_semaphore(%run_scoped3A : memref<!tpu.dma_semaphore, #tpu.memory_space<semaphore_mem>>)
      %dma_wait3A = arith.constant 0 : i32
      %dma_wait3A_22 = arith.constant 0 : i32
      %dma_wait3A_23 = tpu.memref_slice %arg6[%arg0, %dma_wait3A, %dma_wait3A_22] : memref<2x10112x128xf32, #tpu.memory_space<hbm>> -> memref<1x10112x128xf32, #tpu.memory_space<hbm>>
      %dma_wait3A_24 = tpu.memref_squeeze %dma_wait3A_23 : memref<1x10112x128xf32, #tpu.memory_space<hbm>> -> memref<10112x128xf32, #tpu.memory_space<hbm>>
      %dma_wait3A_25 = arith.constant 0 : i32
      %dma_wait3A_26 = tpu.memref_slice %dma_wait3A_24[%mul3A_14, %dma_wait3A_25] : memref<10112x128xf32, #tpu.memory_space<hbm>> -> memref<632x128xf32, #tpu.memory_space<hbm>>
      %dma_wait3A_27 = arith.constant 0 : i32
      %dma_wait3A_28 = tpu.memref_slice %arg11[%mul3A_12, %dma_wait3A_27] : memref<10112x128xf32, #tpu.memory_space<vmem_shared>> -> memref<632x128xf32, #tpu.memory_space<vmem_shared>>
      tpu.wait_dma2 semaphore(%run_scoped3A : memref<!tpu.dma_semaphore, #tpu.memory_space<semaphore_mem>>) src(%dma_wait3A_28 : memref<632x128xf32, #tpu.memory_space<vmem_shared>>) dst(%dma_wait3A_26 : memref<632x128xf32, #tpu.memory_space<hbm>>)
      tpu.yield
    }) : () -> ()
    return
  }
}

#map = affine_map<(d0, d1) -> (0, 0)>
#map1 = affine_map<(d0, d1) -> (0, 0, 0)>
module attributes {stable_mosaic.version = 14 : i64} {
  func.func @_sc_agg(%arg0: i32, %arg1: i32, %arg2: memref<10000x128xf32, #tpu.memory_space<hbm>>, %arg3: memref<2560x128xi32, #tpu.memory_space<hbm>>, %arg4: memref<2560x128xi32, #tpu.memory_space<hbm>>, %arg5: memref<10112x128xf32, #tpu.memory_space<hbm>>, %arg6: memref<2x10112x128xf32, #tpu.memory_space<hbm>>, %arg7: memref<64x128xi32, #tpu.memory_space<vmem>>, %arg8: memref<32x128xi32, #tpu.memory_space<vmem>>, %arg9: memref<128x128xf32, #tpu.memory_space<vmem>>, %arg10: memref<128x128xf32, #tpu.memory_space<vmem>>, %arg11: memref<10112x128xf32, #tpu.memory_space<vmem_shared>>, %arg12: memref<!tpu.dma_semaphore, #tpu.memory_space<semaphore_mem>>, %arg13: memref<!tpu.dma_semaphore, #tpu.memory_space<semaphore_mem>>, %arg14: memref<!tpu.dma_semaphore, #tpu.memory_space<semaphore_mem>>, %arg15: memref<!tpu.dma_semaphore, #tpu.memory_space<semaphore_mem>>) attributes {dimension_semantics = [#tpu.dimension_semantics<core_parallel>, #tpu.dimension_semantics<subcore_parallel>], iteration_bounds = array<i64: 2, 16>, scalar_prefetch = 0 : i64, scratch_operands = 9 : i64, tpu.core_type = #tpu.core_type<sc_vector_subcore>, window_params = [{transform_indices = #map}, {transform_indices = #map}, {transform_indices = #map}, {transform_indices = #map}, {transform_indices = #map1}]} {
    %mul3A = arith.constant 632 : i32
    %mul3A_0 = arith.muli %arg1, %mul3A : i32
    %mul3A_1 = arith.constant 632 : i32
    %mul3A_2 = arith.muli %arg1, %mul3A_1 : i32
    "tpu.region"() ({
      %run_scoped3A = tpu.sem_alloc : memref<!tpu.dma_semaphore, #tpu.memory_space<semaphore_mem>>
      %dma_start3A = arith.constant 0 : i32
      %dma_start3A_15 = tpu.memref_slice %arg11[%mul3A_2, %dma_start3A] : memref<10112x128xf32, #tpu.memory_space<vmem_shared>> -> memref<632x128xf32, #tpu.memory_space<vmem_shared>>
      %dma_start3A_16 = arith.constant 0 : i32
      %dma_start3A_17 = tpu.memref_slice %arg5[%mul3A_0, %dma_start3A_16] : memref<10112x128xf32, #tpu.memory_space<hbm>> -> memref<632x128xf32, #tpu.memory_space<hbm>>
      tpu.enqueue_dma source(%dma_start3A_17 : memref<632x128xf32, #tpu.memory_space<hbm>>) target(%dma_start3A_15 : memref<632x128xf32, #tpu.memory_space<vmem_shared>>) target_semaphore(%run_scoped3A : memref<!tpu.dma_semaphore, #tpu.memory_space<semaphore_mem>>)
      %dma_wait3A = arith.constant 0 : i32
      %dma_wait3A_18 = tpu.memref_slice %arg11[%mul3A_2, %dma_wait3A] : memref<10112x128xf32, #tpu.memory_space<vmem_shared>> -> memref<632x128xf32, #tpu.memory_space<vmem_shared>>
      %dma_wait3A_19 = arith.constant 0 : i32
      %dma_wait3A_20 = tpu.memref_slice %arg5[%mul3A_0, %dma_wait3A_19] : memref<10112x128xf32, #tpu.memory_space<hbm>> -> memref<632x128xf32, #tpu.memory_space<hbm>>
      tpu.wait_dma2 semaphore(%run_scoped3A : memref<!tpu.dma_semaphore, #tpu.memory_space<semaphore_mem>>) src(%dma_wait3A_20 : memref<632x128xf32, #tpu.memory_space<hbm>>) dst(%dma_wait3A_18 : memref<632x128xf32, #tpu.memory_space<vmem_shared>>)
      tpu.yield
    }) : () -> ()
    %barrier3A = arith.constant 0 : index
    tpu.barrier barrier_id(%barrier3A)
    %eq3A = arith.constant 0 : i32
    %eq3A_3 = arith.cmpi eq, %arg0, %eq3A : i32
    %convert_element_type3A = arith.extui %eq3A_3 : i1 to i32
    %cond3A = arith.constant 0 : i32
    %cond3A_4 = arith.cmpi ne, %convert_element_type3A, %cond3A : i32
    scf.if %cond3A_4 {
      %mul3A_15 = arith.constant 128 : i32
      %mul3A_16 = arith.muli %arg1, %mul3A_15 : i32
      "tpu.region"() ({
        %run_scoped3A = tpu.sem_alloc : memref<!tpu.dma_semaphore, #tpu.memory_space<semaphore_mem>>
        %dma_start3A_48 = arith.constant 0 : i32
        %dma_start3A_49 = arith.constant 0 : i32
        %dma_start3A_50 = tpu.memref_slice %arg7[%dma_start3A_48, %dma_start3A_49] : memref<64x128xi32, #tpu.memory_space<vmem>> -> memref<64x128xi32, #tpu.memory_space<vmem>>
        %dma_start3A_51 = arith.constant 0 : i32
        %dma_start3A_52 = tpu.memref_slice %arg3[%mul3A_16, %dma_start3A_51] : memref<2560x128xi32, #tpu.memory_space<hbm>> -> memref<64x128xi32, #tpu.memory_space<hbm>>
        %dma_start3A_53 = arith.constant 0 : i32
        %dma_start3A_54 = arith.constant 0 : i32
        %dma_start3A_55 = tpu.memref_slice %arg7[%dma_start3A_53, %dma_start3A_54] : memref<64x128xi32, #tpu.memory_space<vmem>> -> memref<64x128xi32, #tpu.memory_space<vmem>>
        %dma_start3A_56 = arith.constant 0 : i32
        %dma_start3A_57 = tpu.memref_slice %arg3[%mul3A_16, %dma_start3A_56] : memref<2560x128xi32, #tpu.memory_space<hbm>> -> memref<64x128xi32, #tpu.memory_space<hbm>>
        tpu.enqueue_dma source(%dma_start3A_57 : memref<64x128xi32, #tpu.memory_space<hbm>>) target(%dma_start3A_55 : memref<64x128xi32, #tpu.memory_space<vmem>>) target_semaphore(%run_scoped3A : memref<!tpu.dma_semaphore, #tpu.memory_space<semaphore_mem>>)
        %dma_wait3A_58 = arith.constant 0 : i32
        %dma_wait3A_59 = arith.constant 0 : i32
        %dma_wait3A_60 = tpu.memref_slice %arg7[%dma_wait3A_58, %dma_wait3A_59] : memref<64x128xi32, #tpu.memory_space<vmem>> -> memref<64x128xi32, #tpu.memory_space<vmem>>
        %dma_wait3A_61 = arith.constant 0 : i32
        %dma_wait3A_62 = tpu.memref_slice %arg3[%mul3A_16, %dma_wait3A_61] : memref<2560x128xi32, #tpu.memory_space<hbm>> -> memref<64x128xi32, #tpu.memory_space<hbm>>
        %dma_wait3A_63 = arith.constant 0 : i32
        %dma_wait3A_64 = arith.constant 0 : i32
        %dma_wait3A_65 = tpu.memref_slice %arg7[%dma_wait3A_63, %dma_wait3A_64] : memref<64x128xi32, #tpu.memory_space<vmem>> -> memref<64x128xi32, #tpu.memory_space<vmem>>
        %dma_wait3A_66 = arith.constant 0 : i32
        %dma_wait3A_67 = tpu.memref_slice %arg3[%mul3A_16, %dma_wait3A_66] : memref<2560x128xi32, #tpu.memory_space<hbm>> -> memref<64x128xi32, #tpu.memory_space<hbm>>
        tpu.wait_dma2 semaphore(%run_scoped3A : memref<!tpu.dma_semaphore, #tpu.memory_space<semaphore_mem>>) src(%dma_wait3A_67 : memref<64x128xi32, #tpu.memory_space<hbm>>) dst(%dma_wait3A_65 : memref<64x128xi32, #tpu.memory_space<vmem>>)
        tpu.yield
      }) : () -> ()
      "tpu.region"() ({
        %run_scoped3A = tpu.sem_alloc : memref<!tpu.dma_semaphore, #tpu.memory_space<semaphore_mem>>
        %dma_start3A_48 = arith.constant 0 : i32
        %dma_start3A_49 = arith.constant 0 : i32
        %dma_start3A_50 = tpu.memref_slice %arg8[%dma_start3A_48, %dma_start3A_49] : memref<32x128xi32, #tpu.memory_space<vmem>> -> memref<32x128xi32, #tpu.memory_space<vmem>>
        %dma_start3A_51 = arith.constant 0 : i32
        %dma_start3A_52 = tpu.memref_slice %arg4[%mul3A_16, %dma_start3A_51] : memref<2560x128xi32, #tpu.memory_space<hbm>> -> memref<32x128xi32, #tpu.memory_space<hbm>>
        %dma_start3A_53 = arith.constant 0 : i32
        %dma_start3A_54 = arith.constant 0 : i32
        %dma_start3A_55 = tpu.memref_slice %arg8[%dma_start3A_53, %dma_start3A_54] : memref<32x128xi32, #tpu.memory_space<vmem>> -> memref<32x128xi32, #tpu.memory_space<vmem>>
        %dma_start3A_56 = arith.constant 0 : i32
        %dma_start3A_57 = tpu.memref_slice %arg4[%mul3A_16, %dma_start3A_56] : memref<2560x128xi32, #tpu.memory_space<hbm>> -> memref<32x128xi32, #tpu.memory_space<hbm>>
        tpu.enqueue_dma source(%dma_start3A_57 : memref<32x128xi32, #tpu.memory_space<hbm>>) target(%dma_start3A_55 : memref<32x128xi32, #tpu.memory_space<vmem>>) target_semaphore(%run_scoped3A : memref<!tpu.dma_semaphore, #tpu.memory_space<semaphore_mem>>)
        %dma_wait3A_58 = arith.constant 0 : i32
        %dma_wait3A_59 = arith.constant 0 : i32
        %dma_wait3A_60 = tpu.memref_slice %arg8[%dma_wait3A_58, %dma_wait3A_59] : memref<32x128xi32, #tpu.memory_space<vmem>> -> memref<32x128xi32, #tpu.memory_space<vmem>>
        %dma_wait3A_61 = arith.constant 0 : i32
        %dma_wait3A_62 = tpu.memref_slice %arg4[%mul3A_16, %dma_wait3A_61] : memref<2560x128xi32, #tpu.memory_space<hbm>> -> memref<32x128xi32, #tpu.memory_space<hbm>>
        %dma_wait3A_63 = arith.constant 0 : i32
        %dma_wait3A_64 = arith.constant 0 : i32
        %dma_wait3A_65 = tpu.memref_slice %arg8[%dma_wait3A_63, %dma_wait3A_64] : memref<32x128xi32, #tpu.memory_space<vmem>> -> memref<32x128xi32, #tpu.memory_space<vmem>>
        %dma_wait3A_66 = arith.constant 0 : i32
        %dma_wait3A_67 = tpu.memref_slice %arg4[%mul3A_16, %dma_wait3A_66] : memref<2560x128xi32, #tpu.memory_space<hbm>> -> memref<32x128xi32, #tpu.memory_space<hbm>>
        tpu.wait_dma2 semaphore(%run_scoped3A : memref<!tpu.dma_semaphore, #tpu.memory_space<semaphore_mem>>) src(%dma_wait3A_67 : memref<32x128xi32, #tpu.memory_space<hbm>>) dst(%dma_wait3A_65 : memref<32x128xi32, #tpu.memory_space<vmem>>)
        tpu.yield
      }) : () -> ()
      %dma_start3A = arith.constant 0 : i32
      %dma_start3A_17 = arith.constant 0 : i32
      %dma_start3A_18 = tpu.memref_slice %arg7[%dma_start3A, %dma_start3A_17] : memref<64x128xi32, #tpu.memory_space<vmem>> -> memref<1x128xi32, #tpu.memory_space<vmem>>
      %dma_start3A_19 = tpu.memref_squeeze %dma_start3A_18 : memref<1x128xi32, #tpu.memory_space<vmem>> -> memref<128xi32, #tpu.memory_space<vmem>>
      %dma_start3A_20 = arith.constant 0 : i32
      %dma_start3A_21 = arith.constant 0 : i32
      %dma_start3A_22 = tpu.memref_slice %arg2[%dma_start3A_20, %dma_start3A_21] : memref<10000x128xf32, #tpu.memory_space<hbm>> -> memref<10000x128xf32, #tpu.memory_space<hbm>>
      tpu.enqueue_indirect_dma source(%dma_start3A_22 : memref<10000x128xf32, #tpu.memory_space<hbm>>) target(%arg9 : memref<128x128xf32, #tpu.memory_space<vmem>>) offsets(%dma_start3A_19 : memref<128xi32, #tpu.memory_space<vmem>>) semaphore(%arg12 : memref<!tpu.dma_semaphore, #tpu.memory_space<semaphore_mem>>)
      %dma_start3A_23 = arith.constant 1 : i32
      %dma_start3A_24 = arith.constant 0 : i32
      %dma_start3A_25 = tpu.memref_slice %arg7[%dma_start3A_23, %dma_start3A_24] : memref<64x128xi32, #tpu.memory_space<vmem>> -> memref<1x128xi32, #tpu.memory_space<vmem>>
      %dma_start3A_26 = tpu.memref_squeeze %dma_start3A_25 : memref<1x128xi32, #tpu.memory_space<vmem>> -> memref<128xi32, #tpu.memory_space<vmem>>
      %dma_start3A_27 = arith.constant 0 : i32
      %dma_start3A_28 = arith.constant 0 : i32
      %dma_start3A_29 = tpu.memref_slice %arg2[%dma_start3A_27, %dma_start3A_28] : memref<10000x128xf32, #tpu.memory_space<hbm>> -> memref<10000x128xf32, #tpu.memory_space<hbm>>
      tpu.enqueue_indirect_dma source(%dma_start3A_29 : memref<10000x128xf32, #tpu.memory_space<hbm>>) target(%arg10 : memref<128x128xf32, #tpu.memory_space<vmem>>) offsets(%dma_start3A_26 : memref<128xi32, #tpu.memory_space<vmem>>) semaphore(%arg13 : memref<!tpu.dma_semaphore, #tpu.memory_space<semaphore_mem>>)
      %scan3A = arith.constant 0 : i32
      %scan3A_30 = arith.constant 0 : i32
      %scan3A_31 = arith.constant 64 : i32
      %scan3A_32 = arith.addi %scan3A_30, %scan3A_31 : i32
      %scan3A_33 = arith.constant 1 : i32
      scf.for %scan3A_48 = %scan3A_30 to %scan3A_32 step %scan3A_33  : i32 {
        %mul3A_49 = arith.constant 2 : i32
        %mul3A_50 = arith.muli %mul3A_49, %scan3A_48 : i32
        %jit3A = arith.constant 32 : i32
        %div3A = arith.divsi %mul3A_50, %jit3A : i32
        %sign3A = arith.constant 0 : i32
        %sign3A_51 = arith.cmpi sgt, %mul3A_50, %sign3A : i32
        %sign3A_52 = arith.extui %sign3A_51 : i1 to i32
        %sign3A_53 = arith.constant 0 : i32
        %sign3A_54 = arith.cmpi slt, %mul3A_50, %sign3A_53 : i32
        %sign3A_55 = arith.extui %sign3A_54 : i1 to i32
        %sign3A_56 = arith.subi %sign3A_52, %sign3A_55 : i32
        %sign3A_57 = arith.constant 0 : i32
        %sign3A_58 = arith.cmpi sgt, %jit3A, %sign3A_57 : i32
        %sign3A_59 = arith.extui %sign3A_58 : i1 to i32
        %sign3A_60 = arith.constant 0 : i32
        %sign3A_61 = arith.cmpi slt, %jit3A, %sign3A_60 : i32
        %sign3A_62 = arith.extui %sign3A_61 : i1 to i32
        %sign3A_63 = arith.subi %sign3A_59, %sign3A_62 : i32
        %ne3A = arith.cmpi ne, %sign3A_56, %sign3A_63 : i32
        %rem3A = arith.remsi %mul3A_50, %jit3A : i32
        %ne3A_64 = arith.constant 0 : i32
        %ne3A_65 = arith.cmpi ne, %rem3A, %ne3A_64 : i32
        %and3A = arith.andi %ne3A, %ne3A_65 : i1
        %sub3A = arith.constant 1 : i32
        %sub3A_66 = arith.subi %div3A, %sub3A : i32
        %select_n3A = arith.select %and3A, %sub3A_66, %div3A : i32
        %mul3A_67 = arith.constant 32 : i32
        %mul3A_68 = arith.muli %select_n3A, %mul3A_67 : i32
        %sub3A_69 = arith.subi %mul3A_50, %mul3A_68 : i32
        %add3A = arith.constant 2 : i32
        %add3A_70 = arith.addi %mul3A_50, %add3A : i32
        %add3A_71 = arith.constant 2 : i32
        %add3A_72 = arith.addi %mul3A_50, %add3A_71 : i32
        %jit3A_73 = arith.constant 64 : i32
        %div3A_74 = arith.divsi %add3A_72, %jit3A_73 : i32
        %sign3A_75 = arith.constant 0 : i32
        %sign3A_76 = arith.cmpi sgt, %add3A_72, %sign3A_75 : i32
        %sign3A_77 = arith.extui %sign3A_76 : i1 to i32
        %sign3A_78 = arith.constant 0 : i32
        %sign3A_79 = arith.cmpi slt, %add3A_72, %sign3A_78 : i32
        %sign3A_80 = arith.extui %sign3A_79 : i1 to i32
        %sign3A_81 = arith.subi %sign3A_77, %sign3A_80 : i32
        %sign3A_82 = arith.constant 0 : i32
        %sign3A_83 = arith.cmpi sgt, %jit3A_73, %sign3A_82 : i32
        %sign3A_84 = arith.extui %sign3A_83 : i1 to i32
        %sign3A_85 = arith.constant 0 : i32
        %sign3A_86 = arith.cmpi slt, %jit3A_73, %sign3A_85 : i32
        %sign3A_87 = arith.extui %sign3A_86 : i1 to i32
        %sign3A_88 = arith.subi %sign3A_84, %sign3A_87 : i32
        %ne3A_89 = arith.cmpi ne, %sign3A_81, %sign3A_88 : i32
        %rem3A_90 = arith.remsi %add3A_72, %jit3A_73 : i32
        %ne3A_91 = arith.constant 0 : i32
        %ne3A_92 = arith.cmpi ne, %rem3A_90, %ne3A_91 : i32
        %and3A_93 = arith.andi %ne3A_89, %ne3A_92 : i1
        %sub3A_94 = arith.constant 1 : i32
        %sub3A_95 = arith.subi %div3A_74, %sub3A_94 : i32
        %select_n3A_96 = arith.select %and3A_93, %sub3A_95, %div3A_74 : i32
        %mul3A_97 = arith.constant 64 : i32
        %mul3A_98 = arith.muli %select_n3A_96, %mul3A_97 : i32
        %sub3A_99 = arith.subi %add3A_70, %mul3A_98 : i32
        %add3A_100 = arith.constant 3 : i32
        %add3A_101 = arith.addi %mul3A_50, %add3A_100 : i32
        %add3A_102 = arith.constant 3 : i32
        %add3A_103 = arith.addi %mul3A_50, %add3A_102 : i32
        %jit3A_104 = arith.constant 64 : i32
        %div3A_105 = arith.divsi %add3A_103, %jit3A_104 : i32
        %sign3A_106 = arith.constant 0 : i32
        %sign3A_107 = arith.cmpi sgt, %add3A_103, %sign3A_106 : i32
        %sign3A_108 = arith.extui %sign3A_107 : i1 to i32
        %sign3A_109 = arith.constant 0 : i32
        %sign3A_110 = arith.cmpi slt, %add3A_103, %sign3A_109 : i32
        %sign3A_111 = arith.extui %sign3A_110 : i1 to i32
        %sign3A_112 = arith.subi %sign3A_108, %sign3A_111 : i32
        %sign3A_113 = arith.constant 0 : i32
        %sign3A_114 = arith.cmpi sgt, %jit3A_104, %sign3A_113 : i32
        %sign3A_115 = arith.extui %sign3A_114 : i1 to i32
        %sign3A_116 = arith.constant 0 : i32
        %sign3A_117 = arith.cmpi slt, %jit3A_104, %sign3A_116 : i32
        %sign3A_118 = arith.extui %sign3A_117 : i1 to i32
        %sign3A_119 = arith.subi %sign3A_115, %sign3A_118 : i32
        %ne3A_120 = arith.cmpi ne, %sign3A_112, %sign3A_119 : i32
        %rem3A_121 = arith.remsi %add3A_103, %jit3A_104 : i32
        %ne3A_122 = arith.constant 0 : i32
        %ne3A_123 = arith.cmpi ne, %rem3A_121, %ne3A_122 : i32
        %and3A_124 = arith.andi %ne3A_120, %ne3A_123 : i1
        %sub3A_125 = arith.constant 1 : i32
        %sub3A_126 = arith.subi %div3A_105, %sub3A_125 : i32
        %select_n3A_127 = arith.select %and3A_124, %sub3A_126, %div3A_105 : i32
        %mul3A_128 = arith.constant 64 : i32
        %mul3A_129 = arith.muli %select_n3A_127, %mul3A_128 : i32
        %sub3A_130 = arith.subi %add3A_101, %mul3A_129 : i32
        %gt3A = arith.constant 0 : i32
        %gt3A_131 = arith.cmpi sgt, %mul3A_50, %gt3A : i32
        %eq3A_132 = arith.constant 0 : i32
        %eq3A_133 = arith.cmpi eq, %sub3A_69, %eq3A_132 : i32
        %and3A_134 = arith.andi %gt3A_131, %eq3A_133 : i1
        %convert_element_type3A_135 = arith.extui %and3A_134 : i1 to i32
        %cond3A_136 = arith.constant 0 : i32
        %cond3A_137 = arith.cmpi ne, %convert_element_type3A_135, %cond3A_136 : i32
        scf.if %cond3A_137 {
          %mul3A_179 = arith.constant 32 : i32
          %mul3A_180 = arith.muli %select_n3A, %mul3A_179 : i32
          %add3A_181 = arith.addi %mul3A_16, %mul3A_180 : i32
          "tpu.region"() ({
            %run_scoped3A = tpu.sem_alloc : memref<!tpu.dma_semaphore, #tpu.memory_space<semaphore_mem>>
            %dma_start3A_182 = arith.constant 0 : i32
            %dma_start3A_183 = arith.constant 0 : i32
            %dma_start3A_184 = tpu.memref_slice %arg8[%dma_start3A_182, %dma_start3A_183] : memref<32x128xi32, #tpu.memory_space<vmem>> -> memref<32x128xi32, #tpu.memory_space<vmem>>
            %dma_start3A_185 = arith.constant 0 : i32
            %dma_start3A_186 = tpu.memref_slice %arg4[%add3A_181, %dma_start3A_185] : memref<2560x128xi32, #tpu.memory_space<hbm>> -> memref<32x128xi32, #tpu.memory_space<hbm>>
            %dma_start3A_187 = arith.constant 0 : i32
            %dma_start3A_188 = arith.constant 0 : i32
            %dma_start3A_189 = tpu.memref_slice %arg8[%dma_start3A_187, %dma_start3A_188] : memref<32x128xi32, #tpu.memory_space<vmem>> -> memref<32x128xi32, #tpu.memory_space<vmem>>
            %dma_start3A_190 = arith.constant 0 : i32
            %dma_start3A_191 = tpu.memref_slice %arg4[%add3A_181, %dma_start3A_190] : memref<2560x128xi32, #tpu.memory_space<hbm>> -> memref<32x128xi32, #tpu.memory_space<hbm>>
            tpu.enqueue_dma source(%dma_start3A_191 : memref<32x128xi32, #tpu.memory_space<hbm>>) target(%dma_start3A_189 : memref<32x128xi32, #tpu.memory_space<vmem>>) target_semaphore(%run_scoped3A : memref<!tpu.dma_semaphore, #tpu.memory_space<semaphore_mem>>)
            %dma_wait3A_192 = arith.constant 0 : i32
            %dma_wait3A_193 = arith.constant 0 : i32
            %dma_wait3A_194 = tpu.memref_slice %arg8[%dma_wait3A_192, %dma_wait3A_193] : memref<32x128xi32, #tpu.memory_space<vmem>> -> memref<32x128xi32, #tpu.memory_space<vmem>>
            %dma_wait3A_195 = arith.constant 0 : i32
            %dma_wait3A_196 = tpu.memref_slice %arg4[%add3A_181, %dma_wait3A_195] : memref<2560x128xi32, #tpu.memory_space<hbm>> -> memref<32x128xi32, #tpu.memory_space<hbm>>
            %dma_wait3A_197 = arith.constant 0 : i32
            %dma_wait3A_198 = arith.constant 0 : i32
            %dma_wait3A_199 = tpu.memref_slice %arg8[%dma_wait3A_197, %dma_wait3A_198] : memref<32x128xi32, #tpu.memory_space<vmem>> -> memref<32x128xi32, #tpu.memory_space<vmem>>
            %dma_wait3A_200 = arith.constant 0 : i32
            %dma_wait3A_201 = tpu.memref_slice %arg4[%add3A_181, %dma_wait3A_200] : memref<2560x128xi32, #tpu.memory_space<hbm>> -> memref<32x128xi32, #tpu.memory_space<hbm>>
            tpu.wait_dma2 semaphore(%run_scoped3A : memref<!tpu.dma_semaphore, #tpu.memory_space<semaphore_mem>>) src(%dma_wait3A_201 : memref<32x128xi32, #tpu.memory_space<hbm>>) dst(%dma_wait3A_199 : memref<32x128xi32, #tpu.memory_space<vmem>>)
            tpu.yield
          }) : () -> ()
        } else {
        }
        %dma_wait3A_138 = arith.constant 0 : i32
        %dma_wait3A_139 = arith.constant 0 : i32
        %dma_wait3A_140 = tpu.memref_slice %arg7[%dma_wait3A_138, %dma_wait3A_139] : memref<64x128xi32, #tpu.memory_space<vmem>> -> memref<1x128xi32, #tpu.memory_space<vmem>>
        %dma_wait3A_141 = tpu.memref_squeeze %dma_wait3A_140 : memref<1x128xi32, #tpu.memory_space<vmem>> -> memref<128xi32, #tpu.memory_space<vmem>>
        %dma_wait3A_142 = arith.constant 0 : i32
        %dma_wait3A_143 = arith.constant 0 : i32
        %dma_wait3A_144 = tpu.memref_slice %arg2[%dma_wait3A_142, %dma_wait3A_143] : memref<10000x128xf32, #tpu.memory_space<hbm>> -> memref<10000x128xf32, #tpu.memory_space<hbm>>
        tpu.wait_indirect_dma semaphore(%arg12 : memref<!tpu.dma_semaphore, #tpu.memory_space<semaphore_mem>>) src(%dma_wait3A_144 : memref<10000x128xf32, #tpu.memory_space<hbm>>) dst(%arg9 : memref<128x128xf32, #tpu.memory_space<vmem>>)
        %dma_start3A_145 = arith.constant 0 : i32
        %dma_start3A_146 = tpu.memref_slice %arg8[%sub3A_69, %dma_start3A_145] : memref<32x128xi32, #tpu.memory_space<vmem>> -> memref<1x128xi32, #tpu.memory_space<vmem>>
        %dma_start3A_147 = tpu.memref_squeeze %dma_start3A_146 : memref<1x128xi32, #tpu.memory_space<vmem>> -> memref<128xi32, #tpu.memory_space<vmem>>
        %dma_start3A_148 = arith.constant 0 : i32
        %dma_start3A_149 = arith.constant 0 : i32
        %dma_start3A_150 = tpu.memref_slice %arg11[%dma_start3A_148, %dma_start3A_149] : memref<10112x128xf32, #tpu.memory_space<vmem_shared>> -> memref<10112x128xf32, #tpu.memory_space<vmem_shared>>
        tpu.enqueue_indirect_dma source(%arg9 : memref<128x128xf32, #tpu.memory_space<vmem>>) target(%dma_start3A_150 : memref<10112x128xf32, #tpu.memory_space<vmem_shared>>) offsets(%dma_start3A_147 : memref<128xi32, #tpu.memory_space<vmem>>) semaphore(%arg14 : memref<!tpu.dma_semaphore, #tpu.memory_space<semaphore_mem>>) {add = true}
        %dma_wait3A_151 = arith.constant 0 : i32
        %dma_wait3A_152 = arith.constant 0 : i32
        %dma_wait3A_153 = tpu.memref_slice %arg7[%dma_wait3A_151, %dma_wait3A_152] : memref<64x128xi32, #tpu.memory_space<vmem>> -> memref<1x128xi32, #tpu.memory_space<vmem>>
        %dma_wait3A_154 = tpu.memref_squeeze %dma_wait3A_153 : memref<1x128xi32, #tpu.memory_space<vmem>> -> memref<128xi32, #tpu.memory_space<vmem>>
        %dma_wait3A_155 = arith.constant 0 : i32
        %dma_wait3A_156 = arith.constant 0 : i32
        %dma_wait3A_157 = tpu.memref_slice %arg2[%dma_wait3A_155, %dma_wait3A_156] : memref<10000x128xf32, #tpu.memory_space<hbm>> -> memref<10000x128xf32, #tpu.memory_space<hbm>>
        tpu.wait_indirect_dma semaphore(%arg13 : memref<!tpu.dma_semaphore, #tpu.memory_space<semaphore_mem>>) src(%dma_wait3A_157 : memref<10000x128xf32, #tpu.memory_space<hbm>>) dst(%arg10 : memref<128x128xf32, #tpu.memory_space<vmem>>)
        %add3A_158 = arith.constant 1 : i32
        %add3A_159 = arith.addi %sub3A_69, %add3A_158 : i32
        %dma_start3A_160 = arith.constant 0 : i32
        %dma_start3A_161 = tpu.memref_slice %arg8[%add3A_159, %dma_start3A_160] : memref<32x128xi32, #tpu.memory_space<vmem>> -> memref<1x128xi32, #tpu.memory_space<vmem>>
        %dma_start3A_162 = tpu.memref_squeeze %dma_start3A_161 : memref<1x128xi32, #tpu.memory_space<vmem>> -> memref<128xi32, #tpu.memory_space<vmem>>
        %dma_start3A_163 = arith.constant 0 : i32
        %dma_start3A_164 = arith.constant 0 : i32
        %dma_start3A_165 = tpu.memref_slice %arg11[%dma_start3A_163, %dma_start3A_164] : memref<10112x128xf32, #tpu.memory_space<vmem_shared>> -> memref<10112x128xf32, #tpu.memory_space<vmem_shared>>
        tpu.enqueue_indirect_dma source(%arg10 : memref<128x128xf32, #tpu.memory_space<vmem>>) target(%dma_start3A_165 : memref<10112x128xf32, #tpu.memory_space<vmem_shared>>) offsets(%dma_start3A_162 : memref<128xi32, #tpu.memory_space<vmem>>) semaphore(%arg15 : memref<!tpu.dma_semaphore, #tpu.memory_space<semaphore_mem>>) {add = true}
        %add3A_166 = arith.constant 2 : i32
        %add3A_167 = arith.addi %mul3A_50, %add3A_166 : i32
        %eq3A_168 = arith.constant 64 : i32
        %eq3A_169 = arith.cmpi eq, %add3A_167, %eq3A_168 : i32
        %convert_element_type3A_170 = arith.extui %eq3A_169 : i1 to i32
        %cond3A_171 = arith.constant 0 : i32
        %cond3A_172 = arith.cmpi ne, %convert_element_type3A_170, %cond3A_171 : i32
        scf.if %cond3A_172 {
          %add3A_179 = arith.constant 64 : i32
          %add3A_180 = arith.addi %mul3A_16, %add3A_179 : i32
          "tpu.region"() ({
            %run_scoped3A = tpu.sem_alloc : memref<!tpu.dma_semaphore, #tpu.memory_space<semaphore_mem>>
            %dma_start3A_181 = arith.constant 0 : i32
            %dma_start3A_182 = arith.constant 0 : i32
            %dma_start3A_183 = tpu.memref_slice %arg7[%dma_start3A_181, %dma_start3A_182] : memref<64x128xi32, #tpu.memory_space<vmem>> -> memref<64x128xi32, #tpu.memory_space<vmem>>
            %dma_start3A_184 = arith.constant 0 : i32
            %dma_start3A_185 = tpu.memref_slice %arg3[%add3A_180, %dma_start3A_184] : memref<2560x128xi32, #tpu.memory_space<hbm>> -> memref<64x128xi32, #tpu.memory_space<hbm>>
            %dma_start3A_186 = arith.constant 0 : i32
            %dma_start3A_187 = arith.constant 0 : i32
            %dma_start3A_188 = tpu.memref_slice %arg7[%dma_start3A_186, %dma_start3A_187] : memref<64x128xi32, #tpu.memory_space<vmem>> -> memref<64x128xi32, #tpu.memory_space<vmem>>
            %dma_start3A_189 = arith.constant 0 : i32
            %dma_start3A_190 = tpu.memref_slice %arg3[%add3A_180, %dma_start3A_189] : memref<2560x128xi32, #tpu.memory_space<hbm>> -> memref<64x128xi32, #tpu.memory_space<hbm>>
            tpu.enqueue_dma source(%dma_start3A_190 : memref<64x128xi32, #tpu.memory_space<hbm>>) target(%dma_start3A_188 : memref<64x128xi32, #tpu.memory_space<vmem>>) target_semaphore(%run_scoped3A : memref<!tpu.dma_semaphore, #tpu.memory_space<semaphore_mem>>)
            %dma_wait3A_191 = arith.constant 0 : i32
            %dma_wait3A_192 = arith.constant 0 : i32
            %dma_wait3A_193 = tpu.memref_slice %arg7[%dma_wait3A_191, %dma_wait3A_192] : memref<64x128xi32, #tpu.memory_space<vmem>> -> memref<64x128xi32, #tpu.memory_space<vmem>>
            %dma_wait3A_194 = arith.constant 0 : i32
            %dma_wait3A_195 = tpu.memref_slice %arg3[%add3A_180, %dma_wait3A_194] : memref<2560x128xi32, #tpu.memory_space<hbm>> -> memref<64x128xi32, #tpu.memory_space<hbm>>
            %dma_wait3A_196 = arith.constant 0 : i32
            %dma_wait3A_197 = arith.constant 0 : i32
            %dma_wait3A_198 = tpu.memref_slice %arg7[%dma_wait3A_196, %dma_wait3A_197] : memref<64x128xi32, #tpu.memory_space<vmem>> -> memref<64x128xi32, #tpu.memory_space<vmem>>
            %dma_wait3A_199 = arith.constant 0 : i32
            %dma_wait3A_200 = tpu.memref_slice %arg3[%add3A_180, %dma_wait3A_199] : memref<2560x128xi32, #tpu.memory_space<hbm>> -> memref<64x128xi32, #tpu.memory_space<hbm>>
            tpu.wait_dma2 semaphore(%run_scoped3A : memref<!tpu.dma_semaphore, #tpu.memory_space<semaphore_mem>>) src(%dma_wait3A_200 : memref<64x128xi32, #tpu.memory_space<hbm>>) dst(%dma_wait3A_198 : memref<64x128xi32, #tpu.memory_space<vmem>>)
            tpu.yield
          }) : () -> ()
        } else {
        }
        %add3A_173 = arith.constant 1 : i32
        %add3A_174 = arith.addi %scan3A_48, %add3A_173 : i32
        %lt3A = arith.constant 64 : i32
        %lt3A_175 = arith.cmpi slt, %add3A_174, %lt3A : i32
        %convert_element_type3A_176 = arith.extui %lt3A_175 : i1 to i32
        %cond3A_177 = arith.constant 0 : i32
        %cond3A_178 = arith.cmpi ne, %convert_element_type3A_176, %cond3A_177 : i32
        scf.if %cond3A_178 {
          %dma_wait3A_179 = arith.constant 0 : i32
          %dma_wait3A_180 = tpu.memref_slice %arg8[%sub3A_69, %dma_wait3A_179] : memref<32x128xi32, #tpu.memory_space<vmem>> -> memref<1x128xi32, #tpu.memory_space<vmem>>
          %dma_wait3A_181 = tpu.memref_squeeze %dma_wait3A_180 : memref<1x128xi32, #tpu.memory_space<vmem>> -> memref<128xi32, #tpu.memory_space<vmem>>
          %dma_wait3A_182 = arith.constant 0 : i32
          %dma_wait3A_183 = arith.constant 0 : i32
          %dma_wait3A_184 = tpu.memref_slice %arg11[%dma_wait3A_182, %dma_wait3A_183] : memref<10112x128xf32, #tpu.memory_space<vmem_shared>> -> memref<10112x128xf32, #tpu.memory_space<vmem_shared>>
          tpu.wait_indirect_dma semaphore(%arg14 : memref<!tpu.dma_semaphore, #tpu.memory_space<semaphore_mem>>) src(%arg9 : memref<128x128xf32, #tpu.memory_space<vmem>>) dst(%dma_wait3A_184 : memref<10112x128xf32, #tpu.memory_space<vmem_shared>>)
          %dma_start3A_185 = arith.constant 0 : i32
          %dma_start3A_186 = tpu.memref_slice %arg7[%sub3A_99, %dma_start3A_185] : memref<64x128xi32, #tpu.memory_space<vmem>> -> memref<1x128xi32, #tpu.memory_space<vmem>>
          %dma_start3A_187 = tpu.memref_squeeze %dma_start3A_186 : memref<1x128xi32, #tpu.memory_space<vmem>> -> memref<128xi32, #tpu.memory_space<vmem>>
          %dma_start3A_188 = arith.constant 0 : i32
          %dma_start3A_189 = arith.constant 0 : i32
          %dma_start3A_190 = tpu.memref_slice %arg2[%dma_start3A_188, %dma_start3A_189] : memref<10000x128xf32, #tpu.memory_space<hbm>> -> memref<10000x128xf32, #tpu.memory_space<hbm>>
          tpu.enqueue_indirect_dma source(%dma_start3A_190 : memref<10000x128xf32, #tpu.memory_space<hbm>>) target(%arg9 : memref<128x128xf32, #tpu.memory_space<vmem>>) offsets(%dma_start3A_187 : memref<128xi32, #tpu.memory_space<vmem>>) semaphore(%arg12 : memref<!tpu.dma_semaphore, #tpu.memory_space<semaphore_mem>>)
          %add3A_191 = arith.constant 1 : i32
          %add3A_192 = arith.addi %sub3A_69, %add3A_191 : i32
          %dma_wait3A_193 = arith.constant 0 : i32
          %dma_wait3A_194 = tpu.memref_slice %arg8[%add3A_192, %dma_wait3A_193] : memref<32x128xi32, #tpu.memory_space<vmem>> -> memref<1x128xi32, #tpu.memory_space<vmem>>
          %dma_wait3A_195 = tpu.memref_squeeze %dma_wait3A_194 : memref<1x128xi32, #tpu.memory_space<vmem>> -> memref<128xi32, #tpu.memory_space<vmem>>
          %dma_wait3A_196 = arith.constant 0 : i32
          %dma_wait3A_197 = arith.constant 0 : i32
          %dma_wait3A_198 = tpu.memref_slice %arg11[%dma_wait3A_196, %dma_wait3A_197] : memref<10112x128xf32, #tpu.memory_space<vmem_shared>> -> memref<10112x128xf32, #tpu.memory_space<vmem_shared>>
          tpu.wait_indirect_dma semaphore(%arg15 : memref<!tpu.dma_semaphore, #tpu.memory_space<semaphore_mem>>) src(%arg10 : memref<128x128xf32, #tpu.memory_space<vmem>>) dst(%dma_wait3A_198 : memref<10112x128xf32, #tpu.memory_space<vmem_shared>>)
          %dma_start3A_199 = arith.constant 0 : i32
          %dma_start3A_200 = tpu.memref_slice %arg7[%sub3A_130, %dma_start3A_199] : memref<64x128xi32, #tpu.memory_space<vmem>> -> memref<1x128xi32, #tpu.memory_space<vmem>>
          %dma_start3A_201 = tpu.memref_squeeze %dma_start3A_200 : memref<1x128xi32, #tpu.memory_space<vmem>> -> memref<128xi32, #tpu.memory_space<vmem>>
          %dma_start3A_202 = arith.constant 0 : i32
          %dma_start3A_203 = arith.constant 0 : i32
          %dma_start3A_204 = tpu.memref_slice %arg2[%dma_start3A_202, %dma_start3A_203] : memref<10000x128xf32, #tpu.memory_space<hbm>> -> memref<10000x128xf32, #tpu.memory_space<hbm>>
          tpu.enqueue_indirect_dma source(%dma_start3A_204 : memref<10000x128xf32, #tpu.memory_space<hbm>>) target(%arg10 : memref<128x128xf32, #tpu.memory_space<vmem>>) offsets(%dma_start3A_201 : memref<128xi32, #tpu.memory_space<vmem>>) semaphore(%arg13 : memref<!tpu.dma_semaphore, #tpu.memory_space<semaphore_mem>>)
        } else {
        }
      }
      %scan3A_34 = arith.constant 64 : i32
      %dma_wait3A = arith.constant 0 : i32
      %dma_wait3A_35 = arith.constant 0 : i32
      %dma_wait3A_36 = tpu.memref_slice %arg8[%dma_wait3A, %dma_wait3A_35] : memref<32x128xi32, #tpu.memory_space<vmem>> -> memref<1x128xi32, #tpu.memory_space<vmem>>
      %dma_wait3A_37 = tpu.memref_squeeze %dma_wait3A_36 : memref<1x128xi32, #tpu.memory_space<vmem>> -> memref<128xi32, #tpu.memory_space<vmem>>
      %dma_wait3A_38 = arith.constant 0 : i32
      %dma_wait3A_39 = arith.constant 0 : i32
      %dma_wait3A_40 = tpu.memref_slice %arg11[%dma_wait3A_38, %dma_wait3A_39] : memref<10112x128xf32, #tpu.memory_space<vmem_shared>> -> memref<10112x128xf32, #tpu.memory_space<vmem_shared>>
      tpu.wait_indirect_dma semaphore(%arg14 : memref<!tpu.dma_semaphore, #tpu.memory_space<semaphore_mem>>) src(%arg9 : memref<128x128xf32, #tpu.memory_space<vmem>>) dst(%dma_wait3A_40 : memref<10112x128xf32, #tpu.memory_space<vmem_shared>>)
      %dma_wait3A_41 = arith.constant 0 : i32
      %dma_wait3A_42 = arith.constant 0 : i32
      %dma_wait3A_43 = tpu.memref_slice %arg8[%dma_wait3A_41, %dma_wait3A_42] : memref<32x128xi32, #tpu.memory_space<vmem>> -> memref<1x128xi32, #tpu.memory_space<vmem>>
      %dma_wait3A_44 = tpu.memref_squeeze %dma_wait3A_43 : memref<1x128xi32, #tpu.memory_space<vmem>> -> memref<128xi32, #tpu.memory_space<vmem>>
      %dma_wait3A_45 = arith.constant 0 : i32
      %dma_wait3A_46 = arith.constant 0 : i32
      %dma_wait3A_47 = tpu.memref_slice %arg11[%dma_wait3A_45, %dma_wait3A_46] : memref<10112x128xf32, #tpu.memory_space<vmem_shared>> -> memref<10112x128xf32, #tpu.memory_space<vmem_shared>>
      tpu.wait_indirect_dma semaphore(%arg15 : memref<!tpu.dma_semaphore, #tpu.memory_space<semaphore_mem>>) src(%arg10 : memref<128x128xf32, #tpu.memory_space<vmem>>) dst(%dma_wait3A_47 : memref<10112x128xf32, #tpu.memory_space<vmem_shared>>)
    } else {
    }
    %eq3A_5 = arith.constant 1 : i32
    %eq3A_6 = arith.cmpi eq, %arg0, %eq3A_5 : i32
    %convert_element_type3A_7 = arith.extui %eq3A_6 : i1 to i32
    %cond3A_8 = arith.constant 0 : i32
    %cond3A_9 = arith.cmpi ne, %convert_element_type3A_7, %cond3A_8 : i32
    scf.if %cond3A_9 {
      %mul3A_15 = arith.constant 32 : i32
      %mul3A_16 = arith.muli %arg1, %mul3A_15 : i32
      %add3A = arith.constant 2048 : i32
      %add3A_17 = arith.addi %add3A, %mul3A_16 : i32
      "tpu.region"() ({
        %run_scoped3A = tpu.sem_alloc : memref<!tpu.dma_semaphore, #tpu.memory_space<semaphore_mem>>
        %dma_start3A_49 = arith.constant 0 : i32
        %dma_start3A_50 = arith.constant 0 : i32
        %dma_start3A_51 = tpu.memref_slice %arg7[%dma_start3A_49, %dma_start3A_50] : memref<64x128xi32, #tpu.memory_space<vmem>> -> memref<16x128xi32, #tpu.memory_space<vmem>>
        %dma_start3A_52 = arith.constant 0 : i32
        %dma_start3A_53 = tpu.memref_slice %arg3[%add3A_17, %dma_start3A_52] : memref<2560x128xi32, #tpu.memory_space<hbm>> -> memref<16x128xi32, #tpu.memory_space<hbm>>
        %dma_start3A_54 = arith.constant 0 : i32
        %dma_start3A_55 = arith.constant 0 : i32
        %dma_start3A_56 = tpu.memref_slice %arg7[%dma_start3A_54, %dma_start3A_55] : memref<64x128xi32, #tpu.memory_space<vmem>> -> memref<16x128xi32, #tpu.memory_space<vmem>>
        %dma_start3A_57 = arith.constant 0 : i32
        %dma_start3A_58 = tpu.memref_slice %arg3[%add3A_17, %dma_start3A_57] : memref<2560x128xi32, #tpu.memory_space<hbm>> -> memref<16x128xi32, #tpu.memory_space<hbm>>
        tpu.enqueue_dma source(%dma_start3A_58 : memref<16x128xi32, #tpu.memory_space<hbm>>) target(%dma_start3A_56 : memref<16x128xi32, #tpu.memory_space<vmem>>) target_semaphore(%run_scoped3A : memref<!tpu.dma_semaphore, #tpu.memory_space<semaphore_mem>>)
        %dma_wait3A_59 = arith.constant 0 : i32
        %dma_wait3A_60 = arith.constant 0 : i32
        %dma_wait3A_61 = tpu.memref_slice %arg7[%dma_wait3A_59, %dma_wait3A_60] : memref<64x128xi32, #tpu.memory_space<vmem>> -> memref<16x128xi32, #tpu.memory_space<vmem>>
        %dma_wait3A_62 = arith.constant 0 : i32
        %dma_wait3A_63 = tpu.memref_slice %arg3[%add3A_17, %dma_wait3A_62] : memref<2560x128xi32, #tpu.memory_space<hbm>> -> memref<16x128xi32, #tpu.memory_space<hbm>>
        %dma_wait3A_64 = arith.constant 0 : i32
        %dma_wait3A_65 = arith.constant 0 : i32
        %dma_wait3A_66 = tpu.memref_slice %arg7[%dma_wait3A_64, %dma_wait3A_65] : memref<64x128xi32, #tpu.memory_space<vmem>> -> memref<16x128xi32, #tpu.memory_space<vmem>>
        %dma_wait3A_67 = arith.constant 0 : i32
        %dma_wait3A_68 = tpu.memref_slice %arg3[%add3A_17, %dma_wait3A_67] : memref<2560x128xi32, #tpu.memory_space<hbm>> -> memref<16x128xi32, #tpu.memory_space<hbm>>
        tpu.wait_dma2 semaphore(%run_scoped3A : memref<!tpu.dma_semaphore, #tpu.memory_space<semaphore_mem>>) src(%dma_wait3A_68 : memref<16x128xi32, #tpu.memory_space<hbm>>) dst(%dma_wait3A_66 : memref<16x128xi32, #tpu.memory_space<vmem>>)
        tpu.yield
      }) : () -> ()
      "tpu.region"() ({
        %run_scoped3A = tpu.sem_alloc : memref<!tpu.dma_semaphore, #tpu.memory_space<semaphore_mem>>
        %dma_start3A_49 = arith.constant 0 : i32
        %dma_start3A_50 = arith.constant 0 : i32
        %dma_start3A_51 = tpu.memref_slice %arg8[%dma_start3A_49, %dma_start3A_50] : memref<32x128xi32, #tpu.memory_space<vmem>> -> memref<8x128xi32, #tpu.memory_space<vmem>>
        %dma_start3A_52 = arith.constant 0 : i32
        %dma_start3A_53 = tpu.memref_slice %arg4[%add3A_17, %dma_start3A_52] : memref<2560x128xi32, #tpu.memory_space<hbm>> -> memref<8x128xi32, #tpu.memory_space<hbm>>
        %dma_start3A_54 = arith.constant 0 : i32
        %dma_start3A_55 = arith.constant 0 : i32
        %dma_start3A_56 = tpu.memref_slice %arg8[%dma_start3A_54, %dma_start3A_55] : memref<32x128xi32, #tpu.memory_space<vmem>> -> memref<8x128xi32, #tpu.memory_space<vmem>>
        %dma_start3A_57 = arith.constant 0 : i32
        %dma_start3A_58 = tpu.memref_slice %arg4[%add3A_17, %dma_start3A_57] : memref<2560x128xi32, #tpu.memory_space<hbm>> -> memref<8x128xi32, #tpu.memory_space<hbm>>
        tpu.enqueue_dma source(%dma_start3A_58 : memref<8x128xi32, #tpu.memory_space<hbm>>) target(%dma_start3A_56 : memref<8x128xi32, #tpu.memory_space<vmem>>) target_semaphore(%run_scoped3A : memref<!tpu.dma_semaphore, #tpu.memory_space<semaphore_mem>>)
        %dma_wait3A_59 = arith.constant 0 : i32
        %dma_wait3A_60 = arith.constant 0 : i32
        %dma_wait3A_61 = tpu.memref_slice %arg8[%dma_wait3A_59, %dma_wait3A_60] : memref<32x128xi32, #tpu.memory_space<vmem>> -> memref<8x128xi32, #tpu.memory_space<vmem>>
        %dma_wait3A_62 = arith.constant 0 : i32
        %dma_wait3A_63 = tpu.memref_slice %arg4[%add3A_17, %dma_wait3A_62] : memref<2560x128xi32, #tpu.memory_space<hbm>> -> memref<8x128xi32, #tpu.memory_space<hbm>>
        %dma_wait3A_64 = arith.constant 0 : i32
        %dma_wait3A_65 = arith.constant 0 : i32
        %dma_wait3A_66 = tpu.memref_slice %arg8[%dma_wait3A_64, %dma_wait3A_65] : memref<32x128xi32, #tpu.memory_space<vmem>> -> memref<8x128xi32, #tpu.memory_space<vmem>>
        %dma_wait3A_67 = arith.constant 0 : i32
        %dma_wait3A_68 = tpu.memref_slice %arg4[%add3A_17, %dma_wait3A_67] : memref<2560x128xi32, #tpu.memory_space<hbm>> -> memref<8x128xi32, #tpu.memory_space<hbm>>
        tpu.wait_dma2 semaphore(%run_scoped3A : memref<!tpu.dma_semaphore, #tpu.memory_space<semaphore_mem>>) src(%dma_wait3A_68 : memref<8x128xi32, #tpu.memory_space<hbm>>) dst(%dma_wait3A_66 : memref<8x128xi32, #tpu.memory_space<vmem>>)
        tpu.yield
      }) : () -> ()
      %dma_start3A = arith.constant 0 : i32
      %dma_start3A_18 = arith.constant 0 : i32
      %dma_start3A_19 = tpu.memref_slice %arg7[%dma_start3A, %dma_start3A_18] : memref<64x128xi32, #tpu.memory_space<vmem>> -> memref<1x128xi32, #tpu.memory_space<vmem>>
      %dma_start3A_20 = tpu.memref_squeeze %dma_start3A_19 : memref<1x128xi32, #tpu.memory_space<vmem>> -> memref<128xi32, #tpu.memory_space<vmem>>
      %dma_start3A_21 = arith.constant 0 : i32
      %dma_start3A_22 = arith.constant 0 : i32
      %dma_start3A_23 = tpu.memref_slice %arg2[%dma_start3A_21, %dma_start3A_22] : memref<10000x128xf32, #tpu.memory_space<hbm>> -> memref<10000x128xf32, #tpu.memory_space<hbm>>
      tpu.enqueue_indirect_dma source(%dma_start3A_23 : memref<10000x128xf32, #tpu.memory_space<hbm>>) target(%arg9 : memref<128x128xf32, #tpu.memory_space<vmem>>) offsets(%dma_start3A_20 : memref<128xi32, #tpu.memory_space<vmem>>) semaphore(%arg12 : memref<!tpu.dma_semaphore, #tpu.memory_space<semaphore_mem>>)
      %dma_start3A_24 = arith.constant 1 : i32
      %dma_start3A_25 = arith.constant 0 : i32
      %dma_start3A_26 = tpu.memref_slice %arg7[%dma_start3A_24, %dma_start3A_25] : memref<64x128xi32, #tpu.memory_space<vmem>> -> memref<1x128xi32, #tpu.memory_space<vmem>>
      %dma_start3A_27 = tpu.memref_squeeze %dma_start3A_26 : memref<1x128xi32, #tpu.memory_space<vmem>> -> memref<128xi32, #tpu.memory_space<vmem>>
      %dma_start3A_28 = arith.constant 0 : i32
      %dma_start3A_29 = arith.constant 0 : i32
      %dma_start3A_30 = tpu.memref_slice %arg2[%dma_start3A_28, %dma_start3A_29] : memref<10000x128xf32, #tpu.memory_space<hbm>> -> memref<10000x128xf32, #tpu.memory_space<hbm>>
      tpu.enqueue_indirect_dma source(%dma_start3A_30 : memref<10000x128xf32, #tpu.memory_space<hbm>>) target(%arg10 : memref<128x128xf32, #tpu.memory_space<vmem>>) offsets(%dma_start3A_27 : memref<128xi32, #tpu.memory_space<vmem>>) semaphore(%arg13 : memref<!tpu.dma_semaphore, #tpu.memory_space<semaphore_mem>>)
      %scan3A = arith.constant 0 : i32
      %scan3A_31 = arith.constant 0 : i32
      %scan3A_32 = arith.constant 16 : i32
      %scan3A_33 = arith.addi %scan3A_31, %scan3A_32 : i32
      %scan3A_34 = arith.constant 1 : i32
      scf.for %scan3A_49 = %scan3A_31 to %scan3A_33 step %scan3A_34  : i32 {
        %mul3A_50 = arith.constant 2 : i32
        %mul3A_51 = arith.muli %mul3A_50, %scan3A_49 : i32
        %jit3A = arith.constant 8 : i32
        %div3A = arith.divsi %mul3A_51, %jit3A : i32
        %sign3A = arith.constant 0 : i32
        %sign3A_52 = arith.cmpi sgt, %mul3A_51, %sign3A : i32
        %sign3A_53 = arith.extui %sign3A_52 : i1 to i32
        %sign3A_54 = arith.constant 0 : i32
        %sign3A_55 = arith.cmpi slt, %mul3A_51, %sign3A_54 : i32
        %sign3A_56 = arith.extui %sign3A_55 : i1 to i32
        %sign3A_57 = arith.subi %sign3A_53, %sign3A_56 : i32
        %sign3A_58 = arith.constant 0 : i32
        %sign3A_59 = arith.cmpi sgt, %jit3A, %sign3A_58 : i32
        %sign3A_60 = arith.extui %sign3A_59 : i1 to i32
        %sign3A_61 = arith.constant 0 : i32
        %sign3A_62 = arith.cmpi slt, %jit3A, %sign3A_61 : i32
        %sign3A_63 = arith.extui %sign3A_62 : i1 to i32
        %sign3A_64 = arith.subi %sign3A_60, %sign3A_63 : i32
        %ne3A = arith.cmpi ne, %sign3A_57, %sign3A_64 : i32
        %rem3A = arith.remsi %mul3A_51, %jit3A : i32
        %ne3A_65 = arith.constant 0 : i32
        %ne3A_66 = arith.cmpi ne, %rem3A, %ne3A_65 : i32
        %and3A = arith.andi %ne3A, %ne3A_66 : i1
        %sub3A = arith.constant 1 : i32
        %sub3A_67 = arith.subi %div3A, %sub3A : i32
        %select_n3A = arith.select %and3A, %sub3A_67, %div3A : i32
        %mul3A_68 = arith.constant 8 : i32
        %mul3A_69 = arith.muli %select_n3A, %mul3A_68 : i32
        %sub3A_70 = arith.subi %mul3A_51, %mul3A_69 : i32
        %add3A_71 = arith.constant 2 : i32
        %add3A_72 = arith.addi %mul3A_51, %add3A_71 : i32
        %add3A_73 = arith.constant 2 : i32
        %add3A_74 = arith.addi %mul3A_51, %add3A_73 : i32
        %jit3A_75 = arith.constant 16 : i32
        %div3A_76 = arith.divsi %add3A_74, %jit3A_75 : i32
        %sign3A_77 = arith.constant 0 : i32
        %sign3A_78 = arith.cmpi sgt, %add3A_74, %sign3A_77 : i32
        %sign3A_79 = arith.extui %sign3A_78 : i1 to i32
        %sign3A_80 = arith.constant 0 : i32
        %sign3A_81 = arith.cmpi slt, %add3A_74, %sign3A_80 : i32
        %sign3A_82 = arith.extui %sign3A_81 : i1 to i32
        %sign3A_83 = arith.subi %sign3A_79, %sign3A_82 : i32
        %sign3A_84 = arith.constant 0 : i32
        %sign3A_85 = arith.cmpi sgt, %jit3A_75, %sign3A_84 : i32
        %sign3A_86 = arith.extui %sign3A_85 : i1 to i32
        %sign3A_87 = arith.constant 0 : i32
        %sign3A_88 = arith.cmpi slt, %jit3A_75, %sign3A_87 : i32
        %sign3A_89 = arith.extui %sign3A_88 : i1 to i32
        %sign3A_90 = arith.subi %sign3A_86, %sign3A_89 : i32
        %ne3A_91 = arith.cmpi ne, %sign3A_83, %sign3A_90 : i32
        %rem3A_92 = arith.remsi %add3A_74, %jit3A_75 : i32
        %ne3A_93 = arith.constant 0 : i32
        %ne3A_94 = arith.cmpi ne, %rem3A_92, %ne3A_93 : i32
        %and3A_95 = arith.andi %ne3A_91, %ne3A_94 : i1
        %sub3A_96 = arith.constant 1 : i32
        %sub3A_97 = arith.subi %div3A_76, %sub3A_96 : i32
        %select_n3A_98 = arith.select %and3A_95, %sub3A_97, %div3A_76 : i32
        %mul3A_99 = arith.constant 16 : i32
        %mul3A_100 = arith.muli %select_n3A_98, %mul3A_99 : i32
        %sub3A_101 = arith.subi %add3A_72, %mul3A_100 : i32
        %add3A_102 = arith.constant 3 : i32
        %add3A_103 = arith.addi %mul3A_51, %add3A_102 : i32
        %add3A_104 = arith.constant 3 : i32
        %add3A_105 = arith.addi %mul3A_51, %add3A_104 : i32
        %jit3A_106 = arith.constant 16 : i32
        %div3A_107 = arith.divsi %add3A_105, %jit3A_106 : i32
        %sign3A_108 = arith.constant 0 : i32
        %sign3A_109 = arith.cmpi sgt, %add3A_105, %sign3A_108 : i32
        %sign3A_110 = arith.extui %sign3A_109 : i1 to i32
        %sign3A_111 = arith.constant 0 : i32
        %sign3A_112 = arith.cmpi slt, %add3A_105, %sign3A_111 : i32
        %sign3A_113 = arith.extui %sign3A_112 : i1 to i32
        %sign3A_114 = arith.subi %sign3A_110, %sign3A_113 : i32
        %sign3A_115 = arith.constant 0 : i32
        %sign3A_116 = arith.cmpi sgt, %jit3A_106, %sign3A_115 : i32
        %sign3A_117 = arith.extui %sign3A_116 : i1 to i32
        %sign3A_118 = arith.constant 0 : i32
        %sign3A_119 = arith.cmpi slt, %jit3A_106, %sign3A_118 : i32
        %sign3A_120 = arith.extui %sign3A_119 : i1 to i32
        %sign3A_121 = arith.subi %sign3A_117, %sign3A_120 : i32
        %ne3A_122 = arith.cmpi ne, %sign3A_114, %sign3A_121 : i32
        %rem3A_123 = arith.remsi %add3A_105, %jit3A_106 : i32
        %ne3A_124 = arith.constant 0 : i32
        %ne3A_125 = arith.cmpi ne, %rem3A_123, %ne3A_124 : i32
        %and3A_126 = arith.andi %ne3A_122, %ne3A_125 : i1
        %sub3A_127 = arith.constant 1 : i32
        %sub3A_128 = arith.subi %div3A_107, %sub3A_127 : i32
        %select_n3A_129 = arith.select %and3A_126, %sub3A_128, %div3A_107 : i32
        %mul3A_130 = arith.constant 16 : i32
        %mul3A_131 = arith.muli %select_n3A_129, %mul3A_130 : i32
        %sub3A_132 = arith.subi %add3A_103, %mul3A_131 : i32
        %gt3A = arith.constant 0 : i32
        %gt3A_133 = arith.cmpi sgt, %mul3A_51, %gt3A : i32
        %eq3A_134 = arith.constant 0 : i32
        %eq3A_135 = arith.cmpi eq, %sub3A_70, %eq3A_134 : i32
        %and3A_136 = arith.andi %gt3A_133, %eq3A_135 : i1
        %convert_element_type3A_137 = arith.extui %and3A_136 : i1 to i32
        %cond3A_138 = arith.constant 0 : i32
        %cond3A_139 = arith.cmpi ne, %convert_element_type3A_137, %cond3A_138 : i32
        scf.if %cond3A_139 {
          %mul3A_181 = arith.constant 8 : i32
          %mul3A_182 = arith.muli %select_n3A, %mul3A_181 : i32
          %add3A_183 = arith.addi %add3A_17, %mul3A_182 : i32
          "tpu.region"() ({
            %run_scoped3A = tpu.sem_alloc : memref<!tpu.dma_semaphore, #tpu.memory_space<semaphore_mem>>
            %dma_start3A_184 = arith.constant 0 : i32
            %dma_start3A_185 = arith.constant 0 : i32
            %dma_start3A_186 = tpu.memref_slice %arg8[%dma_start3A_184, %dma_start3A_185] : memref<32x128xi32, #tpu.memory_space<vmem>> -> memref<8x128xi32, #tpu.memory_space<vmem>>
            %dma_start3A_187 = arith.constant 0 : i32
            %dma_start3A_188 = tpu.memref_slice %arg4[%add3A_183, %dma_start3A_187] : memref<2560x128xi32, #tpu.memory_space<hbm>> -> memref<8x128xi32, #tpu.memory_space<hbm>>
            %dma_start3A_189 = arith.constant 0 : i32
            %dma_start3A_190 = arith.constant 0 : i32
            %dma_start3A_191 = tpu.memref_slice %arg8[%dma_start3A_189, %dma_start3A_190] : memref<32x128xi32, #tpu.memory_space<vmem>> -> memref<8x128xi32, #tpu.memory_space<vmem>>
            %dma_start3A_192 = arith.constant 0 : i32
            %dma_start3A_193 = tpu.memref_slice %arg4[%add3A_183, %dma_start3A_192] : memref<2560x128xi32, #tpu.memory_space<hbm>> -> memref<8x128xi32, #tpu.memory_space<hbm>>
            tpu.enqueue_dma source(%dma_start3A_193 : memref<8x128xi32, #tpu.memory_space<hbm>>) target(%dma_start3A_191 : memref<8x128xi32, #tpu.memory_space<vmem>>) target_semaphore(%run_scoped3A : memref<!tpu.dma_semaphore, #tpu.memory_space<semaphore_mem>>)
            %dma_wait3A_194 = arith.constant 0 : i32
            %dma_wait3A_195 = arith.constant 0 : i32
            %dma_wait3A_196 = tpu.memref_slice %arg8[%dma_wait3A_194, %dma_wait3A_195] : memref<32x128xi32, #tpu.memory_space<vmem>> -> memref<8x128xi32, #tpu.memory_space<vmem>>
            %dma_wait3A_197 = arith.constant 0 : i32
            %dma_wait3A_198 = tpu.memref_slice %arg4[%add3A_183, %dma_wait3A_197] : memref<2560x128xi32, #tpu.memory_space<hbm>> -> memref<8x128xi32, #tpu.memory_space<hbm>>
            %dma_wait3A_199 = arith.constant 0 : i32
            %dma_wait3A_200 = arith.constant 0 : i32
            %dma_wait3A_201 = tpu.memref_slice %arg8[%dma_wait3A_199, %dma_wait3A_200] : memref<32x128xi32, #tpu.memory_space<vmem>> -> memref<8x128xi32, #tpu.memory_space<vmem>>
            %dma_wait3A_202 = arith.constant 0 : i32
            %dma_wait3A_203 = tpu.memref_slice %arg4[%add3A_183, %dma_wait3A_202] : memref<2560x128xi32, #tpu.memory_space<hbm>> -> memref<8x128xi32, #tpu.memory_space<hbm>>
            tpu.wait_dma2 semaphore(%run_scoped3A : memref<!tpu.dma_semaphore, #tpu.memory_space<semaphore_mem>>) src(%dma_wait3A_203 : memref<8x128xi32, #tpu.memory_space<hbm>>) dst(%dma_wait3A_201 : memref<8x128xi32, #tpu.memory_space<vmem>>)
            tpu.yield
          }) : () -> ()
        } else {
        }
        %dma_wait3A_140 = arith.constant 0 : i32
        %dma_wait3A_141 = arith.constant 0 : i32
        %dma_wait3A_142 = tpu.memref_slice %arg7[%dma_wait3A_140, %dma_wait3A_141] : memref<64x128xi32, #tpu.memory_space<vmem>> -> memref<1x128xi32, #tpu.memory_space<vmem>>
        %dma_wait3A_143 = tpu.memref_squeeze %dma_wait3A_142 : memref<1x128xi32, #tpu.memory_space<vmem>> -> memref<128xi32, #tpu.memory_space<vmem>>
        %dma_wait3A_144 = arith.constant 0 : i32
        %dma_wait3A_145 = arith.constant 0 : i32
        %dma_wait3A_146 = tpu.memref_slice %arg2[%dma_wait3A_144, %dma_wait3A_145] : memref<10000x128xf32, #tpu.memory_space<hbm>> -> memref<10000x128xf32, #tpu.memory_space<hbm>>
        tpu.wait_indirect_dma semaphore(%arg12 : memref<!tpu.dma_semaphore, #tpu.memory_space<semaphore_mem>>) src(%dma_wait3A_146 : memref<10000x128xf32, #tpu.memory_space<hbm>>) dst(%arg9 : memref<128x128xf32, #tpu.memory_space<vmem>>)
        %dma_start3A_147 = arith.constant 0 : i32
        %dma_start3A_148 = tpu.memref_slice %arg8[%sub3A_70, %dma_start3A_147] : memref<32x128xi32, #tpu.memory_space<vmem>> -> memref<1x128xi32, #tpu.memory_space<vmem>>
        %dma_start3A_149 = tpu.memref_squeeze %dma_start3A_148 : memref<1x128xi32, #tpu.memory_space<vmem>> -> memref<128xi32, #tpu.memory_space<vmem>>
        %dma_start3A_150 = arith.constant 0 : i32
        %dma_start3A_151 = arith.constant 0 : i32
        %dma_start3A_152 = tpu.memref_slice %arg11[%dma_start3A_150, %dma_start3A_151] : memref<10112x128xf32, #tpu.memory_space<vmem_shared>> -> memref<10112x128xf32, #tpu.memory_space<vmem_shared>>
        tpu.enqueue_indirect_dma source(%arg9 : memref<128x128xf32, #tpu.memory_space<vmem>>) target(%dma_start3A_152 : memref<10112x128xf32, #tpu.memory_space<vmem_shared>>) offsets(%dma_start3A_149 : memref<128xi32, #tpu.memory_space<vmem>>) semaphore(%arg14 : memref<!tpu.dma_semaphore, #tpu.memory_space<semaphore_mem>>) {add = true}
        %dma_wait3A_153 = arith.constant 0 : i32
        %dma_wait3A_154 = arith.constant 0 : i32
        %dma_wait3A_155 = tpu.memref_slice %arg7[%dma_wait3A_153, %dma_wait3A_154] : memref<64x128xi32, #tpu.memory_space<vmem>> -> memref<1x128xi32, #tpu.memory_space<vmem>>
        %dma_wait3A_156 = tpu.memref_squeeze %dma_wait3A_155 : memref<1x128xi32, #tpu.memory_space<vmem>> -> memref<128xi32, #tpu.memory_space<vmem>>
        %dma_wait3A_157 = arith.constant 0 : i32
        %dma_wait3A_158 = arith.constant 0 : i32
        %dma_wait3A_159 = tpu.memref_slice %arg2[%dma_wait3A_157, %dma_wait3A_158] : memref<10000x128xf32, #tpu.memory_space<hbm>> -> memref<10000x128xf32, #tpu.memory_space<hbm>>
        tpu.wait_indirect_dma semaphore(%arg13 : memref<!tpu.dma_semaphore, #tpu.memory_space<semaphore_mem>>) src(%dma_wait3A_159 : memref<10000x128xf32, #tpu.memory_space<hbm>>) dst(%arg10 : memref<128x128xf32, #tpu.memory_space<vmem>>)
        %add3A_160 = arith.constant 1 : i32
        %add3A_161 = arith.addi %sub3A_70, %add3A_160 : i32
        %dma_start3A_162 = arith.constant 0 : i32
        %dma_start3A_163 = tpu.memref_slice %arg8[%add3A_161, %dma_start3A_162] : memref<32x128xi32, #tpu.memory_space<vmem>> -> memref<1x128xi32, #tpu.memory_space<vmem>>
        %dma_start3A_164 = tpu.memref_squeeze %dma_start3A_163 : memref<1x128xi32, #tpu.memory_space<vmem>> -> memref<128xi32, #tpu.memory_space<vmem>>
        %dma_start3A_165 = arith.constant 0 : i32
        %dma_start3A_166 = arith.constant 0 : i32
        %dma_start3A_167 = tpu.memref_slice %arg11[%dma_start3A_165, %dma_start3A_166] : memref<10112x128xf32, #tpu.memory_space<vmem_shared>> -> memref<10112x128xf32, #tpu.memory_space<vmem_shared>>
        tpu.enqueue_indirect_dma source(%arg10 : memref<128x128xf32, #tpu.memory_space<vmem>>) target(%dma_start3A_167 : memref<10112x128xf32, #tpu.memory_space<vmem_shared>>) offsets(%dma_start3A_164 : memref<128xi32, #tpu.memory_space<vmem>>) semaphore(%arg15 : memref<!tpu.dma_semaphore, #tpu.memory_space<semaphore_mem>>) {add = true}
        %add3A_168 = arith.constant 2 : i32
        %add3A_169 = arith.addi %mul3A_51, %add3A_168 : i32
        %eq3A_170 = arith.constant 16 : i32
        %eq3A_171 = arith.cmpi eq, %add3A_169, %eq3A_170 : i32
        %convert_element_type3A_172 = arith.extui %eq3A_171 : i1 to i32
        %cond3A_173 = arith.constant 0 : i32
        %cond3A_174 = arith.cmpi ne, %convert_element_type3A_172, %cond3A_173 : i32
        scf.if %cond3A_174 {
          %add3A_181 = arith.constant 16 : i32
          %add3A_182 = arith.addi %add3A_17, %add3A_181 : i32
          "tpu.region"() ({
            %run_scoped3A = tpu.sem_alloc : memref<!tpu.dma_semaphore, #tpu.memory_space<semaphore_mem>>
            %dma_start3A_183 = arith.constant 0 : i32
            %dma_start3A_184 = arith.constant 0 : i32
            %dma_start3A_185 = tpu.memref_slice %arg7[%dma_start3A_183, %dma_start3A_184] : memref<64x128xi32, #tpu.memory_space<vmem>> -> memref<16x128xi32, #tpu.memory_space<vmem>>
            %dma_start3A_186 = arith.constant 0 : i32
            %dma_start3A_187 = tpu.memref_slice %arg3[%add3A_182, %dma_start3A_186] : memref<2560x128xi32, #tpu.memory_space<hbm>> -> memref<16x128xi32, #tpu.memory_space<hbm>>
            %dma_start3A_188 = arith.constant 0 : i32
            %dma_start3A_189 = arith.constant 0 : i32
            %dma_start3A_190 = tpu.memref_slice %arg7[%dma_start3A_188, %dma_start3A_189] : memref<64x128xi32, #tpu.memory_space<vmem>> -> memref<16x128xi32, #tpu.memory_space<vmem>>
            %dma_start3A_191 = arith.constant 0 : i32
            %dma_start3A_192 = tpu.memref_slice %arg3[%add3A_182, %dma_start3A_191] : memref<2560x128xi32, #tpu.memory_space<hbm>> -> memref<16x128xi32, #tpu.memory_space<hbm>>
            tpu.enqueue_dma source(%dma_start3A_192 : memref<16x128xi32, #tpu.memory_space<hbm>>) target(%dma_start3A_190 : memref<16x128xi32, #tpu.memory_space<vmem>>) target_semaphore(%run_scoped3A : memref<!tpu.dma_semaphore, #tpu.memory_space<semaphore_mem>>)
            %dma_wait3A_193 = arith.constant 0 : i32
            %dma_wait3A_194 = arith.constant 0 : i32
            %dma_wait3A_195 = tpu.memref_slice %arg7[%dma_wait3A_193, %dma_wait3A_194] : memref<64x128xi32, #tpu.memory_space<vmem>> -> memref<16x128xi32, #tpu.memory_space<vmem>>
            %dma_wait3A_196 = arith.constant 0 : i32
            %dma_wait3A_197 = tpu.memref_slice %arg3[%add3A_182, %dma_wait3A_196] : memref<2560x128xi32, #tpu.memory_space<hbm>> -> memref<16x128xi32, #tpu.memory_space<hbm>>
            %dma_wait3A_198 = arith.constant 0 : i32
            %dma_wait3A_199 = arith.constant 0 : i32
            %dma_wait3A_200 = tpu.memref_slice %arg7[%dma_wait3A_198, %dma_wait3A_199] : memref<64x128xi32, #tpu.memory_space<vmem>> -> memref<16x128xi32, #tpu.memory_space<vmem>>
            %dma_wait3A_201 = arith.constant 0 : i32
            %dma_wait3A_202 = tpu.memref_slice %arg3[%add3A_182, %dma_wait3A_201] : memref<2560x128xi32, #tpu.memory_space<hbm>> -> memref<16x128xi32, #tpu.memory_space<hbm>>
            tpu.wait_dma2 semaphore(%run_scoped3A : memref<!tpu.dma_semaphore, #tpu.memory_space<semaphore_mem>>) src(%dma_wait3A_202 : memref<16x128xi32, #tpu.memory_space<hbm>>) dst(%dma_wait3A_200 : memref<16x128xi32, #tpu.memory_space<vmem>>)
            tpu.yield
          }) : () -> ()
        } else {
        }
        %add3A_175 = arith.constant 1 : i32
        %add3A_176 = arith.addi %scan3A_49, %add3A_175 : i32
        %lt3A = arith.constant 16 : i32
        %lt3A_177 = arith.cmpi slt, %add3A_176, %lt3A : i32
        %convert_element_type3A_178 = arith.extui %lt3A_177 : i1 to i32
        %cond3A_179 = arith.constant 0 : i32
        %cond3A_180 = arith.cmpi ne, %convert_element_type3A_178, %cond3A_179 : i32
        scf.if %cond3A_180 {
          %dma_wait3A_181 = arith.constant 0 : i32
          %dma_wait3A_182 = tpu.memref_slice %arg8[%sub3A_70, %dma_wait3A_181] : memref<32x128xi32, #tpu.memory_space<vmem>> -> memref<1x128xi32, #tpu.memory_space<vmem>>
          %dma_wait3A_183 = tpu.memref_squeeze %dma_wait3A_182 : memref<1x128xi32, #tpu.memory_space<vmem>> -> memref<128xi32, #tpu.memory_space<vmem>>
          %dma_wait3A_184 = arith.constant 0 : i32
          %dma_wait3A_185 = arith.constant 0 : i32
          %dma_wait3A_186 = tpu.memref_slice %arg11[%dma_wait3A_184, %dma_wait3A_185] : memref<10112x128xf32, #tpu.memory_space<vmem_shared>> -> memref<10112x128xf32, #tpu.memory_space<vmem_shared>>
          tpu.wait_indirect_dma semaphore(%arg14 : memref<!tpu.dma_semaphore, #tpu.memory_space<semaphore_mem>>) src(%arg9 : memref<128x128xf32, #tpu.memory_space<vmem>>) dst(%dma_wait3A_186 : memref<10112x128xf32, #tpu.memory_space<vmem_shared>>)
          %dma_start3A_187 = arith.constant 0 : i32
          %dma_start3A_188 = tpu.memref_slice %arg7[%sub3A_101, %dma_start3A_187] : memref<64x128xi32, #tpu.memory_space<vmem>> -> memref<1x128xi32, #tpu.memory_space<vmem>>
          %dma_start3A_189 = tpu.memref_squeeze %dma_start3A_188 : memref<1x128xi32, #tpu.memory_space<vmem>> -> memref<128xi32, #tpu.memory_space<vmem>>
          %dma_start3A_190 = arith.constant 0 : i32
          %dma_start3A_191 = arith.constant 0 : i32
          %dma_start3A_192 = tpu.memref_slice %arg2[%dma_start3A_190, %dma_start3A_191] : memref<10000x128xf32, #tpu.memory_space<hbm>> -> memref<10000x128xf32, #tpu.memory_space<hbm>>
          tpu.enqueue_indirect_dma source(%dma_start3A_192 : memref<10000x128xf32, #tpu.memory_space<hbm>>) target(%arg9 : memref<128x128xf32, #tpu.memory_space<vmem>>) offsets(%dma_start3A_189 : memref<128xi32, #tpu.memory_space<vmem>>) semaphore(%arg12 : memref<!tpu.dma_semaphore, #tpu.memory_space<semaphore_mem>>)
          %add3A_193 = arith.constant 1 : i32
          %add3A_194 = arith.addi %sub3A_70, %add3A_193 : i32
          %dma_wait3A_195 = arith.constant 0 : i32
          %dma_wait3A_196 = tpu.memref_slice %arg8[%add3A_194, %dma_wait3A_195] : memref<32x128xi32, #tpu.memory_space<vmem>> -> memref<1x128xi32, #tpu.memory_space<vmem>>
          %dma_wait3A_197 = tpu.memref_squeeze %dma_wait3A_196 : memref<1x128xi32, #tpu.memory_space<vmem>> -> memref<128xi32, #tpu.memory_space<vmem>>
          %dma_wait3A_198 = arith.constant 0 : i32
          %dma_wait3A_199 = arith.constant 0 : i32
          %dma_wait3A_200 = tpu.memref_slice %arg11[%dma_wait3A_198, %dma_wait3A_199] : memref<10112x128xf32, #tpu.memory_space<vmem_shared>> -> memref<10112x128xf32, #tpu.memory_space<vmem_shared>>
          tpu.wait_indirect_dma semaphore(%arg15 : memref<!tpu.dma_semaphore, #tpu.memory_space<semaphore_mem>>) src(%arg10 : memref<128x128xf32, #tpu.memory_space<vmem>>) dst(%dma_wait3A_200 : memref<10112x128xf32, #tpu.memory_space<vmem_shared>>)
          %dma_start3A_201 = arith.constant 0 : i32
          %dma_start3A_202 = tpu.memref_slice %arg7[%sub3A_132, %dma_start3A_201] : memref<64x128xi32, #tpu.memory_space<vmem>> -> memref<1x128xi32, #tpu.memory_space<vmem>>
          %dma_start3A_203 = tpu.memref_squeeze %dma_start3A_202 : memref<1x128xi32, #tpu.memory_space<vmem>> -> memref<128xi32, #tpu.memory_space<vmem>>
          %dma_start3A_204 = arith.constant 0 : i32
          %dma_start3A_205 = arith.constant 0 : i32
          %dma_start3A_206 = tpu.memref_slice %arg2[%dma_start3A_204, %dma_start3A_205] : memref<10000x128xf32, #tpu.memory_space<hbm>> -> memref<10000x128xf32, #tpu.memory_space<hbm>>
          tpu.enqueue_indirect_dma source(%dma_start3A_206 : memref<10000x128xf32, #tpu.memory_space<hbm>>) target(%arg10 : memref<128x128xf32, #tpu.memory_space<vmem>>) offsets(%dma_start3A_203 : memref<128xi32, #tpu.memory_space<vmem>>) semaphore(%arg13 : memref<!tpu.dma_semaphore, #tpu.memory_space<semaphore_mem>>)
        } else {
        }
      }
      %scan3A_35 = arith.constant 16 : i32
      %dma_wait3A = arith.constant 0 : i32
      %dma_wait3A_36 = arith.constant 0 : i32
      %dma_wait3A_37 = tpu.memref_slice %arg8[%dma_wait3A, %dma_wait3A_36] : memref<32x128xi32, #tpu.memory_space<vmem>> -> memref<1x128xi32, #tpu.memory_space<vmem>>
      %dma_wait3A_38 = tpu.memref_squeeze %dma_wait3A_37 : memref<1x128xi32, #tpu.memory_space<vmem>> -> memref<128xi32, #tpu.memory_space<vmem>>
      %dma_wait3A_39 = arith.constant 0 : i32
      %dma_wait3A_40 = arith.constant 0 : i32
      %dma_wait3A_41 = tpu.memref_slice %arg11[%dma_wait3A_39, %dma_wait3A_40] : memref<10112x128xf32, #tpu.memory_space<vmem_shared>> -> memref<10112x128xf32, #tpu.memory_space<vmem_shared>>
      tpu.wait_indirect_dma semaphore(%arg14 : memref<!tpu.dma_semaphore, #tpu.memory_space<semaphore_mem>>) src(%arg9 : memref<128x128xf32, #tpu.memory_space<vmem>>) dst(%dma_wait3A_41 : memref<10112x128xf32, #tpu.memory_space<vmem_shared>>)
      %dma_wait3A_42 = arith.constant 0 : i32
      %dma_wait3A_43 = arith.constant 0 : i32
      %dma_wait3A_44 = tpu.memref_slice %arg8[%dma_wait3A_42, %dma_wait3A_43] : memref<32x128xi32, #tpu.memory_space<vmem>> -> memref<1x128xi32, #tpu.memory_space<vmem>>
      %dma_wait3A_45 = tpu.memref_squeeze %dma_wait3A_44 : memref<1x128xi32, #tpu.memory_space<vmem>> -> memref<128xi32, #tpu.memory_space<vmem>>
      %dma_wait3A_46 = arith.constant 0 : i32
      %dma_wait3A_47 = arith.constant 0 : i32
      %dma_wait3A_48 = tpu.memref_slice %arg11[%dma_wait3A_46, %dma_wait3A_47] : memref<10112x128xf32, #tpu.memory_space<vmem_shared>> -> memref<10112x128xf32, #tpu.memory_space<vmem_shared>>
      tpu.wait_indirect_dma semaphore(%arg15 : memref<!tpu.dma_semaphore, #tpu.memory_space<semaphore_mem>>) src(%arg10 : memref<128x128xf32, #tpu.memory_space<vmem>>) dst(%dma_wait3A_48 : memref<10112x128xf32, #tpu.memory_space<vmem_shared>>)
    } else {
    }
    %barrier3A_10 = arith.constant 0 : index
    tpu.barrier barrier_id(%barrier3A_10)
    %mul3A_11 = arith.constant 632 : i32
    %mul3A_12 = arith.muli %arg1, %mul3A_11 : i32
    %mul3A_13 = arith.constant 632 : i32
    %mul3A_14 = arith.muli %arg1, %mul3A_13 : i32
    "tpu.region"() ({
      %run_scoped3A = tpu.sem_alloc : memref<!tpu.dma_semaphore, #tpu.memory_space<semaphore_mem>>
      %dma_start3A = arith.constant 0 : i32
      %dma_start3A_15 = arith.constant 0 : i32
      %dma_start3A_16 = tpu.memref_slice %arg6[%arg0, %dma_start3A, %dma_start3A_15] : memref<2x10112x128xf32, #tpu.memory_space<hbm>> -> memref<1x10112x128xf32, #tpu.memory_space<hbm>>
      %dma_start3A_17 = tpu.memref_squeeze %dma_start3A_16 : memref<1x10112x128xf32, #tpu.memory_space<hbm>> -> memref<10112x128xf32, #tpu.memory_space<hbm>>
      %dma_start3A_18 = arith.constant 0 : i32
      %dma_start3A_19 = tpu.memref_slice %dma_start3A_17[%mul3A_14, %dma_start3A_18] : memref<10112x128xf32, #tpu.memory_space<hbm>> -> memref<632x128xf32, #tpu.memory_space<hbm>>
      %dma_start3A_20 = arith.constant 0 : i32
      %dma_start3A_21 = tpu.memref_slice %arg11[%mul3A_12, %dma_start3A_20] : memref<10112x128xf32, #tpu.memory_space<vmem_shared>> -> memref<632x128xf32, #tpu.memory_space<vmem_shared>>
      tpu.enqueue_dma source(%dma_start3A_21 : memref<632x128xf32, #tpu.memory_space<vmem_shared>>) target(%dma_start3A_19 : memref<632x128xf32, #tpu.memory_space<hbm>>) target_semaphore(%run_scoped3A : memref<!tpu.dma_semaphore, #tpu.memory_space<semaphore_mem>>)
      %dma_wait3A = arith.constant 0 : i32
      %dma_wait3A_22 = arith.constant 0 : i32
      %dma_wait3A_23 = tpu.memref_slice %arg6[%arg0, %dma_wait3A, %dma_wait3A_22] : memref<2x10112x128xf32, #tpu.memory_space<hbm>> -> memref<1x10112x128xf32, #tpu.memory_space<hbm>>
      %dma_wait3A_24 = tpu.memref_squeeze %dma_wait3A_23 : memref<1x10112x128xf32, #tpu.memory_space<hbm>> -> memref<10112x128xf32, #tpu.memory_space<hbm>>
      %dma_wait3A_25 = arith.constant 0 : i32
      %dma_wait3A_26 = tpu.memref_slice %dma_wait3A_24[%mul3A_14, %dma_wait3A_25] : memref<10112x128xf32, #tpu.memory_space<hbm>> -> memref<632x128xf32, #tpu.memory_space<hbm>>
      %dma_wait3A_27 = arith.constant 0 : i32
      %dma_wait3A_28 = tpu.memref_slice %arg11[%mul3A_12, %dma_wait3A_27] : memref<10112x128xf32, #tpu.memory_space<vmem_shared>> -> memref<632x128xf32, #tpu.memory_space<vmem_shared>>
      tpu.wait_dma2 semaphore(%run_scoped3A : memref<!tpu.dma_semaphore, #tpu.memory_space<semaphore_mem>>) src(%dma_wait3A_28 : memref<632x128xf32, #tpu.memory_space<vmem_shared>>) dst(%dma_wait3A_26 : memref<632x128xf32, #tpu.memory_space<hbm>>)
      tpu.yield
    }) : () -> ()
    return
  }
}

#map = affine_map<(d0, d1) -> (0, 0)>
#map1 = affine_map<(d0, d1) -> (0, 0, 0)>
module attributes {stable_mosaic.version = 14 : i64} {
  func.func @_sc_deg(%arg0: i32, %arg1: i32, %arg2: memref<2560x128xi32, #tpu.memory_space<hbm>>, %arg3: memref<128x128xf32, #tpu.memory_space<hbm>>, %arg4: memref<10112x128xf32, #tpu.memory_space<hbm>>, %arg5: memref<2x10112x128xf32, #tpu.memory_space<hbm>>, %arg6: memref<80x128xi32, #tpu.memory_space<vmem>>, %arg7: memref<128x128xf32, #tpu.memory_space<vmem>>, %arg8: memref<10112x128xf32, #tpu.memory_space<vmem_shared>>, %arg9: memref<!tpu.dma_semaphore, #tpu.memory_space<semaphore_mem>>) attributes {dimension_semantics = [#tpu.dimension_semantics<core_parallel>, #tpu.dimension_semantics<subcore_parallel>], iteration_bounds = array<i64: 2, 16>, scalar_prefetch = 0 : i64, scratch_operands = 4 : i64, tpu.core_type = #tpu.core_type<sc_vector_subcore>, window_params = [{transform_indices = #map}, {transform_indices = #map}, {transform_indices = #map}, {transform_indices = #map1}]} {
    %mul3A = arith.constant 2 : i32
    %mul3A_0 = arith.muli %arg1, %mul3A : i32
    %add3A = arith.addi %mul3A_0, %arg0 : i32
    %mul3A_1 = arith.constant 632 : i32
    %mul3A_2 = arith.muli %arg1, %mul3A_1 : i32
    %mul3A_3 = arith.constant 632 : i32
    %mul3A_4 = arith.muli %arg1, %mul3A_3 : i32
    "tpu.region"() ({
      %run_scoped3A = tpu.sem_alloc : memref<!tpu.dma_semaphore, #tpu.memory_space<semaphore_mem>>
      %dma_start3A = arith.constant 0 : i32
      %dma_start3A_17 = tpu.memref_slice %arg8[%mul3A_4, %dma_start3A] : memref<10112x128xf32, #tpu.memory_space<vmem_shared>> -> memref<632x128xf32, #tpu.memory_space<vmem_shared>>
      %dma_start3A_18 = arith.constant 0 : i32
      %dma_start3A_19 = tpu.memref_slice %arg4[%mul3A_2, %dma_start3A_18] : memref<10112x128xf32, #tpu.memory_space<hbm>> -> memref<632x128xf32, #tpu.memory_space<hbm>>
      tpu.enqueue_dma source(%dma_start3A_19 : memref<632x128xf32, #tpu.memory_space<hbm>>) target(%dma_start3A_17 : memref<632x128xf32, #tpu.memory_space<vmem_shared>>) target_semaphore(%run_scoped3A : memref<!tpu.dma_semaphore, #tpu.memory_space<semaphore_mem>>)
      %dma_wait3A = arith.constant 0 : i32
      %dma_wait3A_20 = tpu.memref_slice %arg8[%mul3A_4, %dma_wait3A] : memref<10112x128xf32, #tpu.memory_space<vmem_shared>> -> memref<632x128xf32, #tpu.memory_space<vmem_shared>>
      %dma_wait3A_21 = arith.constant 0 : i32
      %dma_wait3A_22 = tpu.memref_slice %arg4[%mul3A_2, %dma_wait3A_21] : memref<10112x128xf32, #tpu.memory_space<hbm>> -> memref<632x128xf32, #tpu.memory_space<hbm>>
      tpu.wait_dma2 semaphore(%run_scoped3A : memref<!tpu.dma_semaphore, #tpu.memory_space<semaphore_mem>>) src(%dma_wait3A_22 : memref<632x128xf32, #tpu.memory_space<hbm>>) dst(%dma_wait3A_20 : memref<632x128xf32, #tpu.memory_space<vmem_shared>>)
      tpu.yield
    }) : () -> ()
    "tpu.region"() ({
      %run_scoped3A = tpu.sem_alloc : memref<!tpu.dma_semaphore, #tpu.memory_space<semaphore_mem>>
      tpu.enqueue_dma source(%arg3 : memref<128x128xf32, #tpu.memory_space<hbm>>) target(%arg7 : memref<128x128xf32, #tpu.memory_space<vmem>>) target_semaphore(%run_scoped3A : memref<!tpu.dma_semaphore, #tpu.memory_space<semaphore_mem>>)
      tpu.wait_dma2 semaphore(%run_scoped3A : memref<!tpu.dma_semaphore, #tpu.memory_space<semaphore_mem>>) src(%arg3 : memref<128x128xf32, #tpu.memory_space<hbm>>) dst(%arg7 : memref<128x128xf32, #tpu.memory_space<vmem>>)
      tpu.yield
    }) : () -> ()
    %mul3A_5 = arith.constant 80 : i32
    %mul3A_6 = arith.muli %add3A, %mul3A_5 : i32
    "tpu.region"() ({
      %run_scoped3A = tpu.sem_alloc : memref<!tpu.dma_semaphore, #tpu.memory_space<semaphore_mem>>
      %dma_start3A = arith.constant 0 : i32
      %dma_start3A_17 = tpu.memref_slice %arg2[%mul3A_6, %dma_start3A] : memref<2560x128xi32, #tpu.memory_space<hbm>> -> memref<80x128xi32, #tpu.memory_space<hbm>>
      %dma_start3A_18 = arith.constant 0 : i32
      %dma_start3A_19 = tpu.memref_slice %arg2[%mul3A_6, %dma_start3A_18] : memref<2560x128xi32, #tpu.memory_space<hbm>> -> memref<80x128xi32, #tpu.memory_space<hbm>>
      tpu.enqueue_dma source(%dma_start3A_19 : memref<80x128xi32, #tpu.memory_space<hbm>>) target(%arg6 : memref<80x128xi32, #tpu.memory_space<vmem>>) target_semaphore(%run_scoped3A : memref<!tpu.dma_semaphore, #tpu.memory_space<semaphore_mem>>)
      %dma_wait3A = arith.constant 0 : i32
      %dma_wait3A_20 = tpu.memref_slice %arg2[%mul3A_6, %dma_wait3A] : memref<2560x128xi32, #tpu.memory_space<hbm>> -> memref<80x128xi32, #tpu.memory_space<hbm>>
      %dma_wait3A_21 = arith.constant 0 : i32
      %dma_wait3A_22 = tpu.memref_slice %arg2[%mul3A_6, %dma_wait3A_21] : memref<2560x128xi32, #tpu.memory_space<hbm>> -> memref<80x128xi32, #tpu.memory_space<hbm>>
      tpu.wait_dma2 semaphore(%run_scoped3A : memref<!tpu.dma_semaphore, #tpu.memory_space<semaphore_mem>>) src(%dma_wait3A_22 : memref<80x128xi32, #tpu.memory_space<hbm>>) dst(%arg6 : memref<80x128xi32, #tpu.memory_space<vmem>>)
      tpu.yield
    }) : () -> ()
    %barrier3A = arith.constant 0 : index
    tpu.barrier barrier_id(%barrier3A)
    %scan3A = arith.constant 0 : i32
    %scan3A_7 = arith.constant 0 : i32
    %scan3A_8 = arith.constant 10 : i32
    %scan3A_9 = arith.addi %scan3A_7, %scan3A_8 : i32
    %scan3A_10 = arith.constant 1 : i32
    scf.for %scan3A_17 = %scan3A_7 to %scan3A_9 step %scan3A_10  : i32 {
      %mul3A_18 = arith.constant 8 : i32
      %mul3A_19 = arith.muli %scan3A_17, %mul3A_18 : i32
      %add3A_20 = arith.constant 0 : i32
      %add3A_21 = arith.addi %mul3A_19, %add3A_20 : i32
      %dma_start3A = arith.constant 0 : i32
      %dma_start3A_22 = tpu.memref_slice %arg6[%add3A_21, %dma_start3A] : memref<80x128xi32, #tpu.memory_space<vmem>> -> memref<1x128xi32, #tpu.memory_space<vmem>>
      %dma_start3A_23 = tpu.memref_squeeze %dma_start3A_22 : memref<1x128xi32, #tpu.memory_space<vmem>> -> memref<128xi32, #tpu.memory_space<vmem>>
      %dma_start3A_24 = arith.constant 0 : i32
      %dma_start3A_25 = arith.constant 0 : i32
      %dma_start3A_26 = tpu.memref_slice %arg8[%dma_start3A_24, %dma_start3A_25] : memref<10112x128xf32, #tpu.memory_space<vmem_shared>> -> memref<10112x128xf32, #tpu.memory_space<vmem_shared>>
      tpu.enqueue_indirect_dma source(%arg7 : memref<128x128xf32, #tpu.memory_space<vmem>>) target(%dma_start3A_26 : memref<10112x128xf32, #tpu.memory_space<vmem_shared>>) offsets(%dma_start3A_23 : memref<128xi32, #tpu.memory_space<vmem>>) semaphore(%arg9 : memref<!tpu.dma_semaphore, #tpu.memory_space<semaphore_mem>>) {add = true}
      %add3A_27 = arith.constant 1 : i32
      %add3A_28 = arith.addi %mul3A_19, %add3A_27 : i32
      %dma_start3A_29 = arith.constant 0 : i32
      %dma_start3A_30 = tpu.memref_slice %arg6[%add3A_28, %dma_start3A_29] : memref<80x128xi32, #tpu.memory_space<vmem>> -> memref<1x128xi32, #tpu.memory_space<vmem>>
      %dma_start3A_31 = tpu.memref_squeeze %dma_start3A_30 : memref<1x128xi32, #tpu.memory_space<vmem>> -> memref<128xi32, #tpu.memory_space<vmem>>
      %dma_start3A_32 = arith.constant 0 : i32
      %dma_start3A_33 = arith.constant 0 : i32
      %dma_start3A_34 = tpu.memref_slice %arg8[%dma_start3A_32, %dma_start3A_33] : memref<10112x128xf32, #tpu.memory_space<vmem_shared>> -> memref<10112x128xf32, #tpu.memory_space<vmem_shared>>
      tpu.enqueue_indirect_dma source(%arg7 : memref<128x128xf32, #tpu.memory_space<vmem>>) target(%dma_start3A_34 : memref<10112x128xf32, #tpu.memory_space<vmem_shared>>) offsets(%dma_start3A_31 : memref<128xi32, #tpu.memory_space<vmem>>) semaphore(%arg9 : memref<!tpu.dma_semaphore, #tpu.memory_space<semaphore_mem>>) {add = true}
      %add3A_35 = arith.constant 2 : i32
      %add3A_36 = arith.addi %mul3A_19, %add3A_35 : i32
      %dma_start3A_37 = arith.constant 0 : i32
      %dma_start3A_38 = tpu.memref_slice %arg6[%add3A_36, %dma_start3A_37] : memref<80x128xi32, #tpu.memory_space<vmem>> -> memref<1x128xi32, #tpu.memory_space<vmem>>
      %dma_start3A_39 = tpu.memref_squeeze %dma_start3A_38 : memref<1x128xi32, #tpu.memory_space<vmem>> -> memref<128xi32, #tpu.memory_space<vmem>>
      %dma_start3A_40 = arith.constant 0 : i32
      %dma_start3A_41 = arith.constant 0 : i32
      %dma_start3A_42 = tpu.memref_slice %arg8[%dma_start3A_40, %dma_start3A_41] : memref<10112x128xf32, #tpu.memory_space<vmem_shared>> -> memref<10112x128xf32, #tpu.memory_space<vmem_shared>>
      tpu.enqueue_indirect_dma source(%arg7 : memref<128x128xf32, #tpu.memory_space<vmem>>) target(%dma_start3A_42 : memref<10112x128xf32, #tpu.memory_space<vmem_shared>>) offsets(%dma_start3A_39 : memref<128xi32, #tpu.memory_space<vmem>>) semaphore(%arg9 : memref<!tpu.dma_semaphore, #tpu.memory_space<semaphore_mem>>) {add = true}
      %add3A_43 = arith.constant 3 : i32
      %add3A_44 = arith.addi %mul3A_19, %add3A_43 : i32
      %dma_start3A_45 = arith.constant 0 : i32
      %dma_start3A_46 = tpu.memref_slice %arg6[%add3A_44, %dma_start3A_45] : memref<80x128xi32, #tpu.memory_space<vmem>> -> memref<1x128xi32, #tpu.memory_space<vmem>>
      %dma_start3A_47 = tpu.memref_squeeze %dma_start3A_46 : memref<1x128xi32, #tpu.memory_space<vmem>> -> memref<128xi32, #tpu.memory_space<vmem>>
      %dma_start3A_48 = arith.constant 0 : i32
      %dma_start3A_49 = arith.constant 0 : i32
      %dma_start3A_50 = tpu.memref_slice %arg8[%dma_start3A_48, %dma_start3A_49] : memref<10112x128xf32, #tpu.memory_space<vmem_shared>> -> memref<10112x128xf32, #tpu.memory_space<vmem_shared>>
      tpu.enqueue_indirect_dma source(%arg7 : memref<128x128xf32, #tpu.memory_space<vmem>>) target(%dma_start3A_50 : memref<10112x128xf32, #tpu.memory_space<vmem_shared>>) offsets(%dma_start3A_47 : memref<128xi32, #tpu.memory_space<vmem>>) semaphore(%arg9 : memref<!tpu.dma_semaphore, #tpu.memory_space<semaphore_mem>>) {add = true}
      %add3A_51 = arith.constant 4 : i32
      %add3A_52 = arith.addi %mul3A_19, %add3A_51 : i32
      %dma_start3A_53 = arith.constant 0 : i32
      %dma_start3A_54 = tpu.memref_slice %arg6[%add3A_52, %dma_start3A_53] : memref<80x128xi32, #tpu.memory_space<vmem>> -> memref<1x128xi32, #tpu.memory_space<vmem>>
      %dma_start3A_55 = tpu.memref_squeeze %dma_start3A_54 : memref<1x128xi32, #tpu.memory_space<vmem>> -> memref<128xi32, #tpu.memory_space<vmem>>
      %dma_start3A_56 = arith.constant 0 : i32
      %dma_start3A_57 = arith.constant 0 : i32
      %dma_start3A_58 = tpu.memref_slice %arg8[%dma_start3A_56, %dma_start3A_57] : memref<10112x128xf32, #tpu.memory_space<vmem_shared>> -> memref<10112x128xf32, #tpu.memory_space<vmem_shared>>
      tpu.enqueue_indirect_dma source(%arg7 : memref<128x128xf32, #tpu.memory_space<vmem>>) target(%dma_start3A_58 : memref<10112x128xf32, #tpu.memory_space<vmem_shared>>) offsets(%dma_start3A_55 : memref<128xi32, #tpu.memory_space<vmem>>) semaphore(%arg9 : memref<!tpu.dma_semaphore, #tpu.memory_space<semaphore_mem>>) {add = true}
      %add3A_59 = arith.constant 5 : i32
      %add3A_60 = arith.addi %mul3A_19, %add3A_59 : i32
      %dma_start3A_61 = arith.constant 0 : i32
      %dma_start3A_62 = tpu.memref_slice %arg6[%add3A_60, %dma_start3A_61] : memref<80x128xi32, #tpu.memory_space<vmem>> -> memref<1x128xi32, #tpu.memory_space<vmem>>
      %dma_start3A_63 = tpu.memref_squeeze %dma_start3A_62 : memref<1x128xi32, #tpu.memory_space<vmem>> -> memref<128xi32, #tpu.memory_space<vmem>>
      %dma_start3A_64 = arith.constant 0 : i32
      %dma_start3A_65 = arith.constant 0 : i32
      %dma_start3A_66 = tpu.memref_slice %arg8[%dma_start3A_64, %dma_start3A_65] : memref<10112x128xf32, #tpu.memory_space<vmem_shared>> -> memref<10112x128xf32, #tpu.memory_space<vmem_shared>>
      tpu.enqueue_indirect_dma source(%arg7 : memref<128x128xf32, #tpu.memory_space<vmem>>) target(%dma_start3A_66 : memref<10112x128xf32, #tpu.memory_space<vmem_shared>>) offsets(%dma_start3A_63 : memref<128xi32, #tpu.memory_space<vmem>>) semaphore(%arg9 : memref<!tpu.dma_semaphore, #tpu.memory_space<semaphore_mem>>) {add = true}
      %add3A_67 = arith.constant 6 : i32
      %add3A_68 = arith.addi %mul3A_19, %add3A_67 : i32
      %dma_start3A_69 = arith.constant 0 : i32
      %dma_start3A_70 = tpu.memref_slice %arg6[%add3A_68, %dma_start3A_69] : memref<80x128xi32, #tpu.memory_space<vmem>> -> memref<1x128xi32, #tpu.memory_space<vmem>>
      %dma_start3A_71 = tpu.memref_squeeze %dma_start3A_70 : memref<1x128xi32, #tpu.memory_space<vmem>> -> memref<128xi32, #tpu.memory_space<vmem>>
      %dma_start3A_72 = arith.constant 0 : i32
      %dma_start3A_73 = arith.constant 0 : i32
      %dma_start3A_74 = tpu.memref_slice %arg8[%dma_start3A_72, %dma_start3A_73] : memref<10112x128xf32, #tpu.memory_space<vmem_shared>> -> memref<10112x128xf32, #tpu.memory_space<vmem_shared>>
      tpu.enqueue_indirect_dma source(%arg7 : memref<128x128xf32, #tpu.memory_space<vmem>>) target(%dma_start3A_74 : memref<10112x128xf32, #tpu.memory_space<vmem_shared>>) offsets(%dma_start3A_71 : memref<128xi32, #tpu.memory_space<vmem>>) semaphore(%arg9 : memref<!tpu.dma_semaphore, #tpu.memory_space<semaphore_mem>>) {add = true}
      %add3A_75 = arith.constant 7 : i32
      %add3A_76 = arith.addi %mul3A_19, %add3A_75 : i32
      %dma_start3A_77 = arith.constant 0 : i32
      %dma_start3A_78 = tpu.memref_slice %arg6[%add3A_76, %dma_start3A_77] : memref<80x128xi32, #tpu.memory_space<vmem>> -> memref<1x128xi32, #tpu.memory_space<vmem>>
      %dma_start3A_79 = tpu.memref_squeeze %dma_start3A_78 : memref<1x128xi32, #tpu.memory_space<vmem>> -> memref<128xi32, #tpu.memory_space<vmem>>
      %dma_start3A_80 = arith.constant 0 : i32
      %dma_start3A_81 = arith.constant 0 : i32
      %dma_start3A_82 = tpu.memref_slice %arg8[%dma_start3A_80, %dma_start3A_81] : memref<10112x128xf32, #tpu.memory_space<vmem_shared>> -> memref<10112x128xf32, #tpu.memory_space<vmem_shared>>
      tpu.enqueue_indirect_dma source(%arg7 : memref<128x128xf32, #tpu.memory_space<vmem>>) target(%dma_start3A_82 : memref<10112x128xf32, #tpu.memory_space<vmem_shared>>) offsets(%dma_start3A_79 : memref<128xi32, #tpu.memory_space<vmem>>) semaphore(%arg9 : memref<!tpu.dma_semaphore, #tpu.memory_space<semaphore_mem>>) {add = true}
      %add3A_83 = arith.constant 0 : i32
      %add3A_84 = arith.addi %mul3A_19, %add3A_83 : i32
      %dma_wait3A = arith.constant 0 : i32
      %dma_wait3A_85 = tpu.memref_slice %arg6[%add3A_84, %dma_wait3A] : memref<80x128xi32, #tpu.memory_space<vmem>> -> memref<1x128xi32, #tpu.memory_space<vmem>>
      %dma_wait3A_86 = tpu.memref_squeeze %dma_wait3A_85 : memref<1x128xi32, #tpu.memory_space<vmem>> -> memref<128xi32, #tpu.memory_space<vmem>>
      %dma_wait3A_87 = arith.constant 0 : i32
      %dma_wait3A_88 = arith.constant 0 : i32
      %dma_wait3A_89 = tpu.memref_slice %arg8[%dma_wait3A_87, %dma_wait3A_88] : memref<10112x128xf32, #tpu.memory_space<vmem_shared>> -> memref<10112x128xf32, #tpu.memory_space<vmem_shared>>
      tpu.wait_indirect_dma semaphore(%arg9 : memref<!tpu.dma_semaphore, #tpu.memory_space<semaphore_mem>>) src(%arg7 : memref<128x128xf32, #tpu.memory_space<vmem>>) dst(%dma_wait3A_89 : memref<10112x128xf32, #tpu.memory_space<vmem_shared>>)
      %add3A_90 = arith.constant 1 : i32
      %add3A_91 = arith.addi %mul3A_19, %add3A_90 : i32
      %dma_wait3A_92 = arith.constant 0 : i32
      %dma_wait3A_93 = tpu.memref_slice %arg6[%add3A_91, %dma_wait3A_92] : memref<80x128xi32, #tpu.memory_space<vmem>> -> memref<1x128xi32, #tpu.memory_space<vmem>>
      %dma_wait3A_94 = tpu.memref_squeeze %dma_wait3A_93 : memref<1x128xi32, #tpu.memory_space<vmem>> -> memref<128xi32, #tpu.memory_space<vmem>>
      %dma_wait3A_95 = arith.constant 0 : i32
      %dma_wait3A_96 = arith.constant 0 : i32
      %dma_wait3A_97 = tpu.memref_slice %arg8[%dma_wait3A_95, %dma_wait3A_96] : memref<10112x128xf32, #tpu.memory_space<vmem_shared>> -> memref<10112x128xf32, #tpu.memory_space<vmem_shared>>
      tpu.wait_indirect_dma semaphore(%arg9 : memref<!tpu.dma_semaphore, #tpu.memory_space<semaphore_mem>>) src(%arg7 : memref<128x128xf32, #tpu.memory_space<vmem>>) dst(%dma_wait3A_97 : memref<10112x128xf32, #tpu.memory_space<vmem_shared>>)
      %add3A_98 = arith.constant 2 : i32
      %add3A_99 = arith.addi %mul3A_19, %add3A_98 : i32
      %dma_wait3A_100 = arith.constant 0 : i32
      %dma_wait3A_101 = tpu.memref_slice %arg6[%add3A_99, %dma_wait3A_100] : memref<80x128xi32, #tpu.memory_space<vmem>> -> memref<1x128xi32, #tpu.memory_space<vmem>>
      %dma_wait3A_102 = tpu.memref_squeeze %dma_wait3A_101 : memref<1x128xi32, #tpu.memory_space<vmem>> -> memref<128xi32, #tpu.memory_space<vmem>>
      %dma_wait3A_103 = arith.constant 0 : i32
      %dma_wait3A_104 = arith.constant 0 : i32
      %dma_wait3A_105 = tpu.memref_slice %arg8[%dma_wait3A_103, %dma_wait3A_104] : memref<10112x128xf32, #tpu.memory_space<vmem_shared>> -> memref<10112x128xf32, #tpu.memory_space<vmem_shared>>
      tpu.wait_indirect_dma semaphore(%arg9 : memref<!tpu.dma_semaphore, #tpu.memory_space<semaphore_mem>>) src(%arg7 : memref<128x128xf32, #tpu.memory_space<vmem>>) dst(%dma_wait3A_105 : memref<10112x128xf32, #tpu.memory_space<vmem_shared>>)
      %add3A_106 = arith.constant 3 : i32
      %add3A_107 = arith.addi %mul3A_19, %add3A_106 : i32
      %dma_wait3A_108 = arith.constant 0 : i32
      %dma_wait3A_109 = tpu.memref_slice %arg6[%add3A_107, %dma_wait3A_108] : memref<80x128xi32, #tpu.memory_space<vmem>> -> memref<1x128xi32, #tpu.memory_space<vmem>>
      %dma_wait3A_110 = tpu.memref_squeeze %dma_wait3A_109 : memref<1x128xi32, #tpu.memory_space<vmem>> -> memref<128xi32, #tpu.memory_space<vmem>>
      %dma_wait3A_111 = arith.constant 0 : i32
      %dma_wait3A_112 = arith.constant 0 : i32
      %dma_wait3A_113 = tpu.memref_slice %arg8[%dma_wait3A_111, %dma_wait3A_112] : memref<10112x128xf32, #tpu.memory_space<vmem_shared>> -> memref<10112x128xf32, #tpu.memory_space<vmem_shared>>
      tpu.wait_indirect_dma semaphore(%arg9 : memref<!tpu.dma_semaphore, #tpu.memory_space<semaphore_mem>>) src(%arg7 : memref<128x128xf32, #tpu.memory_space<vmem>>) dst(%dma_wait3A_113 : memref<10112x128xf32, #tpu.memory_space<vmem_shared>>)
      %add3A_114 = arith.constant 4 : i32
      %add3A_115 = arith.addi %mul3A_19, %add3A_114 : i32
      %dma_wait3A_116 = arith.constant 0 : i32
      %dma_wait3A_117 = tpu.memref_slice %arg6[%add3A_115, %dma_wait3A_116] : memref<80x128xi32, #tpu.memory_space<vmem>> -> memref<1x128xi32, #tpu.memory_space<vmem>>
      %dma_wait3A_118 = tpu.memref_squeeze %dma_wait3A_117 : memref<1x128xi32, #tpu.memory_space<vmem>> -> memref<128xi32, #tpu.memory_space<vmem>>
      %dma_wait3A_119 = arith.constant 0 : i32
      %dma_wait3A_120 = arith.constant 0 : i32
      %dma_wait3A_121 = tpu.memref_slice %arg8[%dma_wait3A_119, %dma_wait3A_120] : memref<10112x128xf32, #tpu.memory_space<vmem_shared>> -> memref<10112x128xf32, #tpu.memory_space<vmem_shared>>
      tpu.wait_indirect_dma semaphore(%arg9 : memref<!tpu.dma_semaphore, #tpu.memory_space<semaphore_mem>>) src(%arg7 : memref<128x128xf32, #tpu.memory_space<vmem>>) dst(%dma_wait3A_121 : memref<10112x128xf32, #tpu.memory_space<vmem_shared>>)
      %add3A_122 = arith.constant 5 : i32
      %add3A_123 = arith.addi %mul3A_19, %add3A_122 : i32
      %dma_wait3A_124 = arith.constant 0 : i32
      %dma_wait3A_125 = tpu.memref_slice %arg6[%add3A_123, %dma_wait3A_124] : memref<80x128xi32, #tpu.memory_space<vmem>> -> memref<1x128xi32, #tpu.memory_space<vmem>>
      %dma_wait3A_126 = tpu.memref_squeeze %dma_wait3A_125 : memref<1x128xi32, #tpu.memory_space<vmem>> -> memref<128xi32, #tpu.memory_space<vmem>>
      %dma_wait3A_127 = arith.constant 0 : i32
      %dma_wait3A_128 = arith.constant 0 : i32
      %dma_wait3A_129 = tpu.memref_slice %arg8[%dma_wait3A_127, %dma_wait3A_128] : memref<10112x128xf32, #tpu.memory_space<vmem_shared>> -> memref<10112x128xf32, #tpu.memory_space<vmem_shared>>
      tpu.wait_indirect_dma semaphore(%arg9 : memref<!tpu.dma_semaphore, #tpu.memory_space<semaphore_mem>>) src(%arg7 : memref<128x128xf32, #tpu.memory_space<vmem>>) dst(%dma_wait3A_129 : memref<10112x128xf32, #tpu.memory_space<vmem_shared>>)
      %add3A_130 = arith.constant 6 : i32
      %add3A_131 = arith.addi %mul3A_19, %add3A_130 : i32
      %dma_wait3A_132 = arith.constant 0 : i32
      %dma_wait3A_133 = tpu.memref_slice %arg6[%add3A_131, %dma_wait3A_132] : memref<80x128xi32, #tpu.memory_space<vmem>> -> memref<1x128xi32, #tpu.memory_space<vmem>>
      %dma_wait3A_134 = tpu.memref_squeeze %dma_wait3A_133 : memref<1x128xi32, #tpu.memory_space<vmem>> -> memref<128xi32, #tpu.memory_space<vmem>>
      %dma_wait3A_135 = arith.constant 0 : i32
      %dma_wait3A_136 = arith.constant 0 : i32
      %dma_wait3A_137 = tpu.memref_slice %arg8[%dma_wait3A_135, %dma_wait3A_136] : memref<10112x128xf32, #tpu.memory_space<vmem_shared>> -> memref<10112x128xf32, #tpu.memory_space<vmem_shared>>
      tpu.wait_indirect_dma semaphore(%arg9 : memref<!tpu.dma_semaphore, #tpu.memory_space<semaphore_mem>>) src(%arg7 : memref<128x128xf32, #tpu.memory_space<vmem>>) dst(%dma_wait3A_137 : memref<10112x128xf32, #tpu.memory_space<vmem_shared>>)
      %add3A_138 = arith.constant 7 : i32
      %add3A_139 = arith.addi %mul3A_19, %add3A_138 : i32
      %dma_wait3A_140 = arith.constant 0 : i32
      %dma_wait3A_141 = tpu.memref_slice %arg6[%add3A_139, %dma_wait3A_140] : memref<80x128xi32, #tpu.memory_space<vmem>> -> memref<1x128xi32, #tpu.memory_space<vmem>>
      %dma_wait3A_142 = tpu.memref_squeeze %dma_wait3A_141 : memref<1x128xi32, #tpu.memory_space<vmem>> -> memref<128xi32, #tpu.memory_space<vmem>>
      %dma_wait3A_143 = arith.constant 0 : i32
      %dma_wait3A_144 = arith.constant 0 : i32
      %dma_wait3A_145 = tpu.memref_slice %arg8[%dma_wait3A_143, %dma_wait3A_144] : memref<10112x128xf32, #tpu.memory_space<vmem_shared>> -> memref<10112x128xf32, #tpu.memory_space<vmem_shared>>
      tpu.wait_indirect_dma semaphore(%arg9 : memref<!tpu.dma_semaphore, #tpu.memory_space<semaphore_mem>>) src(%arg7 : memref<128x128xf32, #tpu.memory_space<vmem>>) dst(%dma_wait3A_145 : memref<10112x128xf32, #tpu.memory_space<vmem_shared>>)
    }
    %scan3A_11 = arith.constant 10 : i32
    %barrier3A_12 = arith.constant 0 : index
    tpu.barrier barrier_id(%barrier3A_12)
    %mul3A_13 = arith.constant 632 : i32
    %mul3A_14 = arith.muli %arg1, %mul3A_13 : i32
    %mul3A_15 = arith.constant 632 : i32
    %mul3A_16 = arith.muli %arg1, %mul3A_15 : i32
    "tpu.region"() ({
      %run_scoped3A = tpu.sem_alloc : memref<!tpu.dma_semaphore, #tpu.memory_space<semaphore_mem>>
      %dma_start3A = arith.constant 0 : i32
      %dma_start3A_17 = arith.constant 0 : i32
      %dma_start3A_18 = tpu.memref_slice %arg5[%arg0, %dma_start3A, %dma_start3A_17] : memref<2x10112x128xf32, #tpu.memory_space<hbm>> -> memref<1x10112x128xf32, #tpu.memory_space<hbm>>
      %dma_start3A_19 = tpu.memref_squeeze %dma_start3A_18 : memref<1x10112x128xf32, #tpu.memory_space<hbm>> -> memref<10112x128xf32, #tpu.memory_space<hbm>>
      %dma_start3A_20 = arith.constant 0 : i32
      %dma_start3A_21 = tpu.memref_slice %dma_start3A_19[%mul3A_16, %dma_start3A_20] : memref<10112x128xf32, #tpu.memory_space<hbm>> -> memref<632x128xf32, #tpu.memory_space<hbm>>
      %dma_start3A_22 = arith.constant 0 : i32
      %dma_start3A_23 = tpu.memref_slice %arg8[%mul3A_14, %dma_start3A_22] : memref<10112x128xf32, #tpu.memory_space<vmem_shared>> -> memref<632x128xf32, #tpu.memory_space<vmem_shared>>
      tpu.enqueue_dma source(%dma_start3A_23 : memref<632x128xf32, #tpu.memory_space<vmem_shared>>) target(%dma_start3A_21 : memref<632x128xf32, #tpu.memory_space<hbm>>) target_semaphore(%run_scoped3A : memref<!tpu.dma_semaphore, #tpu.memory_space<semaphore_mem>>)
      %dma_wait3A = arith.constant 0 : i32
      %dma_wait3A_24 = arith.constant 0 : i32
      %dma_wait3A_25 = tpu.memref_slice %arg5[%arg0, %dma_wait3A, %dma_wait3A_24] : memref<2x10112x128xf32, #tpu.memory_space<hbm>> -> memref<1x10112x128xf32, #tpu.memory_space<hbm>>
      %dma_wait3A_26 = tpu.memref_squeeze %dma_wait3A_25 : memref<1x10112x128xf32, #tpu.memory_space<hbm>> -> memref<10112x128xf32, #tpu.memory_space<hbm>>
      %dma_wait3A_27 = arith.constant 0 : i32
      %dma_wait3A_28 = tpu.memref_slice %dma_wait3A_26[%mul3A_16, %dma_wait3A_27] : memref<10112x128xf32, #tpu.memory_space<hbm>> -> memref<632x128xf32, #tpu.memory_space<hbm>>
      %dma_wait3A_29 = arith.constant 0 : i32
      %dma_wait3A_30 = tpu.memref_slice %arg8[%mul3A_14, %dma_wait3A_29] : memref<10112x128xf32, #tpu.memory_space<vmem_shared>> -> memref<632x128xf32, #tpu.memory_space<vmem_shared>>
      tpu.wait_dma2 semaphore(%run_scoped3A : memref<!tpu.dma_semaphore, #tpu.memory_space<semaphore_mem>>) src(%dma_wait3A_30 : memref<632x128xf32, #tpu.memory_space<vmem_shared>>) dst(%dma_wait3A_28 : memref<632x128xf32, #tpu.memory_space<hbm>>)
      tpu.yield
    }) : () -> ()
    return
  }
}

module attributes {stable_mosaic.version = 14 : i64} {
  func.func @_mm1_body(%arg0: i32, %arg1: memref<1000x128xf32, #tpu.memory_space<vmem>>, %arg2: memref<128x128xf32, #tpu.memory_space<vmem>>, %arg3: memref<1000x1xf32, #tpu.memory_space<vmem>>, %arg4: memref<1000x1xf32, #tpu.memory_space<vmem>>, %arg5: memref<1000x128xf32, #tpu.memory_space<vmem>>) attributes {dimension_semantics = [#tpu.dimension_semantics<arbitrary>], iteration_bounds = array<i64: 10>, scalar_prefetch = 0 : i64, scratch_operands = 0 : i64, tpu.core_type = #tpu.core_type<tc>, window_params = [{transform_indices = @transform_0, window_bounds = array<i64: 1000, 128>}, {pipeline_mode = #tpu.pipeline_mode<synchronous>, transform_indices = @transform_1, window_bounds = array<i64: 128, 128>}, {transform_indices = @transform_2, window_bounds = array<i64: 1000, 1>}, {transform_indices = @transform_3, window_bounds = array<i64: 1000, 1>}, {transform_indices = @transform_4, window_bounds = array<i64: 1000, 128>}]} {
    %get3A = arith.constant 0 : index
    %get3A_0 = arith.constant 0 : index
    %get3A_1 = vector.load %arg3[%get3A, %get3A_0] : memref<1000x1xf32, #tpu.memory_space<vmem>>, vector<1000x1xf32>
    %get3A_2 = arith.constant 0 : index
    %get3A_3 = arith.constant 0 : index
    %get3A_4 = vector.load %arg4[%get3A_2, %get3A_3] : memref<1000x1xf32, #tpu.memory_space<vmem>>, vector<1000x1xf32>
    %add3A = arith.addf %get3A_1, %get3A_4 : vector<1000x1xf32>
    %add3A_5 = arith.constant 1.000000e+00 : f32
    %add3A_6 = vector.broadcast %add3A_5 : f32 to vector<1000x1xf32>
    %add3A_7 = arith.addf %add3A, %add3A_6 : vector<1000x1xf32>
    %rsqrt3A = math.rsqrt %add3A_7 : vector<1000x1xf32>
    %get3A_8 = arith.constant 0 : index
    %get3A_9 = arith.constant 0 : index
    %get3A_10 = vector.load %arg1[%get3A_8, %get3A_9] : memref<1000x128xf32, #tpu.memory_space<vmem>>, vector<1000x128xf32>
    %get3A_11 = arith.constant 0 : index
    %get3A_12 = arith.constant 0 : index
    %get3A_13 = vector.load %arg2[%get3A_11, %get3A_12] : memref<128x128xf32, #tpu.memory_space<vmem>>, vector<128x128xf32>
    %dot_general3A = arith.constant dense<0.000000e+00> : vector<1000x128xf32>
    %dot_general3A_14 = tpu.matmul %get3A_10, %get3A_13, %dot_general3A {dimension_numbers = #tpu.dot_dimension_numbers<[1], [0], [0], [1], [0, 0, 1, 1], [], []>, transpose_lhs_hint = false} : vector<1000x128xf32>, vector<128x128xf32>, vector<1000x128xf32> -> vector<1000x128xf32>
    %mul3A = vector.broadcast %rsqrt3A : vector<1000x1xf32> to vector<1000x128xf32>
    %mul3A_15 = arith.mulf %mul3A, %dot_general3A_14 : vector<1000x128xf32>
    %swap3A = arith.constant 0 : index
    %swap3A_16 = arith.constant 0 : index
    %swap3A_17 = vector.load %arg5[%swap3A, %swap3A_16] : memref<1000x128xf32, #tpu.memory_space<vmem>>, vector<1000x128xf32>
    tpu.vector_store %arg5[%swap3A, %swap3A_16], %mul3A_15 {strides = array<i32>} : memref<1000x128xf32, #tpu.memory_space<vmem>>, vector<1000x128xf32>,
    return
  }
  func.func @transform_0(%arg0: i32) -> (i32, i32) {
    %c0_i32 = arith.constant 0 : i32
    %c0_i32_0 = arith.constant 0 : i32
    return %arg0, %c0_i32 : i32, i32
  }
  func.func @transform_1(%arg0: i32) -> (i32, i32) {
    %c0_i32 = arith.constant 0 : i32
    %c0_i32_0 = arith.constant 0 : i32
    %c0_i32_1 = arith.constant 0 : i32
    return %c0_i32, %c0_i32_0 : i32, i32
  }
  func.func @transform_2(%arg0: i32) -> (i32, i32) {
    %c0_i32 = arith.constant 0 : i32
    %c0_i32_0 = arith.constant 0 : i32
    return %arg0, %c0_i32 : i32, i32
  }
  func.func @transform_3(%arg0: i32) -> (i32, i32) {
    %c0_i32 = arith.constant 0 : i32
    %c0_i32_0 = arith.constant 0 : i32
    return %arg0, %c0_i32 : i32, i32
  }
  func.func @transform_4(%arg0: i32) -> (i32, i32) {
    %c0_i32 = arith.constant 0 : i32
    %c0_i32_0 = arith.constant 0 : i32
    return %arg0, %c0_i32 : i32, i32
  }
}

module attributes {stable_mosaic.version = 14 : i64} {
  func.func @_mm2_body(%arg0: i32, %arg1: memref<1000x128xf32, #tpu.memory_space<vmem>>, %arg2: memref<1000x128xf32, #tpu.memory_space<vmem>>, %arg3: memref<1000x128xf32, #tpu.memory_space<vmem>>, %arg4: memref<1000x1xf32, #tpu.memory_space<vmem>>, %arg5: memref<1000x1xf32, #tpu.memory_space<vmem>>, %arg6: memref<1x128xf32, #tpu.memory_space<vmem>>, %arg7: memref<128x128xf32, #tpu.memory_space<vmem>>, %arg8: memref<1000x128xf32, #tpu.memory_space<vmem>>) attributes {dimension_semantics = [#tpu.dimension_semantics<arbitrary>], iteration_bounds = array<i64: 10>, scalar_prefetch = 0 : i64, scratch_operands = 0 : i64, tpu.core_type = #tpu.core_type<tc>, window_params = [{transform_indices = @transform_0, window_bounds = array<i64: 1000, 128>}, {transform_indices = @transform_1, window_bounds = array<i64: 1000, 128>}, {transform_indices = @transform_2, window_bounds = array<i64: 1000, 128>}, {transform_indices = @transform_3, window_bounds = array<i64: 1000, 1>}, {transform_indices = @transform_4, window_bounds = array<i64: 1000, 1>}, {pipeline_mode = #tpu.pipeline_mode<synchronous>, transform_indices = @transform_5, window_bounds = array<i64: 1, 128>}, {pipeline_mode = #tpu.pipeline_mode<synchronous>, transform_indices = @transform_6, window_bounds = array<i64: 128, 128>}, {transform_indices = @transform_7, window_bounds = array<i64: 1000, 128>}]} {
    %get3A = arith.constant 0 : index
    %get3A_0 = arith.constant 0 : index
    %get3A_1 = vector.load %arg4[%get3A, %get3A_0] : memref<1000x1xf32, #tpu.memory_space<vmem>>, vector<1000x1xf32>
    %get3A_2 = arith.constant 0 : index
    %get3A_3 = arith.constant 0 : index
    %get3A_4 = vector.load %arg5[%get3A_2, %get3A_3] : memref<1000x1xf32, #tpu.memory_space<vmem>>, vector<1000x1xf32>
    %add3A = arith.addf %get3A_1, %get3A_4 : vector<1000x1xf32>
    %add3A_5 = arith.constant 1.000000e+00 : f32
    %add3A_6 = vector.broadcast %add3A_5 : f32 to vector<1000x1xf32>
    %add3A_7 = arith.addf %add3A, %add3A_6 : vector<1000x1xf32>
    %rsqrt3A = math.rsqrt %add3A_7 : vector<1000x1xf32>
    %get3A_8 = arith.constant 0 : index
    %get3A_9 = arith.constant 0 : index
    %get3A_10 = vector.load %arg1[%get3A_8, %get3A_9] : memref<1000x128xf32, #tpu.memory_space<vmem>>, vector<1000x128xf32>
    %get3A_11 = arith.constant 0 : index
    %get3A_12 = arith.constant 0 : index
    %get3A_13 = vector.load %arg2[%get3A_11, %get3A_12] : memref<1000x128xf32, #tpu.memory_space<vmem>>, vector<1000x128xf32>
    %add3A_14 = arith.addf %get3A_10, %get3A_13 : vector<1000x128xf32>
    %get3A_15 = arith.constant 0 : index
    %get3A_16 = arith.constant 0 : index
    %get3A_17 = vector.load %arg3[%get3A_15, %get3A_16] : memref<1000x128xf32, #tpu.memory_space<vmem>>, vector<1000x128xf32>
    %add3A_18 = arith.addf %add3A_14, %get3A_17 : vector<1000x128xf32>
    %mul3A = vector.broadcast %rsqrt3A : vector<1000x1xf32> to vector<1000x128xf32>
    %mul3A_19 = arith.mulf %mul3A, %add3A_18 : vector<1000x128xf32>
    %get3A_20 = arith.constant 0 : index
    %get3A_21 = arith.constant 0 : index
    %get3A_22 = vector.load %arg6[%get3A_20, %get3A_21] : memref<1x128xf32, #tpu.memory_space<vmem>>, vector<1x128xf32>
    %add3A_23 = vector.broadcast %get3A_22 : vector<1x128xf32> to vector<1000x128xf32>
    %add3A_24 = arith.addf %mul3A_19, %add3A_23 : vector<1000x128xf32>
    %max3A = arith.constant 0.000000e+00 : f32
    %max3A_25 = vector.broadcast %max3A : f32 to vector<1000x128xf32>
    %max3A_26 = arith.maximumf %add3A_24, %max3A_25 : vector<1000x128xf32>
    %get3A_27 = arith.constant 0 : index
    %get3A_28 = arith.constant 0 : index
    %get3A_29 = vector.load %arg7[%get3A_27, %get3A_28] : memref<128x128xf32, #tpu.memory_space<vmem>>, vector<128x128xf32>
    %dot_general3A = arith.constant dense<0.000000e+00> : vector<1000x128xf32>
    %dot_general3A_30 = tpu.matmul %max3A_26, %get3A_29, %dot_general3A {dimension_numbers = #tpu.dot_dimension_numbers<[1], [0], [0], [1], [0, 0, 1, 1], [], []>, transpose_lhs_hint = false} : vector<1000x128xf32>, vector<128x128xf32>, vector<1000x128xf32> -> vector<1000x128xf32>
    %mul3A_31 = vector.broadcast %rsqrt3A : vector<1000x1xf32> to vector<1000x128xf32>
    %mul3A_32 = arith.mulf %mul3A_31, %dot_general3A_30 : vector<1000x128xf32>
    %swap3A = arith.constant 0 : index
    %swap3A_33 = arith.constant 0 : index
    %swap3A_34 = vector.load %arg8[%swap3A, %swap3A_33] : memref<1000x128xf32, #tpu.memory_space<vmem>>, vector<1000x128xf32>
    tpu.vector_store %arg8[%swap3A, %swap3A_33], %mul3A_32 {strides = array<i32>} : memref<1000x128xf32, #tpu.memory_space<vmem>>, vector<1000x128xf32>,
    return
  }
  func.func @transform_0(%arg0: i32) -> (i32, i32) {
    %c0_i32 = arith.constant 0 : i32
    %c0_i32_0 = arith.constant 0 : i32
    return %arg0, %c0_i32 : i32, i32
  }
  func.func @transform_1(%arg0: i32) -> (i32, i32) {
    %c0_i32 = arith.constant 0 : i32
    %c0_i32_0 = arith.constant 0 : i32
    return %arg0, %c0_i32 : i32, i32
  }
  func.func @transform_2(%arg0: i32) -> (i32, i32) {
    %c0_i32 = arith.constant 0 : i32
    %c0_i32_0 = arith.constant 0 : i32
    return %arg0, %c0_i32 : i32, i32
  }
  func.func @transform_3(%arg0: i32) -> (i32, i32) {
    %c0_i32 = arith.constant 0 : i32
    %c0_i32_0 = arith.constant 0 : i32
    return %arg0, %c0_i32 : i32, i32
  }
  func.func @transform_4(%arg0: i32) -> (i32, i32) {
    %c0_i32 = arith.constant 0 : i32
    %c0_i32_0 = arith.constant 0 : i32
    return %arg0, %c0_i32 : i32, i32
  }
  func.func @transform_5(%arg0: i32) -> (i32, i32) {
    %c0_i32 = arith.constant 0 : i32
    %c0_i32_0 = arith.constant 0 : i32
    %c0_i32_1 = arith.constant 0 : i32
    return %c0_i32, %c0_i32_0 : i32, i32
  }
  func.func @transform_6(%arg0: i32) -> (i32, i32) {
    %c0_i32 = arith.constant 0 : i32
    %c0_i32_0 = arith.constant 0 : i32
    %c0_i32_1 = arith.constant 0 : i32
    return %c0_i32, %c0_i32_0 : i32, i32
  }
  func.func @transform_7(%arg0: i32) -> (i32, i32) {
    %c0_i32 = arith.constant 0 : i32
    %c0_i32_0 = arith.constant 0 : i32
    return %arg0, %c0_i32 : i32, i32
  }
}

module attributes {stable_mosaic.version = 14 : i64} {
  func.func @_pool_body(%arg0: i32, %arg1: memref<1000x128xf32, #tpu.memory_space<vmem>>, %arg2: memref<1000x128xf32, #tpu.memory_space<vmem>>, %arg3: memref<1000x128xf32, #tpu.memory_space<vmem>>, %arg4: memref<1000x1xf32, #tpu.memory_space<vmem>>, %arg5: memref<1000x1xf32, #tpu.memory_space<vmem>>, %arg6: memref<1x128xf32, #tpu.memory_space<vmem>>, %arg7: memref<1000x1xf32, #tpu.memory_space<vmem>>, %arg8: memref<16x128xf32, #tpu.memory_space<vmem>>, %arg9: memref<16x128xf32, #tpu.memory_space<vmem>>, %arg10: memref<16x1xf32, #tpu.memory_space<vmem>>) attributes {dimension_semantics = [#tpu.dimension_semantics<arbitrary>], iteration_bounds = array<i64: 10>, scalar_prefetch = 0 : i64, scratch_operands = 2 : i64, tpu.core_type = #tpu.core_type<tc>, window_params = [{transform_indices = @transform_0, window_bounds = array<i64: 1000, 128>}, {transform_indices = @transform_1, window_bounds = array<i64: 1000, 128>}, {transform_indices = @transform_2, window_bounds = array<i64: 1000, 128>}, {transform_indices = @transform_3, window_bounds = array<i64: 1000, 1>}, {transform_indices = @transform_4, window_bounds = array<i64: 1000, 1>}, {pipeline_mode = #tpu.pipeline_mode<synchronous>, transform_indices = @transform_5, window_bounds = array<i64: 1, 128>}, {transform_indices = @transform_6, window_bounds = array<i64: 1000, 1>}, {pipeline_mode = #tpu.pipeline_mode<synchronous>, transform_indices = @transform_7, window_bounds = array<i64: 16, 128>}]} {
    %eq3A = arith.constant 0 : i32
    %eq3A_0 = arith.cmpi eq, %arg0, %eq3A : i32
    %convert_element_type3A = arith.extui %eq3A_0 : i1 to i32
    %cond3A = arith.constant 0 : i32
    %cond3A_1 = arith.cmpi ne, %convert_element_type3A, %cond3A : i32
    scf.if %cond3A_1 {
      %broadcast_in_dim3A_56 = arith.constant 0.000000e+00 : f32
      %broadcast_in_dim3A_57 = vector.broadcast %broadcast_in_dim3A_56 : f32 to vector<16x128xf32>
      %swap3A_58 = arith.constant 0 : index
      %swap3A_59 = arith.constant 0 : index
      %swap3A_60 = vector.load %arg9[%swap3A_58, %swap3A_59] : memref<16x128xf32, #tpu.memory_space<vmem>>, vector<16x128xf32>
      tpu.vector_store %arg9[%swap3A_58, %swap3A_59], %broadcast_in_dim3A_57 {strides = array<i32>} : memref<16x128xf32, #tpu.memory_space<vmem>>, vector<16x128xf32>,
      %broadcast_in_dim3A_61 = arith.constant 0.000000e+00 : f32
      %broadcast_in_dim3A_62 = vector.broadcast %broadcast_in_dim3A_61 : f32 to vector<16x1xf32>
      %swap3A_63 = arith.constant 0 : index
      %swap3A_64 = arith.constant 0 : index
      %swap3A_65 = vector.load %arg10[%swap3A_63, %swap3A_64] : memref<16x1xf32, #tpu.memory_space<vmem>>, vector<16x1xf32>
      tpu.vector_store %arg10[%swap3A_63, %swap3A_64], %broadcast_in_dim3A_62 {strides = array<i32>} : memref<16x1xf32, #tpu.memory_space<vmem>>, vector<16x1xf32>,
    } else {
    }
    %get3A = arith.constant 0 : index
    %get3A_2 = arith.constant 0 : index
    %get3A_3 = vector.load %arg4[%get3A, %get3A_2] : memref<1000x1xf32, #tpu.memory_space<vmem>>, vector<1000x1xf32>
    %get3A_4 = arith.constant 0 : index
    %get3A_5 = arith.constant 0 : index
    %get3A_6 = vector.load %arg5[%get3A_4, %get3A_5] : memref<1000x1xf32, #tpu.memory_space<vmem>>, vector<1000x1xf32>
    %add3A = arith.addf %get3A_3, %get3A_6 : vector<1000x1xf32>
    %add3A_7 = arith.constant 1.000000e+00 : f32
    %add3A_8 = vector.broadcast %add3A_7 : f32 to vector<1000x1xf32>
    %add3A_9 = arith.addf %add3A, %add3A_8 : vector<1000x1xf32>
    %rsqrt3A = math.rsqrt %add3A_9 : vector<1000x1xf32>
    %get3A_10 = arith.constant 0 : index
    %get3A_11 = arith.constant 0 : index
    %get3A_12 = vector.load %arg1[%get3A_10, %get3A_11] : memref<1000x128xf32, #tpu.memory_space<vmem>>, vector<1000x128xf32>
    %get3A_13 = arith.constant 0 : index
    %get3A_14 = arith.constant 0 : index
    %get3A_15 = vector.load %arg2[%get3A_13, %get3A_14] : memref<1000x128xf32, #tpu.memory_space<vmem>>, vector<1000x128xf32>
    %add3A_16 = arith.addf %get3A_12, %get3A_15 : vector<1000x128xf32>
    %get3A_17 = arith.constant 0 : index
    %get3A_18 = arith.constant 0 : index
    %get3A_19 = vector.load %arg3[%get3A_17, %get3A_18] : memref<1000x128xf32, #tpu.memory_space<vmem>>, vector<1000x128xf32>
    %add3A_20 = arith.addf %add3A_16, %get3A_19 : vector<1000x128xf32>
    %mul3A = vector.broadcast %rsqrt3A : vector<1000x1xf32> to vector<1000x128xf32>
    %mul3A_21 = arith.mulf %mul3A, %add3A_20 : vector<1000x128xf32>
    %get3A_22 = arith.constant 0 : index
    %get3A_23 = arith.constant 0 : index
    %get3A_24 = vector.load %arg6[%get3A_22, %get3A_23] : memref<1x128xf32, #tpu.memory_space<vmem>>, vector<1x128xf32>
    %add3A_25 = vector.broadcast %get3A_24 : vector<1x128xf32> to vector<1000x128xf32>
    %add3A_26 = arith.addf %mul3A_21, %add3A_25 : vector<1000x128xf32>
    %iota3A = tpu.iota {dimensions = array<i32: 1>} : vector<1x16xi32>
    %convert_element_type3A_27 = arith.sitofp %iota3A : vector<1x16xi32> to vector<1x16xf32>
    %get3A_28 = arith.constant 0 : index
    %get3A_29 = arith.constant 0 : index
    %get3A_30 = vector.load %arg7[%get3A_28, %get3A_29] : memref<1000x1xf32, #tpu.memory_space<vmem>>, vector<1000x1xf32>
    %eq3A_31 = vector.broadcast %get3A_30 : vector<1000x1xf32> to vector<1000x16xf32>
    %eq3A_32 = vector.broadcast %convert_element_type3A_27 : vector<1x16xf32> to vector<1000x16xf32>
    %eq3A_33 = arith.cmpf oeq, %eq3A_31, %eq3A_32 : vector<1000x16xf32>
    %convert_element_type3A_34 = arith.extui %eq3A_33 : vector<1000x16xi1> to vector<1000x16xi32>
    %convert_element_type3A_35 = arith.sitofp %convert_element_type3A_34 : vector<1000x16xi32> to vector<1000x16xf32>
    %get3A_36 = arith.constant 0 : index
    %get3A_37 = arith.constant 0 : index
    %get3A_38 = vector.load %arg9[%get3A_36, %get3A_37] : memref<16x128xf32, #tpu.memory_space<vmem>>, vector<16x128xf32>
    %dot_general3A = arith.constant dense<0.000000e+00> : vector<16x128xf32>
    %dot_general3A_39 = tpu.matmul %convert_element_type3A_35, %add3A_26, %dot_general3A {dimension_numbers = #tpu.dot_dimension_numbers<[0], [0], [1], [1], [0, 1, 1, 1], [], []>, transpose_lhs_hint = false} : vector<1000x16xf32>, vector<1000x128xf32>, vector<16x128xf32> -> vector<16x128xf32>
    %add3A_40 = arith.addf %get3A_38, %dot_general3A_39 : vector<16x128xf32>
    %swap3A = arith.constant 0 : index
    %swap3A_41 = arith.constant 0 : index
    %swap3A_42 = vector.load %arg9[%swap3A, %swap3A_41] : memref<16x128xf32, #tpu.memory_space<vmem>>, vector<16x128xf32>
    tpu.vector_store %arg9[%swap3A, %swap3A_41], %add3A_40 {strides = array<i32>} : memref<16x128xf32, #tpu.memory_space<vmem>>, vector<16x128xf32>,
    %get3A_43 = arith.constant 0 : index
    %get3A_44 = arith.constant 0 : index
    %get3A_45 = vector.load %arg10[%get3A_43, %get3A_44] : memref<16x1xf32, #tpu.memory_space<vmem>>, vector<16x1xf32>
    %reduce_sum3A = arith.constant dense<0.000000e+00> : vector<16xf32>
    %reduce_sum3A_46 = vector.multi_reduction <add>, %convert_element_type3A_35, %reduce_sum3A [0] : vector<1000x16xf32> to vector<16xf32>
    %broadcast_in_dim3A = vector.shape_cast %reduce_sum3A_46 : vector<16xf32> to vector<16x1xf32>
    %add3A_47 = arith.addf %get3A_45, %broadcast_in_dim3A : vector<16x1xf32>
    %swap3A_48 = arith.constant 0 : index
    %swap3A_49 = arith.constant 0 : index
    %swap3A_50 = vector.load %arg10[%swap3A_48, %swap3A_49] : memref<16x1xf32, #tpu.memory_space<vmem>>, vector<16x1xf32>
    tpu.vector_store %arg10[%swap3A_48, %swap3A_49], %add3A_47 {strides = array<i32>} : memref<16x1xf32, #tpu.memory_space<vmem>>, vector<16x1xf32>,
    %eq3A_51 = arith.constant 9 : i32
    %eq3A_52 = arith.cmpi eq, %arg0, %eq3A_51 : i32
    %convert_element_type3A_53 = arith.extui %eq3A_52 : i1 to i32
    %cond3A_54 = arith.constant 0 : i32
    %cond3A_55 = arith.cmpi ne, %convert_element_type3A_53, %cond3A_54 : i32
    scf.if %cond3A_55 {
      %get3A_56 = arith.constant 0 : index
      %get3A_57 = arith.constant 0 : index
      %get3A_58 = vector.load %arg9[%get3A_56, %get3A_57] : memref<16x128xf32, #tpu.memory_space<vmem>>, vector<16x128xf32>
      %get3A_59 = arith.constant 0 : index
      %get3A_60 = arith.constant 0 : index
      %get3A_61 = vector.load %arg10[%get3A_59, %get3A_60] : memref<16x1xf32, #tpu.memory_space<vmem>>, vector<16x1xf32>
      %max3A = arith.constant 1.000000e+00 : f32
      %max3A_62 = vector.broadcast %max3A : f32 to vector<16x1xf32>
      %max3A_63 = arith.maximumf %get3A_61, %max3A_62 : vector<16x1xf32>
      %div3A = vector.broadcast %max3A_63 : vector<16x1xf32> to vector<16x128xf32>
      %div3A_64 = arith.divf %get3A_58, %div3A : vector<16x128xf32>
      %swap3A_65 = arith.constant 0 : index
      %swap3A_66 = arith.constant 0 : index
      %swap3A_67 = vector.load %arg8[%swap3A_65, %swap3A_66] : memref<16x128xf32, #tpu.memory_space<vmem>>, vector<16x128xf32>
      tpu.vector_store %arg8[%swap3A_65, %swap3A_66], %div3A_64 {strides = array<i32>} : memref<16x128xf32, #tpu.memory_space<vmem>>, vector<16x128xf32>,
    } else {
    }
    return
  }
  func.func @transform_0(%arg0: i32) -> (i32, i32) {
    %c0_i32 = arith.constant 0 : i32
    %c0_i32_0 = arith.constant 0 : i32
    return %arg0, %c0_i32 : i32, i32
  }
  func.func @transform_1(%arg0: i32) -> (i32, i32) {
    %c0_i32 = arith.constant 0 : i32
    %c0_i32_0 = arith.constant 0 : i32
    return %arg0, %c0_i32 : i32, i32
  }
  func.func @transform_2(%arg0: i32) -> (i32, i32) {
    %c0_i32 = arith.constant 0 : i32
    %c0_i32_0 = arith.constant 0 : i32
    return %arg0, %c0_i32 : i32, i32
  }
  func.func @transform_3(%arg0: i32) -> (i32, i32) {
    %c0_i32 = arith.constant 0 : i32
    %c0_i32_0 = arith.constant 0 : i32
    return %arg0, %c0_i32 : i32, i32
  }
  func.func @transform_4(%arg0: i32) -> (i32, i32) {
    %c0_i32 = arith.constant 0 : i32
    %c0_i32_0 = arith.constant 0 : i32
    return %arg0, %c0_i32 : i32, i32
  }
  func.func @transform_5(%arg0: i32) -> (i32, i32) {
    %c0_i32 = arith.constant 0 : i32
    %c0_i32_0 = arith.constant 0 : i32
    %c0_i32_1 = arith.constant 0 : i32
    return %c0_i32, %c0_i32_0 : i32, i32
  }
  func.func @transform_6(%arg0: i32) -> (i32, i32) {
    %c0_i32 = arith.constant 0 : i32
    %c0_i32_0 = arith.constant 0 : i32
    return %arg0, %c0_i32 : i32, i32
  }
  func.func @transform_7(%arg0: i32) -> (i32, i32) {
    %c0_i32 = arith.constant 0 : i32
    %c0_i32_0 = arith.constant 0 : i32
    %c0_i32_1 = arith.constant 0 : i32
    return %c0_i32, %c0_i32_0 : i32, i32
  }
}

</mosaic_0001>

<sc_bundles>
// kernel: kernel.11.cloned.1.call-start
scs
__scs_entry_jumppad:
0x0: {  	(pc) =	sbr.rel $0x88, $3  }
0x1: {  	(tag) =	ssettag $0x0;
	lr =	simm.s32 $0x1  }
0x2: {  	[smem:$0x3F9A] =	sst lr;
	_ =	strace $0xD0000000  }
0x3: {  	_ = 	snop  }
0x4: {  	_ = 	snop  }
0x5: {  	_ = 	snop  }
0x6: {  	_ = 	snop  }
0x7: {  	_ = 	snop  }
__scs_overlays_trampoline_lowered:
0x8: {  	[smem:$0x3FA9] =	sst s0  }
0x9: {  	[smem:$0x3FAA] =	sst s1  }
0xa: {  	[smem:$0x3FAB] =	sst s2  }
0xb: {  	[smem:$0x3FAC] =	sst s3  }
0xc: {  	[smem:$0x3FAD] =	sst s4  }
0xd: {  	[smem:$0x3FAE] =	sst s5  }
0xe: {  	[smem:$0x3FAF] =	sst s6  }
0xf: {  	[smem:$0x3FB0] =	sst s7  }
0x10: {  	[smem:$0x3FB1] =	sst s8  }
0x11: {  	[smem:$0x3FB2] =	sst s9;
	s0 =	simm.s32 @!p0 $0x0  }
0x12: {  	s1 =	sld [smem:$0x3F98];
	s0 =	simm.s32 @p0 $0x1  }
0x13: {  	[smem:$0x3FB3] =	sst s0;
	s0 =	simm.s32 @!p1 $0x0  }
0x14: {  	s2 =	sld [smem:$0x3F97];
	s0 =	simm.s32 @p1 $0x1  }
0x15: {  	[smem:$0x3FB4] =	sst s0;
	s0 =	simm.s32 @!p2 $0x0  }
0x16: {  	s3 =	sld [smem:$0x3FDB];
	s0 =	simm.s32 @p2 $0x1  }
0x17: {  	s4 =	simm.s32 $0x1BF5;
	[smem:$0x3FB6] =	sst s0  }
0x18: {  	s0 =	sld [smem:$0x3F99];
	_ =	swait.ge [sflag:s4], $0x0  }
0x19: {  	s7 =	sld [smem:$0x3F9A]  }
0x1a: {  	s8 =	sadd.s32 $0xFFFFE003, lr  }
0x1b: {  	s9 =	sadd.s32 $0xFFFFFEF7, lr;
	s5 =	simm.s32 $0xFFFFFFFF;
	p2 =	slt.u32 s8, $0xFFFFF086  }
0x1c: {  	p1 =	slt.u32 s9, $0xF7A;
	s5 =	simm.s32 @!p2 $0x0  }
0x1d: {  	s5 =	simm.s32 @p1 $0x1;
	p0 =	seq.s32 s7, s2  }
0x1e: {  	s7 =	smul.u32 @!p0 $0xF7A, s2;
	p2 =	seq.s32 @!p0 s5, $0x0  }
0x1f: {  	s9 =	smul.u32 $0xF7A, s1;
	s8 =	simm.s32 @!p0 $0x1BF5;
	p2 =	por !p2, p0  }
0x20: {  	[sflag:s8] =	ssyncset.s32 @!p0 $0xFFFFF086;
	s6 =	sadd.s32 @!p0 s3, s7;
	s7 =	simm.s32 @!p0 $0x108  }
0x21: {  	s3 =	sadd.s32 s3, s9;
	s6 =	sadd.s32 @!p0 $0x88, s6;
	s7 =	simm.s32 @p2 $0x1082  }
0x22: {  	[simem:s7], [sflag:s8] =	dma.local @!p0 [hbm:s6], $0xF7A  }
0x23: {  	s9 =	sor.u32 $0xD0000000, s2;
	s6 =	simm.s32 $0x108;
	_ =	swait.ge @!p0 [sflag:s8], $0x0  }
0x24: {  	s3 =	sadd.s32 $0x88, s3;
	s6 =	simm.s32 @!p1 $0x1082;
	[sflag:s4] =	ssyncset.s32 $0xFFFFF086  }
0x25: {  	[simem:s6], [sflag:s4] =	dma.local [hbm:s3], $0xF7A  }
0x26: {  	[smem:$0x3F9A] =	sst s1;
	(tag) =	ssettag s2;
	_ =	strace s9  }
0x27: {  	s1 =	sld [smem:$0x3FAA]  }
0x28: {  	s2 =	sld [smem:$0x3FAB]  }
0x29: {  	s4 =	sld [smem:$0x3FAD]  }
0x2a: {  	p0 =	seq.s32 s5, $0x0;
	s5 =	sld [smem:$0x3FAE]  }
0x2b: {  	s6 =	sld [smem:$0x3FAF]  }
0x2c: {  	s7 =	sld [smem:$0x3FB0]  }
0x2d: {  	s3 =	simm.s32 $0x108;
	s8 =	sld [smem:$0x3FB1]  }
0x2e: {  	s3 =	simm.s32 @!p0 $0x1082;
	s9 =	sld [smem:$0x3FB2]  }
0x2f: {  	lr =	sadd.s32 s0, s3;
	s0 =	sld [smem:$0x3FA9]  }
0x30: {  	s3 =	sld [smem:$0x3FAC]  }
0x31: {  	[smem:$0x3FB5] =	sst s10  }
0x32: {  	s10 =	sld [smem:$0x3FB3];
	_ =	sdelay $0x3  }
0x33: {  	p0 =	seq.s32 s10, $0x1;
	s10 =	sld [smem:$0x3FB5];
	_ =	sdelay $0x3  }
0x34: {  	[smem:$0x3FB5] =	sst s10  }
0x35: {  	s10 =	sld [smem:$0x3FB4];
	_ =	sdelay $0x3  }
0x36: {  	p1 =	seq.s32 s10, $0x1;
	s10 =	sld [smem:$0x3FB5];
	_ =	sdelay $0x3  }
0x37: {  	[smem:$0x3FB5] =	sst s10  }
0x38: {  	s10 =	sld [smem:$0x3FB6]  }
0x39: {  	_ = 	snop;
	(pc) =	sbr.ind lr, $3  }
0x3a: {  	_ = 	snop  }
0x3b: {  	_ = 	snop  }
0x3c: {  	p2 =	seq.s32 s10, $0x1;
	s10 =	sld [smem:$0x3FB5]  }
0x3d: {  	_ =	shalt  }
0x3e: {  	_ =	shalt  }
0x3f: {  	_ =	shalt  }
0x40: {  	_ =	shalt  }
0x41: {  	_ =	shalt  }
0x42: {  	_ =	shalt  }
0x43: {  	_ =	shalt  }
0x44: {  	_ =	shalt  }
0x45: {  	_ =	shalt  }
0x46: {  	_ =	shalt  }
0x47: {  	_ =	shalt  }
0x48: {  	_ =	shalt  }
0x49: {  	_ =	shalt  }
0x4a: {  	_ =	shalt  }
0x4b: {  	_ =	shalt  }
0x4c: {  	_ =	shalt  }
0x4d: {  	_ =	shalt  }
0x4e: {  	_ =	shalt  }
0x4f: {  	_ =	shalt  }
0x50: {  	_ =	shalt  }
0x51: {  	_ =	shalt  }
0x52: {  	_ =	shalt  }
0x53: {  	_ =	shalt  }
0x54: {  	_ =	shalt  }
0x55: {  	_ =	shalt  }
0x56: {  	_ =	shalt  }
0x57: {  	_ =	shalt  }
0x58: {  	_ =	shalt  }
0x59: {  	_ =	shalt  }
0x5a: {  	_ =	shalt  }
0x5b: {  	_ =	shalt  }
0x5c: {  	_ =	shalt  }
0x5d: {  	_ =	shalt  }
0x5e: {  	_ =	shalt  }
0x5f: {  	_ =	shalt  }
0x60: {  	_ =	shalt  }
0x61: {  	_ =	shalt  }
0x62: {  	_ =	shalt  }
0x63: {  	_ =	shalt  }
0x64: {  	_ =	shalt  }
0x65: {  	_ =	shalt  }
0x66: {  	_ =	shalt  }
0x67: {  	_ =	shalt  }
0x68: {  	_ =	shalt  }
0x69: {  	_ =	shalt  }
0x6a: {  	_ =	shalt  }
0x6b: {  	_ =	shalt  }
0x6c: {  	_ =	shalt  }
0x6d: {  	_ =	shalt  }
0x6e: {  	_ =	shalt  }
0x6f: {  	_ =	shalt  }
0x70: {  	_ =	shalt  }
0x71: {  	_ =	shalt  }
0x72: {  	_ =	shalt  }
0x73: {  	_ =	shalt  }
0x74: {  	_ =	shalt  }
0x75: {  	_ =	shalt  }
0x76: {  	_ =	shalt  }
0x77: {  	_ =	shalt  }
0x78: {  	_ =	shalt  }
0x79: {  	_ =	shalt  }
0x7a: {  	_ =	shalt  }
0x7b: {  	_ =	shalt  }
0x7c: {  	_ =	shalt  }
0x7d: {  	_ =	shalt  }
0x7e: {  	_ =	shalt  }
0x7f: {  	_ =	shalt  }
0x80: {  	_ =	shalt  }
0x81: {  	_ =	shalt  }
0x82: {  	_ =	shalt  }
0x83: {  	_ =	shalt  }
0x84: {  	_ =	shalt  }
0x85: {  	_ =	shalt  }
0x86: {  	_ =	shalt  }
0x87: {  	_ =	shalt  }
.Lfunc_end0:
.L_simem_size_0:
called_computation.1_lowered:
.L_overlay_start_0:
0x88: {  	s2 =	sld [smem:$0x3FD9]  }
0x89: {  	s3 =	sld [smem:$0x3FFE];
	_ =	sdelay $0x1  }
0x8a: {  	s1 =	srdreg.scid  }
0x8b: {  	s0 =	sand.u32 $0x1, s1  }
0x8c: {  	s16 =	sshll.u32 s0, $0xA;
	s2 =	sadd.s32 s3, s2  }
0x8d: {  	s2 =	sadd.s32 s2, s16  }
0x8e: {  	[smem:$0x3FC1] =	sst s2  }
0x8f: {  	_ = 	snop  }
0x90: {  	(tm) =	ssettm $0x1  }
0x91: {  	s17 =	sld [smem:$0x3FFB];
	_ =	sdelay $0x3  }
0x92: {  	_ =	strace s17  }
0x93: {  	s2 =	sld [smem:$0x3FFC];
	_ =	sdelay $0x3  }
0x94: {  	_ =	strace s2  }
0x95: {  	s2 =	sld [smem:$0x3FFD];
	_ =	sdelay $0x3  }
0x96: {  	_ =	strace s2  }
0x97: {  	_ =	strace $0x8FFFFFFF  }
0x98: {  	s18 =	sld [smem:$0x3FDB];
	_ =	sdelay $0x1  }
0x99: {  	s19 =	simm.s32 $_scs_section_size  }
0x9a: {  	s4 =	simm.s32 $_size__tile_overlayer_lowered;
	s5 =	simm.s32 $_tile_overlayer_lowered  }
0x9b: {  	s22 =	simm.s32 $0x1BFF;
	s21 =	sshll.u32 s5, $0x1;
	s2 =	sadd.s32 s19, s18  }
0x9c: {  	s6 =	simm.s32 $0x0;
	s20 =	sshll.u32 s4, $0x1;
	s4 =	sadd.s32 s21, s2  }
0x9d: {  	[timem:s6], [sflag:s22] =	dma.local [hbm:s4], s20  }
0x9e: {  	_ =	swait.ge [sflag:s22], s20  }
0x9f: {  	s3 =	ssub.s32 $0x0, s20;
	[sflag:s22] =	ssyncset.done $0x0  }
0xa0: {  	[sflag:s22] =	ssyncadd.s32 s3;
	_ =	sdelay $0x1  }
0xa1: {  	s23 =	simm.s32 $0x1B8B  }
0xa2: {  	_ =	swait.ge [sflag:s23], $0x1  }
0xa3: {  	[sflag:s23] =	ssyncset.done $0x0  }
0xa4: {  	s25 =	simm.s32 $0x1B8E;
	s24 =	sld [smem:$0x3FFE];
	[sflag:s23] =	ssyncadd.s32 $0xFFFFFFFF  }
0xa5: {  	s26 =	simm.s32 $execute0_lowered;
	[smem:$0x3FD2] =	sst s25  }
0xa6: {  	s4 =	sshll.u32 s26, $0x1;
	_ =	strace $0x80000049;
	[dreg:$0x1] =	wrdreg $0xFFFFFFFF  }
0xa7: {  	s28 =	simm.s32 $_size_execute0_lowered;
	s2 =	sadd.s32 s2, s4;
	[dreg:$0x0] =	wrdreg $0x0  }
0xa8: {  	s4 =	sshll.u32 s28, $0x1;
	[dreg:$0x2] =	wrdreg s2  }
0xa9: {  	[dreg:$0x3] =	wrdreg s4  }
0xaa: {  	[dreg:$0x4] =	wrdreg $0xC0  }
0xab: {  	_ =	task [dreg:s6], $0x5FFFF  }
0xac: {  	[dreg:$0x1] =	wrdreg $0xFFFFFFFF  }
0xad: {  	[dreg:$0x0] =	wrdreg $0x60  }
0xae: {  	[dreg:$0x2] =	wrdreg s24  }
0xaf: {  	[dreg:$0x3] =	wrdreg $0xB0000  }
0xb0: {  	[dreg:$0x4] =	wrdreg $0x9  }
0xb1: {  	_ =	task.clear_ibuf [dreg:s6], $0x5FFFF;
	_ =	strace $0x90000049  }
0xb2: {  	s29 =	simm.s32 $0x9;
	_ =	strace $0x8000004B  }
0xb3: {  	_ =	swait.ge [sflag:s29], $0x1  }
0xb4: {  	[sflag:s29] =	ssyncadd.s32 $0xFFFFFFFF  }
0xb5: {  	_ =	strace $0x9000004B  }
0xb6: {  	_ =	sfence  }
0xb7: {  	s30 =	sld [smem:$0x0];
	_ =	sdelay $0x2  }
0xb8: {  	s31 =	sshll.u32 s1, $0xD;
	s1 =	sshrl.u32 s1, $0x2  }
0xb9: {  	s3 =	sand.u32 $0x4000, s31;
	s1 =	sadd.s32 s1, s30  }
0xba: {  	s0 =	sor.u32 s3, s0;
	s1 =	sshll.u32 s1, $0x11  }
0xbb: {  	s0 =	sor.u32 s1, s0  }
0xbc: {  	s0 =	sadd.s32 $0x8F2B, s0  }
0xbd: {  	[sflag:s0] =	ssyncadd.remote.s32 $0x1  }
0xbe: {  	_ =	sfence.sel $0xFFFF  }
0xbf: {  	[dreg:$0x0] =	wrdreg $0xFFFFFFFF;
	(pc) =	sbr.abs _section_cstart, $3  }
0xc0: {  	[dreg:$0x1] =	wrdreg $0xFFFFFFFF  }
0xc1: {  	_ =	task.clear_ibuf [dreg:s6], $0x2FFFF;
	_ =	strace $0x9FFFFFFF  }
0xc2: {  	(tm) =	ssettm $0x7FFFFFFF  }
0xc3: {  	_ =	shalt  }
tec
execute0_lowered:
.L_overlay_start_1:
0x0: {  	(tag) =	ssettag $0x1  }
0x1: {  	s0 =	rddreg [dreg:$0x0]  }
0x2: {  	s2 =	rddreg [dreg:$0x1];
	s3 =	simm.s32 $0x0;
	s9 =	stileid.u32  }
0x3: {  	s1 =	srdreg.scid;
	s17 =	simm.s32 $0x5;
	s18 =	simm.s32 $0x2000  }
0x4: {  	s19 =	simm.s32 $0x80;
	s28 =	simm.s32 $0x4;
	s29 =	simm.s32 $0x180  }
0x5: {  	s30 =	simm.s32 $0x1;
	s31 =	simm.s32 $0x0;
	[smem:$0x7FF] =	sst s3  }
0x6: {  	s10 =	smul.u32 $0x2780, s9;
	s1 =	sand.u32 $0x1, s1;
	s4 =	sadd.s32 $0x8DA00, s0  }
0x7: {  	s11 =	sadd.s32 $0x3E00, s0;
	s6 =	smul.u32 $0x4F000, s9;
	s13 =	sadd.s32 $0xDE00, s0  }
0x8: {  	s21 =	sshll.u32 s9, $0x6;
	s22 =	sshll.u32 s9, $0xB;
	s24 =	sshll.u32 s9, $0x9  }
0x9: {  	_ =	strace $0x8000004A;
	s5 =	smul.u32 $0x27800, s1;
	s8 =	ssub.s32 $0x2, s1  }
0xa: {  	p0 =	seq.s32 s1, $0x1;
	s23 =	sadd.s32 s11, s22;
	s12 =	sor.u32 $0x8000, s24  }
0xb: {  	s1 =	sadd.s32 s24, s13;
	s7 =	sadd.s32 s10, s0;
	s20 =	sshrl.u32 s8, $0x1  }
0xc: {  	s6 =	sshrl.u32 s6, $0x2;
	[dreg:$0x3] =	wrdreg s23;
	s9 =	sadd.s32 $0x400, s23  }
0xd: {  	s25 =	sadd.s32 s11, s12;
	s26 =	sadd.s32 s13, s12;
	s11 =	sadd.s32 s24, s11  }
0xe: {  	s15 =	sadd.s32 $0x8020, s1;
	s0 =	sadd.s32 s5, s0;
	s14 =	ssub.s32 s8, s20  }
0xf: {  	s16 =	sadd.s32 s6, s2;
	s5 =	sadd.s32 $0x17E00, s7;
	s6 =	sor.u32 $0x1C05, s21  }
.Ltmp0:
0x10: {  	s8 =	sadd.s32 s13, s22;
	[dreg:$0x4] =	wrdreg s25;
	(pc) =	sbr.rel .LBB2_1-.Ltmp0, $4  }
0x11: {  	[dreg:$0x5] =	wrdreg s26;
	s12 =	sadd.s32 $0x8100, s11;
	s20 =	simm.s32 $0x3000  }
0x12: {  	s21 =	simm.s32 $0x7000;
	s22 =	simm.s32 $0x2;
	s25 =	simm.s32 $0x3  }
0x13: {  	s26 =	simm.s32 $0x100;
	s0 =	sadd.s32 $0xB4C00, s0;
	s13 =	smax.u32 s14, $0x1  }
0x14: {  	s11 =	sadd.s32 $0x20, s8;
	s16 =	sshrl.u32 s16, $0x3;
	s24 =	sadd.s32 s10, s0  }
.LBB2_12:
0x15: {  	_ =	swait.ge [sflag:s25], $0x4000  }
0x16: {  	[sflag:s25] =	ssyncset.done $0x0  }
0x17: {  	[sflag:s25] =	ssyncadd.s32 $0xFFFFC000  }
0x18: {  	_ =	swait.ge [sflag:s28], $0x4000  }
0x19: {  	s31 =	sadd.s32 $0x1, s31;
	[sflag:s28] =	ssyncset.done $0x0  }
0x1a: {  	p1 =	sne.s32 s31, s13;
	[sflag:s28] =	ssyncadd.s32 $0xFFFFC000  }
.Ltmp1:
0x1b: {  	[bflag:$0x0] =	sbarrier.arrive $0xFFFF;
	(pc) =	sbr.rel @!p1 .LBB2_13-.Ltmp1, $4  }
0x1c: {  	[hbm:s24], [sflag:s6] =	dma.local [spmem:s16], $0x2780  }
0x1d: {  	_ =	swait.ge [sflag:s17], $0x2780  }
0x1e: {  	[sflag:s17] =	ssyncset.done $0x0  }
0x1f: {  	[sflag:s17] =	ssyncadd.s32 $0xFFFFD880  }
.LBB2_1:
0x20: {  	[spmem:s16], [sflag:s6] =	dma.local [hbm:s5], $0x2780  }
.Ltmp2:
0x21: {  	_ =	swait.ge [sflag:s17], $0x2780;
	(pc) =	sbr.rel @!p0 .LBB2_2-.Ltmp2, $3  }
0x22: {  	[sflag:s17] =	ssyncset.done $0x0  }
0x23: {  	[sflag:s17] =	ssyncadd.s32 $0xFFFFD880  }
0x24: {  	[bflag:$0x0] =	sbarrier.arrive $0xFFFF;
	_ =	sdelay $0x1  }
0x25: {  	s0 =	rddreg [dreg:$0x4]  }
0x26: {  	[tilespmem:s3], [sflag:$0x5] =	stream.linear.gather [hbm4b:s0+s3], $0x800, $0x38;
	[tilespmem:$0x1EC00] =	vst v63  }
0x27: {  	_ =	swait.ge [sflag:s17], $0x800  }
0x28: {  	[sflag:s17] =	ssyncset.done $0x0  }
0x29: {  	s23 =	rddreg [dreg:$0x5];
	[sflag:s17] =	ssyncadd.s32 $0xFFFFF800  }
0x2a: {  	[tilespmem:s18], [sflag:$0x5] =	stream.linear.gather [hbm4b:s23+s3], $0x400, $0x38;
	[tilespmem:$0x1EC00] =	vst v63  }
0x2b: {  	_ =	swait.ge [sflag:s17], $0x400  }
0x2c: {  	[sflag:s17] =	ssyncset.done $0x0  }
0x2d: {  	[sflag:s17] =	ssyncadd.s32 $0xFFFFFC00  }
0x2e: {  	[tilespmem:s20], [sflag:$0x1] =	stream.indirect.gather [hbm4b:s4+s19], $0x80, s3, s19, $0xb8;
	[tilespmem:$0x1EC00] =	vst v63  }
0x2f: {  	s0 =	simm.s32 $0x1  }
0x30: {  	[tilespmem:s21], [sflag:$0x2] =	stream.indirect.gather [hbm4b:s4+s19], $0x80, s19, s19, $0xb8;
	[tilespmem:$0x1EC00] =	vst v63  }
0x31: {  	_ =	swait.ge [sflag:s0], $0x4000  }
0x32: {  	[sflag:s0] =	ssyncset.done $0x0  }
0x33: {  	[sflag:s0] =	ssyncadd.s32 $0xFFFFC000  }
0x34: {  	[spmem:s2] =	stream.indirect.scatter.add.f32 [tilespmem:s20], [sflag:$0x3], $0x80, s18, s19, $0xb8;
	[tilespmem:$0x1EC00] =	vst v63  }
0x35: {  	_ =	swait.ge [sflag:s22], $0x4000  }
0x36: {  	[sflag:s22] =	ssyncset.done $0x0  }
0x37: {  	s1 =	simm.s32 $0x2080;
	[sflag:s22] =	ssyncadd.s32 $0xFFFFC000  }
0x38: {  	[spmem:s2] =	stream.indirect.scatter.add.f32 [tilespmem:s21], [sflag:$0x4], $0x80, s1, s19, $0xb8;
	[tilespmem:$0x1EC00] =	vst v63  }
0x39: {  	_ =	swait.ge [sflag:s25], $0x4000  }
0x3a: {  	[sflag:s25] =	ssyncset.done $0x0  }
0x3b: {  	[sflag:s25] =	ssyncadd.s32 $0xFFFFC000  }
0x3c: {  	[tilespmem:s20], [sflag:$0x1] =	stream.indirect.gather [hbm4b:s4+s19], $0x80, s26, s19, $0xb8;
	[tilespmem:$0x1EC00] =	vst v63  }
.Ltmp3:
0x3d: {  	_ = 	snop;
	(pc) =	sbr.rel .LBB2_8-.Ltmp3, $4  }
0x3e: {  	_ =	swait.ge [sflag:s28], $0x4000  }
0x3f: {  	s10 =	simm.s32 $0x800;
	[sflag:s28] =	ssyncset.done $0x0  }
0x40: {  	s14 =	smov.u32 s15;
	s1 =	simm.s32 $0xA00;
	[sflag:s28] =	ssyncadd.s32 $0xFFFFC000  }
0x41: {  	[tilespmem:s21], [sflag:$0x2] =	stream.indirect.gather [hbm4b:s4+s19], $0x80, s29, s19, $0xb8;
	[tilespmem:$0x1EC00] =	vst v63  }
.LBB2_10:
0x42: {  	[tilespmem:s3], [sflag:$0x5] =	stream.linear.gather [hbm4b:s12+s3], $0x800, $0x38;
	[tilespmem:$0x1EC00] =	vst v63  }
0x43: {  	_ =	swait.ge [sflag:s17], $0x800  }
0x44: {  	[sflag:s17] =	ssyncset.done $0x0  }
0x45: {  	[sflag:s17] =	ssyncadd.s32 $0xFFFFF800  }
.LBB2_11:
0x46: {  	s7 =	sand.u32 $0xFFFFE000, s10  }
0x47: {  	s7 =	ssub.s32 $0x0, s7  }
0x48: {  	_ =	swait.ge [sflag:s25], $0x4000;
	s23 =	sshra.s32 s1, $0x2;
	s7 =	sshra.s32 s7, $0x2  }
0x49: {  	s1 =	sadd.s32 $0x400, s1;
	[sflag:s25] =	ssyncset.done $0x0;
	s7 =	sadd.s32 s23, s7  }
0x4a: {  	p1 =	sne.s32 s1, $0x4600;
	[sflag:s25] =	ssyncadd.s32 $0xFFFFC000;
	s23 =	sadd.s32 $0xFFFFFF80, s7  }
0x4b: {  	[tilespmem:s20], [sflag:$0x1] =	stream.indirect.gather [hbm4b:s4+s19], $0x80, s23, s19, $0xb8;
	[tilespmem:$0x1EC00] =	vst v63  }
.Ltmp4:
0x4c: {  	_ = 	snop;
	(pc) =	sbr.rel @!p1 .LBB2_12-.Ltmp4, $4  }
0x4d: {  	_ =	swait.ge [sflag:s28], $0x4000  }
0x4e: {  	s0 =	sadd.s32 $0x1, s0;
	[sflag:s28] =	ssyncset.done $0x0  }
0x4f: {  	s14 =	sadd.s32 $0x20, s14;
	s10 =	sadd.s32 $0x400, s10;
	[sflag:s28] =	ssyncadd.s32 $0xFFFFC000  }
0x50: {  	[tilespmem:s21], [sflag:$0x2] =	stream.indirect.gather [hbm4b:s4+s19], $0x80, s7, s19, $0xb8;
	[tilespmem:$0x1EC00] =	vst v63  }
.LBB2_8:
0x51: {  	s7 =	sand.u32 $0x3FFFFFF3, s0  }
0x52: {  	p1 =	sne.s32 s7, $0x0  }
0x53: {  	s7 =	simm.s32 @!p1 $0x0;
	s23 =	simm.s32 @!p1 $0x2000  }
0x54: {  	[tilespmem:s23], [sflag:$0x5] =	stream.linear.gather @!p1 [hbm4b:s14+s7], $0x400, $0x38;
	[tilespmem:$0x1EC00] =	vst v63  }
0x55: {  	s7 =	simm.s32 @!p1 $0x5  }
0x56: {  	_ =	swait.ge @!p1 [sflag:s7], $0x400  }
0x57: {  	[sflag:s7] =	ssyncset.done @!p1 $0x0  }
0x58: {  	s23 =	sadd.s32 $0xFFFFFA00, s1;
	[sflag:s7] =	ssyncadd.s32 @!p1 $0xFFFFFC00  }
0x59: {  	s7 =	sand.u32 $0xC00, s23;
	_ =	swait.ge [sflag:s30], $0x4000  }
0x5a: {  	s7 =	sshrl.u32 s7, $0x2;
	[sflag:s30] =	ssyncset.done $0x0  }
0x5b: {  	p1 =	seq.s32 s1, $0x2200;
	s23 =	sor.u32 $0x2000, s7;
	[sflag:s30] =	ssyncadd.s32 $0xFFFFC000  }
0x5c: {  	[spmem:s2] =	stream.indirect.scatter.add.f32 [tilespmem:s20], [sflag:$0x3], $0x80, s23, s19, $0xb8;
	[tilespmem:$0x1EC00] =	vst v63  }
.Ltmp5:
0x5d: {  	_ = 	snop;
	(pc) =	sbr.rel @p1 .LBB2_10-.Ltmp5, $4  }
0x5e: {  	_ =	swait.ge [sflag:s22], $0x4000  }
0x5f: {  	[sflag:s22] =	ssyncset.done $0x0  }
0x60: {  	s7 =	sor.u32 $0x2080, s7;
	[sflag:s22] =	ssyncadd.s32 $0xFFFFC000  }
0x61: {  	[spmem:s2] =	stream.indirect.scatter.add.f32 [tilespmem:s21], [sflag:$0x4], $0x80, s7, s19, $0xb8;
	[tilespmem:$0x1EC00] =	vst v63  }
0x62: {  	p1 =	seq.s32 s1, $0x4200  }
.Ltmp6:
0x63: {  	_ = 	snop;
	(pc) =	sbr.rel @!p1 .LBB2_11-.Ltmp6, $4  }
.Ltmp7:
0x64: {  	_ = 	snop;
	(pc) =	sbr.rel @p1 .LBB2_12-.Ltmp7, $4  }
0x65: {  	_ = 	snop  }
0x66: {  	_ = 	snop  }
0x67: {  	_ = 	snop  }
0x68: {  	_ = 	snop  }
.LBB2_2:
0x69: {  	s0 =	rddreg [dreg:$0x3]  }
0x6a: {  	[tilespmem:s3], [sflag:$0x5] =	stream.linear.gather [hbm4b:s0+s3], $0x2000, $0x38;
	[tilespmem:$0x1EC00] =	vst v63  }
0x6b: {  	_ =	swait.ge [sflag:s17], $0x2000  }
0x6c: {  	[sflag:s17] =	ssyncset.done $0x0  }
0x6d: {  	[sflag:s17] =	ssyncadd.s32 $0xFFFFE000  }
0x6e: {  	[tilespmem:s18], [sflag:$0x5] =	stream.linear.gather [hbm4b:s8+s3], $0x1000, $0x38;
	[tilespmem:$0x1EC00] =	vst v63  }
0x6f: {  	_ =	swait.ge [sflag:s17], $0x1000  }
0x70: {  	[sflag:s17] =	ssyncset.done $0x0  }
0x71: {  	[sflag:s17] =	ssyncadd.s32 $0xFFFFF000  }
0x72: {  	[tilespmem:s20], [sflag:$0x1] =	stream.indirect.gather [hbm4b:s4+s19], $0x80, s3, s19, $0xb8;
	[tilespmem:$0x1EC00] =	vst v63  }
0x73: {  	s0 =	simm.s32 $0x1  }
0x74: {  	[tilespmem:s21], [sflag:$0x2] =	stream.indirect.gather [hbm4b:s4+s19], $0x80, s19, s19, $0xb8;
	[tilespmem:$0x1EC00] =	vst v63  }
0x75: {  	_ =	swait.ge [sflag:s0], $0x4000  }
0x76: {  	[sflag:s0] =	ssyncset.done $0x0  }
0x77: {  	[sflag:s0] =	ssyncadd.s32 $0xFFFFC000  }
0x78: {  	[spmem:s2] =	stream.indirect.scatter.add.f32 [tilespmem:s20], [sflag:$0x3], $0x80, s18, s19, $0xb8;
	[tilespmem:$0x1EC00] =	vst v63  }
0x79: {  	_ =	swait.ge [sflag:s22], $0x4000  }
0x7a: {  	[sflag:s22] =	ssyncset.done $0x0  }
0x7b: {  	s1 =	simm.s32 $0x2080;
	[sflag:s22] =	ssyncadd.s32 $0xFFFFC000  }
0x7c: {  	[spmem:s2] =	stream.indirect.scatter.add.f32 [tilespmem:s21], [sflag:$0x4], $0x80, s1, s19, $0xb8;
	[tilespmem:$0x1EC00] =	vst v63  }
0x7d: {  	_ =	swait.ge [sflag:s25], $0x4000  }
0x7e: {  	[sflag:s25] =	ssyncset.done $0x0  }
0x7f: {  	[sflag:s25] =	ssyncadd.s32 $0xFFFFC000  }
0x80: {  	[tilespmem:s20], [sflag:$0x1] =	stream.indirect.gather [hbm4b:s4+s19], $0x80, s26, s19, $0xb8;
	[tilespmem:$0x1EC00] =	vst v63  }
.Ltmp8:
0x81: {  	_ = 	snop;
	(pc) =	sbr.rel .LBB2_3-.Ltmp8, $4  }
0x82: {  	_ =	swait.ge [sflag:s28], $0x4000  }
0x83: {  	s10 =	simm.s32 $0x800;
	[sflag:s28] =	ssyncset.done $0x0  }
0x84: {  	s14 =	smov.u32 s11;
	s1 =	simm.s32 $0xA00;
	[sflag:s28] =	ssyncadd.s32 $0xFFFFC000  }
0x85: {  	[tilespmem:s21], [sflag:$0x2] =	stream.indirect.gather [hbm4b:s4+s19], $0x80, s29, s19, $0xb8;
	[tilespmem:$0x1EC00] =	vst v63  }
.LBB2_5:
0x86: {  	[tilespmem:s3], [sflag:$0x5] =	stream.linear.gather [hbm4b:s9+s3], $0x2000, $0x38;
	[tilespmem:$0x1EC00] =	vst v63  }
0x87: {  	_ =	swait.ge [sflag:s17], $0x2000  }
0x88: {  	[sflag:s17] =	ssyncset.done $0x0  }
0x89: {  	[sflag:s17] =	ssyncadd.s32 $0xFFFFE000  }
.LBB2_6:
0x8a: {  	s7 =	sand.u32 $0xFFFF8000, s10  }
0x8b: {  	s7 =	ssub.s32 $0x0, s7  }
0x8c: {  	_ =	swait.ge [sflag:s25], $0x4000;
	s23 =	sshra.s32 s1, $0x2;
	s7 =	sshra.s32 s7, $0x2  }
0x8d: {  	s1 =	sadd.s32 $0x400, s1;
	[sflag:s25] =	ssyncset.done $0x0;
	s7 =	sadd.s32 s23, s7  }
0x8e: {  	p1 =	seq.s32 s1, $0x10600;
	[sflag:s25] =	ssyncadd.s32 $0xFFFFC000;
	s23 =	sadd.s32 $0xFFFFFF80, s7  }
0x8f: {  	[tilespmem:s20], [sflag:$0x1] =	stream.indirect.gather [hbm4b:s4+s19], $0x80, s23, s19, $0xb8;
	[tilespmem:$0x1EC00] =	vst v63  }
.Ltmp9:
0x90: {  	_ = 	snop;
	(pc) =	sbr.rel @p1 .LBB2_12-.Ltmp9, $4  }
0x91: {  	_ =	swait.ge [sflag:s28], $0x4000  }
0x92: {  	s0 =	sadd.s32 $0x1, s0;
	[sflag:s28] =	ssyncset.done $0x0  }
0x93: {  	s14 =	sadd.s32 $0x20, s14;
	s10 =	sadd.s32 $0x400, s10;
	[sflag:s28] =	ssyncadd.s32 $0xFFFFC000  }
0x94: {  	[tilespmem:s21], [sflag:$0x2] =	stream.indirect.gather [hbm4b:s4+s19], $0x80, s7, s19, $0xb8;
	[tilespmem:$0x1EC00] =	vst v63  }
.LBB2_3:
0x95: {  	s23 =	sand.u32 $0x3FFFFFCF, s0  }
0x96: {  	p1 =	sne.s32 s23, $0x0  }
0x97: {  	s23 =	simm.s32 @!p1 $0x0;
	s7 =	simm.s32 @!p1 $0x2000  }
0x98: {  	[tilespmem:s7], [sflag:$0x5] =	stream.linear.gather @!p1 [hbm4b:s14+s23], $0x1000, $0x38;
	[tilespmem:$0x1EC00] =	vst v63  }
0x99: {  	s7 =	simm.s32 @!p1 $0x5  }
0x9a: {  	_ =	swait.ge @!p1 [sflag:s7], $0x1000  }
0x9b: {  	[sflag:s7] =	ssyncset.done @!p1 $0x0  }
0x9c: {  	s23 =	sadd.s32 $0xFFFFFA00, s1;
	[sflag:s7] =	ssyncadd.s32 @!p1 $0xFFFFF000  }
0x9d: {  	s7 =	sand.u32 $0x3C00, s23;
	_ =	swait.ge [sflag:s30], $0x4000  }
0x9e: {  	s7 =	sshrl.u32 s7, $0x2;
	[sflag:s30] =	ssyncset.done $0x0  }
0x9f: {  	p1 =	seq.s32 s1, $0x8200;
	s23 =	sor.u32 $0x2000, s7;
	[sflag:s30] =	ssyncadd.s32 $0xFFFFC000  }
0xa0: {  	[spmem:s2] =	stream.indirect.scatter.add.f32 [tilespmem:s20], [sflag:$0x3], $0x80, s23, s19, $0xb8;
	[tilespmem:$0x1EC00] =	vst v63  }
.Ltmp10:
0xa1: {  	_ = 	snop;
	(pc) =	sbr.rel @p1 .LBB2_5-.Ltmp10, $4  }
0xa2: {  	_ =	swait.ge [sflag:s22], $0x4000  }
0xa3: {  	[sflag:s22] =	ssyncset.done $0x0  }
0xa4: {  	s7 =	sor.u32 $0x2080, s7;
	[sflag:s22] =	ssyncadd.s32 $0xFFFFC000  }
0xa5: {  	[spmem:s2] =	stream.indirect.scatter.add.f32 [tilespmem:s21], [sflag:$0x4], $0x80, s7, s19, $0xb8;
	[tilespmem:$0x1EC00] =	vst v63  }
0xa6: {  	p1 =	seq.s32 s1, $0x10200  }
.Ltmp11:
0xa7: {  	_ = 	snop;
	(pc) =	sbr.rel @!p1 .LBB2_6-.Ltmp11, $4  }
.Ltmp12:
0xa8: {  	_ = 	snop;
	(pc) =	sbr.rel @p1 .LBB2_12-.Ltmp12, $4  }
0xa9: {  	_ = 	snop  }
0xaa: {  	_ = 	snop  }
0xab: {  	_ = 	snop  }
0xac: {  	_ = 	snop  }
.LBB2_13:
0xad: {  	_ =	sfence.sel $0x180000  }
0xae: {  	[bflag:$0x0] =	sbarrier.arrive $0xFFFF  }
0xaf: {  	_ =	strace $0x9000004A  }
0xb0: {  	s0 =	stileid.u32;
	[bflag:$0x2] =	sbarrier.arrive $0xFFFF  }
0xb1: {  	p0 =	sne.s32 s0, $0x0;
	s0 =	rddreg [dreg:$0x2]  }
0xb2: {  	s0 =	sadd.s32 @!p0 $0x100000, s0  }
0xb3: {  	[sflag:s0] =	ssyncadd.tile.s32 @!p0 $0x1;
	_ =	shalt  }
.Lfunc_end2:
_tile_overlayer_lowered:
.L_overlay_start_2:
0xb4: {  	(tag) =	ssettag $0x2  }
0xb5: {  	s0 =	rddreg [dreg:$0x0];
	s2 =	stileid.u32  }
0xb6: {  	s1 =	rddreg [dreg:$0x1];
	p0 =	sne.s32 s2, $0x0  }
0xb7: {  	s3 =	rddreg [dreg:$0x2];
	[bflag:$0x3] =	sbarrier.arrive $0xFFFF;
	s2 =	simm.s32 @!p0 $0x1C05  }
0xb8: {  	[timem:s3], [sflag:s2] =	dma.local @!p0 [hbm:s0], s1  }
0xb9: {  	s0 =	simm.s32 @!p0 $0x5  }
0xba: {  	_ =	swait.ge @!p0 [sflag:s0], s1  }
0xbb: {  	s1 =	ssub.s32 @!p0 $0x0, s1;
	[sflag:s0] =	ssyncset.done @!p0 $0x0  }
0xbc: {  	[sflag:s0] =	ssyncadd.s32 @!p0 s1  }
0xbd: {  	[bflag:$0x3] =	sbarrier.arrive $0xFFFF  }
0xbe: {  	_ =	shalt  }

// kernel: kernel.14.cloned.1.call-start
scs
__scs_entry_jumppad:
0x0: {  	(pc) =	sbr.rel $0x88, $3  }
0x1: {  	(tag) =	ssettag $0x0;
	lr =	simm.s32 $0x1  }
0x2: {  	[smem:$0x3F9A] =	sst lr;
	_ =	strace $0xD0000000  }
0x3: {  	_ = 	snop  }
0x4: {  	_ = 	snop  }
0x5: {  	_ = 	snop  }
0x6: {  	_ = 	snop  }
0x7: {  	_ = 	snop  }
__scs_overlays_trampoline_lowered:
0x8: {  	[smem:$0x3FA9] =	sst s0  }
0x9: {  	[smem:$0x3FAA] =	sst s1  }
0xa: {  	[smem:$0x3FAB] =	sst s2  }
0xb: {  	[smem:$0x3FAC] =	sst s3  }
0xc: {  	[smem:$0x3FAD] =	sst s4  }
0xd: {  	[smem:$0x3FAE] =	sst s5  }
0xe: {  	[smem:$0x3FAF] =	sst s6  }
0xf: {  	[smem:$0x3FB0] =	sst s7  }
0x10: {  	[smem:$0x3FB1] =	sst s8  }
0x11: {  	[smem:$0x3FB2] =	sst s9;
	s0 =	simm.s32 @!p0 $0x0  }
0x12: {  	s1 =	sld [smem:$0x3F98];
	s0 =	simm.s32 @p0 $0x1  }
0x13: {  	[smem:$0x3FB3] =	sst s0;
	s0 =	simm.s32 @!p1 $0x0  }
0x14: {  	s2 =	sld [smem:$0x3F97];
	s0 =	simm.s32 @p1 $0x1  }
0x15: {  	[smem:$0x3FB4] =	sst s0;
	s0 =	simm.s32 @!p2 $0x0  }
0x16: {  	s3 =	sld [smem:$0x3FDB];
	s0 =	simm.s32 @p2 $0x1  }
0x17: {  	s4 =	simm.s32 $0x1BF5;
	[smem:$0x3FB6] =	sst s0  }
0x18: {  	s0 =	sld [smem:$0x3F99];
	_ =	swait.ge [sflag:s4], $0x0  }
0x19: {  	s7 =	sld [smem:$0x3F9A]  }
0x1a: {  	s8 =	sadd.s32 $0xFFFFE003, lr  }
0x1b: {  	s9 =	sadd.s32 $0xFFFFFEF7, lr;
	s5 =	simm.s32 $0xFFFFFFFF;
	p2 =	slt.u32 s8, $0xFFFFF086  }
0x1c: {  	p1 =	slt.u32 s9, $0xF7A;
	s5 =	simm.s32 @!p2 $0x0  }
0x1d: {  	s5 =	simm.s32 @p1 $0x1;
	p0 =	seq.s32 s7, s2  }
0x1e: {  	s7 =	smul.u32 @!p0 $0xF7A, s2;
	p2 =	seq.s32 @!p0 s5, $0x0  }
0x1f: {  	s9 =	smul.u32 $0xF7A, s1;
	s8 =	simm.s32 @!p0 $0x1BF5;
	p2 =	por !p2, p0  }
0x20: {  	[sflag:s8] =	ssyncset.s32 @!p0 $0xFFFFF086;
	s6 =	sadd.s32 @!p0 s3, s7;
	s7 =	simm.s32 @!p0 $0x108  }
0x21: {  	s3 =	sadd.s32 s3, s9;
	s6 =	sadd.s32 @!p0 $0x88, s6;
	s7 =	simm.s32 @p2 $0x1082  }
0x22: {  	[simem:s7], [sflag:s8] =	dma.local @!p0 [hbm:s6], $0xF7A  }
0x23: {  	s9 =	sor.u32 $0xD0000000, s2;
	s6 =	simm.s32 $0x108;
	_ =	swait.ge @!p0 [sflag:s8], $0x0  }
0x24: {  	s3 =	sadd.s32 $0x88, s3;
	s6 =	simm.s32 @!p1 $0x1082;
	[sflag:s4] =	ssyncset.s32 $0xFFFFF086  }
0x25: {  	[simem:s6], [sflag:s4] =	dma.local [hbm:s3], $0xF7A  }
0x26: {  	[smem:$0x3F9A] =	sst s1;
	(tag) =	ssettag s2;
	_ =	strace s9  }
0x27: {  	s1 =	sld [smem:$0x3FAA]  }
0x28: {  	s2 =	sld [smem:$0x3FAB]  }
0x29: {  	s4 =	sld [smem:$0x3FAD]  }
0x2a: {  	p0 =	seq.s32 s5, $0x0;
	s5 =	sld [smem:$0x3FAE]  }
0x2b: {  	s6 =	sld [smem:$0x3FAF]  }
0x2c: {  	s7 =	sld [smem:$0x3FB0]  }
0x2d: {  	s3 =	simm.s32 $0x108;
	s8 =	sld [smem:$0x3FB1]  }
0x2e: {  	s3 =	simm.s32 @!p0 $0x1082;
	s9 =	sld [smem:$0x3FB2]  }
0x2f: {  	lr =	sadd.s32 s0, s3;
	s0 =	sld [smem:$0x3FA9]  }
0x30: {  	s3 =	sld [smem:$0x3FAC]  }
0x31: {  	[smem:$0x3FB5] =	sst s10  }
0x32: {  	s10 =	sld [smem:$0x3FB3];
	_ =	sdelay $0x3  }
0x33: {  	p0 =	seq.s32 s10, $0x1;
	s10 =	sld [smem:$0x3FB5];
	_ =	sdelay $0x3  }
0x34: {  	[smem:$0x3FB5] =	sst s10  }
0x35: {  	s10 =	sld [smem:$0x3FB4];
	_ =	sdelay $0x3  }
0x36: {  	p1 =	seq.s32 s10, $0x1;
	s10 =	sld [smem:$0x3FB5];
	_ =	sdelay $0x3  }
0x37: {  	[smem:$0x3FB5] =	sst s10  }
0x38: {  	s10 =	sld [smem:$0x3FB6]  }
0x39: {  	_ = 	snop;
	(pc) =	sbr.ind lr, $3  }
0x3a: {  	_ = 	snop  }
0x3b: {  	_ = 	snop  }
0x3c: {  	p2 =	seq.s32 s10, $0x1;
	s10 =	sld [smem:$0x3FB5]  }
0x3d: {  	_ =	shalt  }
0x3e: {  	_ =	shalt  }
0x3f: {  	_ =	shalt  }
0x40: {  	_ =	shalt  }
0x41: {  	_ =	shalt  }
0x42: {  	_ =	shalt  }
0x43: {  	_ =	shalt  }
0x44: {  	_ =	shalt  }
0x45: {  	_ =	shalt  }
0x46: {  	_ =	shalt  }
0x47: {  	_ =	shalt  }
0x48: {  	_ =	shalt  }
0x49: {  	_ =	shalt  }
0x4a: {  	_ =	shalt  }
0x4b: {  	_ =	shalt  }
0x4c: {  	_ =	shalt  }
0x4d: {  	_ =	shalt  }
0x4e: {  	_ =	shalt  }
0x4f: {  	_ =	shalt  }
0x50: {  	_ =	shalt  }
0x51: {  	_ =	shalt  }
0x52: {  	_ =	shalt  }
0x53: {  	_ =	shalt  }
0x54: {  	_ =	shalt  }
0x55: {  	_ =	shalt  }
0x56: {  	_ =	shalt  }
0x57: {  	_ =	shalt  }
0x58: {  	_ =	shalt  }
0x59: {  	_ =	shalt  }
0x5a: {  	_ =	shalt  }
0x5b: {  	_ =	shalt  }
0x5c: {  	_ =	shalt  }
0x5d: {  	_ =	shalt  }
0x5e: {  	_ =	shalt  }
0x5f: {  	_ =	shalt  }
0x60: {  	_ =	shalt  }
0x61: {  	_ =	shalt  }
0x62: {  	_ =	shalt  }
0x63: {  	_ =	shalt  }
0x64: {  	_ =	shalt  }
0x65: {  	_ =	shalt  }
0x66: {  	_ =	shalt  }
0x67: {  	_ =	shalt  }
0x68: {  	_ =	shalt  }
0x69: {  	_ =	shalt  }
0x6a: {  	_ =	shalt  }
0x6b: {  	_ =	shalt  }
0x6c: {  	_ =	shalt  }
0x6d: {  	_ =	shalt  }
0x6e: {  	_ =	shalt  }
0x6f: {  	_ =	shalt  }
0x70: {  	_ =	shalt  }
0x71: {  	_ =	shalt  }
0x72: {  	_ =	shalt  }
0x73: {  	_ =	shalt  }
0x74: {  	_ =	shalt  }
0x75: {  	_ =	shalt  }
0x76: {  	_ =	shalt  }
0x77: {  	_ =	shalt  }
0x78: {  	_ =	shalt  }
0x79: {  	_ =	shalt  }
0x7a: {  	_ =	shalt  }
0x7b: {  	_ =	shalt  }
0x7c: {  	_ =	shalt  }
0x7d: {  	_ =	shalt  }
0x7e: {  	_ =	shalt  }
0x7f: {  	_ =	shalt  }
0x80: {  	_ =	shalt  }
0x81: {  	_ =	shalt  }
0x82: {  	_ =	shalt  }
0x83: {  	_ =	shalt  }
0x84: {  	_ =	shalt  }
0x85: {  	_ =	shalt  }
0x86: {  	_ =	shalt  }
0x87: {  	_ =	shalt  }
.Lfunc_end0:
.L_simem_size_0:
called_computation.2_lowered:
.L_overlay_start_0:
0x88: {  	s2 =	sld [smem:$0x3FD9]  }
0x89: {  	s3 =	sld [smem:$0x3FFE];
	_ =	sdelay $0x1  }
0x8a: {  	s1 =	srdreg.scid  }
0x8b: {  	s0 =	sand.u32 $0x1, s1  }
0x8c: {  	s16 =	sshll.u32 s0, $0xA;
	s2 =	sadd.s32 s3, s2  }
0x8d: {  	s2 =	sadd.s32 s2, s16  }
0x8e: {  	[smem:$0x3FC1] =	sst s2  }
0x8f: {  	_ = 	snop  }
0x90: {  	(tm) =	ssettm $0x1  }
0x91: {  	s17 =	sld [smem:$0x3FFB];
	_ =	sdelay $0x3  }
0x92: {  	_ =	strace s17  }
0x93: {  	s2 =	sld [smem:$0x3FFC];
	_ =	sdelay $0x3  }
0x94: {  	_ =	strace s2  }
0x95: {  	s2 =	sld [smem:$0x3FFD];
	_ =	sdelay $0x3  }
0x96: {  	_ =	strace s2  }
0x97: {  	_ =	strace $0x8FFFFFFF  }
0x98: {  	s18 =	sld [smem:$0x3FDB];
	_ =	sdelay $0x1  }
0x99: {  	s19 =	simm.s32 $_scs_section_size  }
0x9a: {  	s4 =	simm.s32 $_size__tile_overlayer_lowered;
	s5 =	simm.s32 $_tile_overlayer_lowered  }
0x9b: {  	s22 =	simm.s32 $0x1BFF;
	s21 =	sshll.u32 s5, $0x1;
	s2 =	sadd.s32 s19, s18  }
0x9c: {  	s6 =	simm.s32 $0x0;
	s20 =	sshll.u32 s4, $0x1;
	s4 =	sadd.s32 s21, s2  }
0x9d: {  	[timem:s6], [sflag:s22] =	dma.local [hbm:s4], s20  }
0x9e: {  	_ =	swait.ge [sflag:s22], s20  }
0x9f: {  	s3 =	ssub.s32 $0x0, s20;
	[sflag:s22] =	ssyncset.done $0x0  }
0xa0: {  	[sflag:s22] =	ssyncadd.s32 s3;
	_ =	sdelay $0x1  }
0xa1: {  	s23 =	simm.s32 $0x1B8B  }
0xa2: {  	_ =	swait.ge [sflag:s23], $0x1  }
0xa3: {  	[sflag:s23] =	ssyncset.done $0x0  }
0xa4: {  	s25 =	simm.s32 $0x1B8E;
	s24 =	sld [smem:$0x3FFE];
	[sflag:s23] =	ssyncadd.s32 $0xFFFFFFFF  }
0xa5: {  	s26 =	simm.s32 $execute0_lowered;
	[smem:$0x3FD2] =	sst s25  }
0xa6: {  	s4 =	sshll.u32 s26, $0x1;
	_ =	strace $0x8000004C;
	[dreg:$0x1] =	wrdreg $0xFFFFFFFF  }
0xa7: {  	s28 =	simm.s32 $_size_execute0_lowered;
	s2 =	sadd.s32 s2, s4;
	[dreg:$0x0] =	wrdreg $0x0  }
0xa8: {  	s4 =	sshll.u32 s28, $0x1;
	[dreg:$0x2] =	wrdreg s2  }
0xa9: {  	[dreg:$0x3] =	wrdreg s4  }
0xaa: {  	[dreg:$0x4] =	wrdreg $0xC0  }
0xab: {  	_ =	task [dreg:s6], $0x5FFFF  }
0xac: {  	[dreg:$0x1] =	wrdreg $0xFFFFFFFF  }
0xad: {  	[dreg:$0x0] =	wrdreg $0x60  }
0xae: {  	[dreg:$0x2] =	wrdreg s24  }
0xaf: {  	[dreg:$0x3] =	wrdreg $0xB0000  }
0xb0: {  	[dreg:$0x4] =	wrdreg $0x9  }
0xb1: {  	_ =	task.clear_ibuf [dreg:s6], $0x5FFFF;
	_ =	strace $0x9000004C  }
0xb2: {  	s29 =	simm.s32 $0x9;
	_ =	strace $0x8000004E  }
0xb3: {  	_ =	swait.ge [sflag:s29], $0x1  }
0xb4: {  	[sflag:s29] =	ssyncadd.s32 $0xFFFFFFFF  }
0xb5: {  	_ =	strace $0x9000004E  }
0xb6: {  	_ =	sfence  }
0xb7: {  	s30 =	sld [smem:$0x0];
	_ =	sdelay $0x2  }
0xb8: {  	s31 =	sshll.u32 s1, $0xD;
	s1 =	sshrl.u32 s1, $0x2  }
0xb9: {  	s3 =	sand.u32 $0x4000, s31;
	s1 =	sadd.s32 s1, s30  }
0xba: {  	s0 =	sor.u32 s3, s0;
	s1 =	sshll.u32 s1, $0x11  }
0xbb: {  	s0 =	sor.u32 s1, s0  }
0xbc: {  	s0 =	sadd.s32 $0x8F2B, s0  }
0xbd: {  	[sflag:s0] =	ssyncadd.remote.s32 $0x1  }
0xbe: {  	_ =	sfence.sel $0xFFFF  }
0xbf: {  	[dreg:$0x0] =	wrdreg $0xFFFFFFFF;
	(pc) =	sbr.abs _section_cstart, $3  }
0xc0: {  	[dreg:$0x1] =	wrdreg $0xFFFFFFFF  }
0xc1: {  	_ =	task.clear_ibuf [dreg:s6], $0x2FFFF;
	_ =	strace $0x9FFFFFFF  }
0xc2: {  	(tm) =	ssettm $0x7FFFFFFF  }
0xc3: {  	_ =	shalt  }
tec
execute0_lowered:
.L_overlay_start_1:
0x0: {  	(tag) =	ssettag $0x1  }
0x1: {  	s0 =	rddreg [dreg:$0x0]  }
0x2: {  	s2 =	rddreg [dreg:$0x1];
	s3 =	simm.s32 $0x0;
	s9 =	stileid.u32  }
0x3: {  	s1 =	srdreg.scid;
	s17 =	simm.s32 $0x5;
	s18 =	simm.s32 $0x2000  }
0x4: {  	s19 =	simm.s32 $0x80;
	s28 =	simm.s32 $0x4;
	s29 =	simm.s32 $0x180  }
0x5: {  	s30 =	simm.s32 $0x1;
	s31 =	simm.s32 $0x0;
	[smem:$0x7FF] =	sst s3  }
0x6: {  	s10 =	smul.u32 $0x2780, s9;
	s1 =	sand.u32 $0x1, s1;
	s4 =	sadd.s32 $0x8DA00, s0  }
0x7: {  	s11 =	sadd.s32 $0x3E00, s0;
	s6 =	smul.u32 $0x4F000, s9;
	s13 =	sadd.s32 $0xDE00, s0  }
0x8: {  	s21 =	sshll.u32 s9, $0x6;
	s22 =	sshll.u32 s9, $0xB;
	s24 =	sshll.u32 s9, $0x9  }
0x9: {  	_ =	strace $0x8000004D;
	s5 =	smul.u32 $0x27800, s1;
	s8 =	ssub.s32 $0x2, s1  }
0xa: {  	p0 =	seq.s32 s1, $0x1;
	s23 =	sadd.s32 s11, s22;
	s12 =	sor.u32 $0x8000, s24  }
0xb: {  	s1 =	sadd.s32 s24, s13;
	s7 =	sadd.s32 s10, s0;
	s20 =	sshrl.u32 s8, $0x1  }
0xc: {  	s6 =	sshrl.u32 s6, $0x2;
	[dreg:$0x3] =	wrdreg s23;
	s9 =	sadd.s32 $0x400, s23  }
0xd: {  	s25 =	sadd.s32 s11, s12;
	s26 =	sadd.s32 s13, s12;
	s11 =	sadd.s32 s24, s11  }
0xe: {  	s15 =	sadd.s32 $0x8020, s1;
	s0 =	sadd.s32 s5, s0;
	s14 =	ssub.s32 s8, s20  }
0xf: {  	s16 =	sadd.s32 s6, s2;
	s5 =	sadd.s32 $0x17E00, s7;
	s6 =	sor.u32 $0x1C05, s21  }
.Ltmp0:
0x10: {  	s8 =	sadd.s32 s13, s22;
	[dreg:$0x4] =	wrdreg s25;
	(pc) =	sbr.rel .LBB2_1-.Ltmp0, $4  }
0x11: {  	[dreg:$0x5] =	wrdreg s26;
	s12 =	sadd.s32 $0x8100, s11;
	s20 =	simm.s32 $0x3000  }
0x12: {  	s21 =	simm.s32 $0x7000;
	s22 =	simm.s32 $0x2;
	s25 =	simm.s32 $0x3  }
0x13: {  	s26 =	simm.s32 $0x100;
	s0 =	sadd.s32 $0xB4C00, s0;
	s13 =	smax.u32 s14, $0x1  }
0x14: {  	s11 =	sadd.s32 $0x20, s8;
	s16 =	sshrl.u32 s16, $0x3;
	s24 =	sadd.s32 s10, s0  }
.LBB2_12:
0x15: {  	_ =	swait.ge [sflag:s25], $0x4000  }
0x16: {  	[sflag:s25] =	ssyncset.done $0x0  }
0x17: {  	[sflag:s25] =	ssyncadd.s32 $0xFFFFC000  }
0x18: {  	_ =	swait.ge [sflag:s28], $0x4000  }
0x19: {  	s31 =	sadd.s32 $0x1, s31;
	[sflag:s28] =	ssyncset.done $0x0  }
0x1a: {  	p1 =	sne.s32 s31, s13;
	[sflag:s28] =	ssyncadd.s32 $0xFFFFC000  }
.Ltmp1:
0x1b: {  	[bflag:$0x0] =	sbarrier.arrive $0xFFFF;
	(pc) =	sbr.rel @!p1 .LBB2_13-.Ltmp1, $4  }
0x1c: {  	[hbm:s24], [sflag:s6] =	dma.local [spmem:s16], $0x2780  }
0x1d: {  	_ =	swait.ge [sflag:s17], $0x2780  }
0x1e: {  	[sflag:s17] =	ssyncset.done $0x0  }
0x1f: {  	[sflag:s17] =	ssyncadd.s32 $0xFFFFD880  }
.LBB2_1:
0x20: {  	[spmem:s16], [sflag:s6] =	dma.local [hbm:s5], $0x2780  }
.Ltmp2:
0x21: {  	_ =	swait.ge [sflag:s17], $0x2780;
	(pc) =	sbr.rel @!p0 .LBB2_2-.Ltmp2, $3  }
0x22: {  	[sflag:s17] =	ssyncset.done $0x0  }
0x23: {  	[sflag:s17] =	ssyncadd.s32 $0xFFFFD880  }
0x24: {  	[bflag:$0x0] =	sbarrier.arrive $0xFFFF;
	_ =	sdelay $0x1  }
0x25: {  	s0 =	rddreg [dreg:$0x4]  }
0x26: {  	[tilespmem:s3], [sflag:$0x5] =	stream.linear.gather [hbm4b:s0+s3], $0x800, $0x38;
	[tilespmem:$0x1EC00] =	vst v63  }
0x27: {  	_ =	swait.ge [sflag:s17], $0x800  }
0x28: {  	[sflag:s17] =	ssyncset.done $0x0  }
0x29: {  	s23 =	rddreg [dreg:$0x5];
	[sflag:s17] =	ssyncadd.s32 $0xFFFFF800  }
0x2a: {  	[tilespmem:s18], [sflag:$0x5] =	stream.linear.gather [hbm4b:s23+s3], $0x400, $0x38;
	[tilespmem:$0x1EC00] =	vst v63  }
0x2b: {  	_ =	swait.ge [sflag:s17], $0x400  }
0x2c: {  	[sflag:s17] =	ssyncset.done $0x0  }
0x2d: {  	[sflag:s17] =	ssyncadd.s32 $0xFFFFFC00  }
0x2e: {  	[tilespmem:s20], [sflag:$0x1] =	stream.indirect.gather [hbm4b:s4+s19], $0x80, s3, s19, $0xb8;
	[tilespmem:$0x1EC00] =	vst v63  }
0x2f: {  	s0 =	simm.s32 $0x1  }
0x30: {  	[tilespmem:s21], [sflag:$0x2] =	stream.indirect.gather [hbm4b:s4+s19], $0x80, s19, s19, $0xb8;
	[tilespmem:$0x1EC00] =	vst v63  }
0x31: {  	_ =	swait.ge [sflag:s0], $0x4000  }
0x32: {  	[sflag:s0] =	ssyncset.done $0x0  }
0x33: {  	[sflag:s0] =	ssyncadd.s32 $0xFFFFC000  }
0x34: {  	[spmem:s2] =	stream.indirect.scatter.add.f32 [tilespmem:s20], [sflag:$0x3], $0x80, s18, s19, $0xb8;
	[tilespmem:$0x1EC00] =	vst v63  }
0x35: {  	_ =	swait.ge [sflag:s22], $0x4000  }
0x36: {  	[sflag:s22] =	ssyncset.done $0x0  }
0x37: {  	s1 =	simm.s32 $0x2080;
	[sflag:s22] =	ssyncadd.s32 $0xFFFFC000  }
0x38: {  	[spmem:s2] =	stream.indirect.scatter.add.f32 [tilespmem:s21], [sflag:$0x4], $0x80, s1, s19, $0xb8;
	[tilespmem:$0x1EC00] =	vst v63  }
0x39: {  	_ =	swait.ge [sflag:s25], $0x4000  }
0x3a: {  	[sflag:s25] =	ssyncset.done $0x0  }
0x3b: {  	[sflag:s25] =	ssyncadd.s32 $0xFFFFC000  }
0x3c: {  	[tilespmem:s20], [sflag:$0x1] =	stream.indirect.gather [hbm4b:s4+s19], $0x80, s26, s19, $0xb8;
	[tilespmem:$0x1EC00] =	vst v63  }
.Ltmp3:
0x3d: {  	_ = 	snop;
	(pc) =	sbr.rel .LBB2_8-.Ltmp3, $4  }
0x3e: {  	_ =	swait.ge [sflag:s28], $0x4000  }
0x3f: {  	s10 =	simm.s32 $0x800;
	[sflag:s28] =	ssyncset.done $0x0  }
0x40: {  	s14 =	smov.u32 s15;
	s1 =	simm.s32 $0xA00;
	[sflag:s28] =	ssyncadd.s32 $0xFFFFC000  }
0x41: {  	[tilespmem:s21], [sflag:$0x2] =	stream.indirect.gather [hbm4b:s4+s19], $0x80, s29, s19, $0xb8;
	[tilespmem:$0x1EC00] =	vst v63  }
.LBB2_10:
0x42: {  	[tilespmem:s3], [sflag:$0x5] =	stream.linear.gather [hbm4b:s12+s3], $0x800, $0x38;
	[tilespmem:$0x1EC00] =	vst v63  }
0x43: {  	_ =	swait.ge [sflag:s17], $0x800  }
0x44: {  	[sflag:s17] =	ssyncset.done $0x0  }
0x45: {  	[sflag:s17] =	ssyncadd.s32 $0xFFFFF800  }
.LBB2_11:
0x46: {  	s7 =	sand.u32 $0xFFFFE000, s10  }
0x47: {  	s7 =	ssub.s32 $0x0, s7  }
0x48: {  	_ =	swait.ge [sflag:s25], $0x4000;
	s23 =	sshra.s32 s1, $0x2;
	s7 =	sshra.s32 s7, $0x2  }
0x49: {  	s1 =	sadd.s32 $0x400, s1;
	[sflag:s25] =	ssyncset.done $0x0;
	s7 =	sadd.s32 s23, s7  }
0x4a: {  	p1 =	sne.s32 s1, $0x4600;
	[sflag:s25] =	ssyncadd.s32 $0xFFFFC000;
	s23 =	sadd.s32 $0xFFFFFF80, s7  }
0x4b: {  	[tilespmem:s20], [sflag:$0x1] =	stream.indirect.gather [hbm4b:s4+s19], $0x80, s23, s19, $0xb8;
	[tilespmem:$0x1EC00] =	vst v63  }
.Ltmp4:
0x4c: {  	_ = 	snop;
	(pc) =	sbr.rel @!p1 .LBB2_12-.Ltmp4, $4  }
0x4d: {  	_ =	swait.ge [sflag:s28], $0x4000  }
0x4e: {  	s0 =	sadd.s32 $0x1, s0;
	[sflag:s28] =	ssyncset.done $0x0  }
0x4f: {  	s14 =	sadd.s32 $0x20, s14;
	s10 =	sadd.s32 $0x400, s10;
	[sflag:s28] =	ssyncadd.s32 $0xFFFFC000  }
0x50: {  	[tilespmem:s21], [sflag:$0x2] =	stream.indirect.gather [hbm4b:s4+s19], $0x80, s7, s19, $0xb8;
	[tilespmem:$0x1EC00] =	vst v63  }
.LBB2_8:
0x51: {  	s7 =	sand.u32 $0x3FFFFFF3, s0  }
0x52: {  	p1 =	sne.s32 s7, $0x0  }
0x53: {  	s7 =	simm.s32 @!p1 $0x0;
	s23 =	simm.s32 @!p1 $0x2000  }
0x54: {  	[tilespmem:s23], [sflag:$0x5] =	stream.linear.gather @!p1 [hbm4b:s14+s7], $0x400, $0x38;
	[tilespmem:$0x1EC00] =	vst v63  }
0x55: {  	s7 =	simm.s32 @!p1 $0x5  }
0x56: {  	_ =	swait.ge @!p1 [sflag:s7], $0x400  }
0x57: {  	[sflag:s7] =	ssyncset.done @!p1 $0x0  }
0x58: {  	s23 =	sadd.s32 $0xFFFFFA00, s1;
	[sflag:s7] =	ssyncadd.s32 @!p1 $0xFFFFFC00  }
0x59: {  	s7 =	sand.u32 $0xC00, s23;
	_ =	swait.ge [sflag:s30], $0x4000  }
0x5a: {  	s7 =	sshrl.u32 s7, $0x2;
	[sflag:s30] =	ssyncset.done $0x0  }
0x5b: {  	p1 =	seq.s32 s1, $0x2200;
	s23 =	sor.u32 $0x2000, s7;
	[sflag:s30] =	ssyncadd.s32 $0xFFFFC000  }
0x5c: {  	[spmem:s2] =	stream.indirect.scatter.add.f32 [tilespmem:s20], [sflag:$0x3], $0x80, s23, s19, $0xb8;
	[tilespmem:$0x1EC00] =	vst v63  }
.Ltmp5:
0x5d: {  	_ = 	snop;
	(pc) =	sbr.rel @p1 .LBB2_10-.Ltmp5, $4  }
0x5e: {  	_ =	swait.ge [sflag:s22], $0x4000  }
0x5f: {  	[sflag:s22] =	ssyncset.done $0x0  }
0x60: {  	s7 =	sor.u32 $0x2080, s7;
	[sflag:s22] =	ssyncadd.s32 $0xFFFFC000  }
0x61: {  	[spmem:s2] =	stream.indirect.scatter.add.f32 [tilespmem:s21], [sflag:$0x4], $0x80, s7, s19, $0xb8;
	[tilespmem:$0x1EC00] =	vst v63  }
0x62: {  	p1 =	seq.s32 s1, $0x4200  }
.Ltmp6:
0x63: {  	_ = 	snop;
	(pc) =	sbr.rel @!p1 .LBB2_11-.Ltmp6, $4  }
.Ltmp7:
0x64: {  	_ = 	snop;
	(pc) =	sbr.rel @p1 .LBB2_12-.Ltmp7, $4  }
0x65: {  	_ = 	snop  }
0x66: {  	_ = 	snop  }
0x67: {  	_ = 	snop  }
0x68: {  	_ = 	snop  }
.LBB2_2:
0x69: {  	s0 =	rddreg [dreg:$0x3]  }
0x6a: {  	[tilespmem:s3], [sflag:$0x5] =	stream.linear.gather [hbm4b:s0+s3], $0x2000, $0x38;
	[tilespmem:$0x1EC00] =	vst v63  }
0x6b: {  	_ =	swait.ge [sflag:s17], $0x2000  }
0x6c: {  	[sflag:s17] =	ssyncset.done $0x0  }
0x6d: {  	[sflag:s17] =	ssyncadd.s32 $0xFFFFE000  }
0x6e: {  	[tilespmem:s18], [sflag:$0x5] =	stream.linear.gather [hbm4b:s8+s3], $0x1000, $0x38;
	[tilespmem:$0x1EC00] =	vst v63  }
0x6f: {  	_ =	swait.ge [sflag:s17], $0x1000  }
0x70: {  	[sflag:s17] =	ssyncset.done $0x0  }
0x71: {  	[sflag:s17] =	ssyncadd.s32 $0xFFFFF000  }
0x72: {  	[tilespmem:s20], [sflag:$0x1] =	stream.indirect.gather [hbm4b:s4+s19], $0x80, s3, s19, $0xb8;
	[tilespmem:$0x1EC00] =	vst v63  }
0x73: {  	s0 =	simm.s32 $0x1  }
0x74: {  	[tilespmem:s21], [sflag:$0x2] =	stream.indirect.gather [hbm4b:s4+s19], $0x80, s19, s19, $0xb8;
	[tilespmem:$0x1EC00] =	vst v63  }
0x75: {  	_ =	swait.ge [sflag:s0], $0x4000  }
0x76: {  	[sflag:s0] =	ssyncset.done $0x0  }
0x77: {  	[sflag:s0] =	ssyncadd.s32 $0xFFFFC000  }
0x78: {  	[spmem:s2] =	stream.indirect.scatter.add.f32 [tilespmem:s20], [sflag:$0x3], $0x80, s18, s19, $0xb8;
	[tilespmem:$0x1EC00] =	vst v63  }
0x79: {  	_ =	swait.ge [sflag:s22], $0x4000  }
0x7a: {  	[sflag:s22] =	ssyncset.done $0x0  }
0x7b: {  	s1 =	simm.s32 $0x2080;
	[sflag:s22] =	ssyncadd.s32 $0xFFFFC000  }
0x7c: {  	[spmem:s2] =	stream.indirect.scatter.add.f32 [tilespmem:s21], [sflag:$0x4], $0x80, s1, s19, $0xb8;
	[tilespmem:$0x1EC00] =	vst v63  }
0x7d: {  	_ =	swait.ge [sflag:s25], $0x4000  }
0x7e: {  	[sflag:s25] =	ssyncset.done $0x0  }
0x7f: {  	[sflag:s25] =	ssyncadd.s32 $0xFFFFC000  }
0x80: {  	[tilespmem:s20], [sflag:$0x1] =	stream.indirect.gather [hbm4b:s4+s19], $0x80, s26, s19, $0xb8;
	[tilespmem:$0x1EC00] =	vst v63  }
.Ltmp8:
0x81: {  	_ = 	snop;
	(pc) =	sbr.rel .LBB2_3-.Ltmp8, $4  }
0x82: {  	_ =	swait.ge [sflag:s28], $0x4000  }
0x83: {  	s10 =	simm.s32 $0x800;
	[sflag:s28] =	ssyncset.done $0x0  }
0x84: {  	s14 =	smov.u32 s11;
	s1 =	simm.s32 $0xA00;
	[sflag:s28] =	ssyncadd.s32 $0xFFFFC000  }
0x85: {  	[tilespmem:s21], [sflag:$0x2] =	stream.indirect.gather [hbm4b:s4+s19], $0x80, s29, s19, $0xb8;
	[tilespmem:$0x1EC00] =	vst v63  }
.LBB2_5:
0x86: {  	[tilespmem:s3], [sflag:$0x5] =	stream.linear.gather [hbm4b:s9+s3], $0x2000, $0x38;
	[tilespmem:$0x1EC00] =	vst v63  }
0x87: {  	_ =	swait.ge [sflag:s17], $0x2000  }
0x88: {  	[sflag:s17] =	ssyncset.done $0x0  }
0x89: {  	[sflag:s17] =	ssyncadd.s32 $0xFFFFE000  }
.LBB2_6:
0x8a: {  	s7 =	sand.u32 $0xFFFF8000, s10  }
0x8b: {  	s7 =	ssub.s32 $0x0, s7  }
0x8c: {  	_ =	swait.ge [sflag:s25], $0x4000;
	s23 =	sshra.s32 s1, $0x2;
	s7 =	sshra.s32 s7, $0x2  }
0x8d: {  	s1 =	sadd.s32 $0x400, s1;
	[sflag:s25] =	ssyncset.done $0x0;
	s7 =	sadd.s32 s23, s7  }
0x8e: {  	p1 =	seq.s32 s1, $0x10600;
	[sflag:s25] =	ssyncadd.s32 $0xFFFFC000;
	s23 =	sadd.s32 $0xFFFFFF80, s7  }
0x8f: {  	[tilespmem:s20], [sflag:$0x1] =	stream.indirect.gather [hbm4b:s4+s19], $0x80, s23, s19, $0xb8;
	[tilespmem:$0x1EC00] =	vst v63  }
.Ltmp9:
0x90: {  	_ = 	snop;
	(pc) =	sbr.rel @p1 .LBB2_12-.Ltmp9, $4  }
0x91: {  	_ =	swait.ge [sflag:s28], $0x4000  }
0x92: {  	s0 =	sadd.s32 $0x1, s0;
	[sflag:s28] =	ssyncset.done $0x0  }
0x93: {  	s14 =	sadd.s32 $0x20, s14;
	s10 =	sadd.s32 $0x400, s10;
	[sflag:s28] =	ssyncadd.s32 $0xFFFFC000  }
0x94: {  	[tilespmem:s21], [sflag:$0x2] =	stream.indirect.gather [hbm4b:s4+s19], $0x80, s7, s19, $0xb8;
	[tilespmem:$0x1EC00] =	vst v63  }
.LBB2_3:
0x95: {  	s23 =	sand.u32 $0x3FFFFFCF, s0  }
0x96: {  	p1 =	sne.s32 s23, $0x0  }
0x97: {  	s23 =	simm.s32 @!p1 $0x0;
	s7 =	simm.s32 @!p1 $0x2000  }
0x98: {  	[tilespmem:s7], [sflag:$0x5] =	stream.linear.gather @!p1 [hbm4b:s14+s23], $0x1000, $0x38;
	[tilespmem:$0x1EC00] =	vst v63  }
0x99: {  	s7 =	simm.s32 @!p1 $0x5  }
0x9a: {  	_ =	swait.ge @!p1 [sflag:s7], $0x1000  }
0x9b: {  	[sflag:s7] =	ssyncset.done @!p1 $0x0  }
0x9c: {  	s23 =	sadd.s32 $0xFFFFFA00, s1;
	[sflag:s7] =	ssyncadd.s32 @!p1 $0xFFFFF000  }
0x9d: {  	s7 =	sand.u32 $0x3C00, s23;
	_ =	swait.ge [sflag:s30], $0x4000  }
0x9e: {  	s7 =	sshrl.u32 s7, $0x2;
	[sflag:s30] =	ssyncset.done $0x0  }
0x9f: {  	p1 =	seq.s32 s1, $0x8200;
	s23 =	sor.u32 $0x2000, s7;
	[sflag:s30] =	ssyncadd.s32 $0xFFFFC000  }
0xa0: {  	[spmem:s2] =	stream.indirect.scatter.add.f32 [tilespmem:s20], [sflag:$0x3], $0x80, s23, s19, $0xb8;
	[tilespmem:$0x1EC00] =	vst v63  }
.Ltmp10:
0xa1: {  	_ = 	snop;
	(pc) =	sbr.rel @p1 .LBB2_5-.Ltmp10, $4  }
0xa2: {  	_ =	swait.ge [sflag:s22], $0x4000  }
0xa3: {  	[sflag:s22] =	ssyncset.done $0x0  }
0xa4: {  	s7 =	sor.u32 $0x2080, s7;
	[sflag:s22] =	ssyncadd.s32 $0xFFFFC000  }
0xa5: {  	[spmem:s2] =	stream.indirect.scatter.add.f32 [tilespmem:s21], [sflag:$0x4], $0x80, s7, s19, $0xb8;
	[tilespmem:$0x1EC00] =	vst v63  }
0xa6: {  	p1 =	seq.s32 s1, $0x10200  }
.Ltmp11:
0xa7: {  	_ = 	snop;
	(pc) =	sbr.rel @!p1 .LBB2_6-.Ltmp11, $4  }
.Ltmp12:
0xa8: {  	_ = 	snop;
	(pc) =	sbr.rel @p1 .LBB2_12-.Ltmp12, $4  }
0xa9: {  	_ = 	snop  }
0xaa: {  	_ = 	snop  }
0xab: {  	_ = 	snop  }
0xac: {  	_ = 	snop  }
.LBB2_13:
0xad: {  	_ =	sfence.sel $0x180000  }
0xae: {  	[bflag:$0x0] =	sbarrier.arrive $0xFFFF  }
0xaf: {  	_ =	strace $0x9000004D  }
0xb0: {  	s0 =	stileid.u32;
	[bflag:$0x2] =	sbarrier.arrive $0xFFFF  }
0xb1: {  	p0 =	sne.s32 s0, $0x0;
	s0 =	rddreg [dreg:$0x2]  }
0xb2: {  	s0 =	sadd.s32 @!p0 $0x100000, s0  }
0xb3: {  	[sflag:s0] =	ssyncadd.tile.s32 @!p0 $0x1;
	_ =	shalt  }
.Lfunc_end2:
_tile_overlayer_lowered:
.L_overlay_start_2:
0xb4: {  	(tag) =	ssettag $0x2  }
0xb5: {  	s0 =	rddreg [dreg:$0x0];
	s2 =	stileid.u32  }
0xb6: {  	s1 =	rddreg [dreg:$0x1];
	p0 =	sne.s32 s2, $0x0  }
0xb7: {  	s3 =	rddreg [dreg:$0x2];
	[bflag:$0x3] =	sbarrier.arrive $0xFFFF;
	s2 =	simm.s32 @!p0 $0x1C05  }
0xb8: {  	[timem:s3], [sflag:s2] =	dma.local @!p0 [hbm:s0], s1  }
0xb9: {  	s0 =	simm.s32 @!p0 $0x5  }
0xba: {  	_ =	swait.ge @!p0 [sflag:s0], s1  }
0xbb: {  	s1 =	ssub.s32 @!p0 $0x0, s1;
	[sflag:s0] =	ssyncset.done @!p0 $0x0  }
0xbc: {  	[sflag:s0] =	ssyncadd.s32 @!p0 s1  }
0xbd: {  	[bflag:$0x3] =	sbarrier.arrive $0xFFFF  }
0xbe: {  	_ =	shalt  }

// kernel: kernel.8.cloned.1.call-start
scs
__scs_entry_jumppad:
0x0: {  	(pc) =	sbr.rel $0x88, $3  }
0x1: {  	(tag) =	ssettag $0x0;
	lr =	simm.s32 $0x1  }
0x2: {  	[smem:$0x3F9A] =	sst lr;
	_ =	strace $0xD0000000  }
0x3: {  	_ = 	snop  }
0x4: {  	_ = 	snop  }
0x5: {  	_ = 	snop  }
0x6: {  	_ = 	snop  }
0x7: {  	_ = 	snop  }
__scs_overlays_trampoline_lowered:
0x8: {  	[smem:$0x3FA9] =	sst s0  }
0x9: {  	[smem:$0x3FAA] =	sst s1  }
0xa: {  	[smem:$0x3FAB] =	sst s2  }
0xb: {  	[smem:$0x3FAC] =	sst s3  }
0xc: {  	[smem:$0x3FAD] =	sst s4  }
0xd: {  	[smem:$0x3FAE] =	sst s5  }
0xe: {  	[smem:$0x3FAF] =	sst s6  }
0xf: {  	[smem:$0x3FB0] =	sst s7  }
0x10: {  	[smem:$0x3FB1] =	sst s8  }
0x11: {  	[smem:$0x3FB2] =	sst s9;
	s0 =	simm.s32 @!p0 $0x0  }
0x12: {  	s1 =	sld [smem:$0x3F98];
	s0 =	simm.s32 @p0 $0x1  }
0x13: {  	[smem:$0x3FB3] =	sst s0;
	s0 =	simm.s32 @!p1 $0x0  }
0x14: {  	s2 =	sld [smem:$0x3F97];
	s0 =	simm.s32 @p1 $0x1  }
0x15: {  	[smem:$0x3FB4] =	sst s0;
	s0 =	simm.s32 @!p2 $0x0  }
0x16: {  	s3 =	sld [smem:$0x3FDB];
	s0 =	simm.s32 @p2 $0x1  }
0x17: {  	s4 =	simm.s32 $0x1BF5;
	[smem:$0x3FB6] =	sst s0  }
0x18: {  	s0 =	sld [smem:$0x3F99];
	_ =	swait.ge [sflag:s4], $0x0  }
0x19: {  	s7 =	sld [smem:$0x3F9A]  }
0x1a: {  	s8 =	sadd.s32 $0xFFFFE003, lr  }
0x1b: {  	s9 =	sadd.s32 $0xFFFFFEF7, lr;
	s5 =	simm.s32 $0xFFFFFFFF;
	p2 =	slt.u32 s8, $0xFFFFF086  }
0x1c: {  	p1 =	slt.u32 s9, $0xF7A;
	s5 =	simm.s32 @!p2 $0x0  }
0x1d: {  	s5 =	simm.s32 @p1 $0x1;
	p0 =	seq.s32 s7, s2  }
0x1e: {  	s7 =	smul.u32 @!p0 $0xF7A, s2;
	p2 =	seq.s32 @!p0 s5, $0x0  }
0x1f: {  	s9 =	smul.u32 $0xF7A, s1;
	s8 =	simm.s32 @!p0 $0x1BF5;
	p2 =	por !p2, p0  }
0x20: {  	[sflag:s8] =	ssyncset.s32 @!p0 $0xFFFFF086;
	s6 =	sadd.s32 @!p0 s3, s7;
	s7 =	simm.s32 @!p0 $0x108  }
0x21: {  	s3 =	sadd.s32 s3, s9;
	s6 =	sadd.s32 @!p0 $0x88, s6;
	s7 =	simm.s32 @p2 $0x1082  }
0x22: {  	[simem:s7], [sflag:s8] =	dma.local @!p0 [hbm:s6], $0xF7A  }
0x23: {  	s9 =	sor.u32 $0xD0000000, s2;
	s6 =	simm.s32 $0x108;
	_ =	swait.ge @!p0 [sflag:s8], $0x0  }
0x24: {  	s3 =	sadd.s32 $0x88, s3;
	s6 =	simm.s32 @!p1 $0x1082;
	[sflag:s4] =	ssyncset.s32 $0xFFFFF086  }
0x25: {  	[simem:s6], [sflag:s4] =	dma.local [hbm:s3], $0xF7A  }
0x26: {  	[smem:$0x3F9A] =	sst s1;
	(tag) =	ssettag s2;
	_ =	strace s9  }
0x27: {  	s1 =	sld [smem:$0x3FAA]  }
0x28: {  	s2 =	sld [smem:$0x3FAB]  }
0x29: {  	s4 =	sld [smem:$0x3FAD]  }
0x2a: {  	p0 =	seq.s32 s5, $0x0;
	s5 =	sld [smem:$0x3FAE]  }
0x2b: {  	s6 =	sld [smem:$0x3FAF]  }
0x2c: {  	s7 =	sld [smem:$0x3FB0]  }
0x2d: {  	s3 =	simm.s32 $0x108;
	s8 =	sld [smem:$0x3FB1]  }
0x2e: {  	s3 =	simm.s32 @!p0 $0x1082;
	s9 =	sld [smem:$0x3FB2]  }
0x2f: {  	lr =	sadd.s32 s0, s3;
	s0 =	sld [smem:$0x3FA9]  }
0x30: {  	s3 =	sld [smem:$0x3FAC]  }
0x31: {  	[smem:$0x3FB5] =	sst s10  }
0x32: {  	s10 =	sld [smem:$0x3FB3];
	_ =	sdelay $0x3  }
0x33: {  	p0 =	seq.s32 s10, $0x1;
	s10 =	sld [smem:$0x3FB5];
	_ =	sdelay $0x3  }
0x34: {  	[smem:$0x3FB5] =	sst s10  }
0x35: {  	s10 =	sld [smem:$0x3FB4];
	_ =	sdelay $0x3  }
0x36: {  	p1 =	seq.s32 s10, $0x1;
	s10 =	sld [smem:$0x3FB5];
	_ =	sdelay $0x3  }
0x37: {  	[smem:$0x3FB5] =	sst s10  }
0x38: {  	s10 =	sld [smem:$0x3FB6]  }
0x39: {  	_ = 	snop;
	(pc) =	sbr.ind lr, $3  }
0x3a: {  	_ = 	snop  }
0x3b: {  	_ = 	snop  }
0x3c: {  	p2 =	seq.s32 s10, $0x1;
	s10 =	sld [smem:$0x3FB5]  }
0x3d: {  	_ =	shalt  }
0x3e: {  	_ =	shalt  }
0x3f: {  	_ =	shalt  }
0x40: {  	_ =	shalt  }
0x41: {  	_ =	shalt  }
0x42: {  	_ =	shalt  }
0x43: {  	_ =	shalt  }
0x44: {  	_ =	shalt  }
0x45: {  	_ =	shalt  }
0x46: {  	_ =	shalt  }
0x47: {  	_ =	shalt  }
0x48: {  	_ =	shalt  }
0x49: {  	_ =	shalt  }
0x4a: {  	_ =	shalt  }
0x4b: {  	_ =	shalt  }
0x4c: {  	_ =	shalt  }
0x4d: {  	_ =	shalt  }
0x4e: {  	_ =	shalt  }
0x4f: {  	_ =	shalt  }
0x50: {  	_ =	shalt  }
0x51: {  	_ =	shalt  }
0x52: {  	_ =	shalt  }
0x53: {  	_ =	shalt  }
0x54: {  	_ =	shalt  }
0x55: {  	_ =	shalt  }
0x56: {  	_ =	shalt  }
0x57: {  	_ =	shalt  }
0x58: {  	_ =	shalt  }
0x59: {  	_ =	shalt  }
0x5a: {  	_ =	shalt  }
0x5b: {  	_ =	shalt  }
0x5c: {  	_ =	shalt  }
0x5d: {  	_ =	shalt  }
0x5e: {  	_ =	shalt  }
0x5f: {  	_ =	shalt  }
0x60: {  	_ =	shalt  }
0x61: {  	_ =	shalt  }
0x62: {  	_ =	shalt  }
0x63: {  	_ =	shalt  }
0x64: {  	_ =	shalt  }
0x65: {  	_ =	shalt  }
0x66: {  	_ =	shalt  }
0x67: {  	_ =	shalt  }
0x68: {  	_ =	shalt  }
0x69: {  	_ =	shalt  }
0x6a: {  	_ =	shalt  }
0x6b: {  	_ =	shalt  }
0x6c: {  	_ =	shalt  }
0x6d: {  	_ =	shalt  }
0x6e: {  	_ =	shalt  }
0x6f: {  	_ =	shalt  }
0x70: {  	_ =	shalt  }
0x71: {  	_ =	shalt  }
0x72: {  	_ =	shalt  }
0x73: {  	_ =	shalt  }
0x74: {  	_ =	shalt  }
0x75: {  	_ =	shalt  }
0x76: {  	_ =	shalt  }
0x77: {  	_ =	shalt  }
0x78: {  	_ =	shalt  }
0x79: {  	_ =	shalt  }
0x7a: {  	_ =	shalt  }
0x7b: {  	_ =	shalt  }
0x7c: {  	_ =	shalt  }
0x7d: {  	_ =	shalt  }
0x7e: {  	_ =	shalt  }
0x7f: {  	_ =	shalt  }
0x80: {  	_ =	shalt  }
0x81: {  	_ =	shalt  }
0x82: {  	_ =	shalt  }
0x83: {  	_ =	shalt  }
0x84: {  	_ =	shalt  }
0x85: {  	_ =	shalt  }
0x86: {  	_ =	shalt  }
0x87: {  	_ =	shalt  }
.Lfunc_end0:
.L_simem_size_0:
called_computation_lowered:
.L_overlay_start_0:
0x88: {  	s2 =	sld [smem:$0x3FD9]  }
0x89: {  	s3 =	sld [smem:$0x3FFE];
	_ =	sdelay $0x1  }
0x8a: {  	s1 =	srdreg.scid  }
0x8b: {  	s0 =	sand.u32 $0x1, s1  }
0x8c: {  	s16 =	sshll.u32 s0, $0xA;
	s2 =	sadd.s32 s3, s2  }
0x8d: {  	s2 =	sadd.s32 s2, s16  }
0x8e: {  	[smem:$0x3FC1] =	sst s2  }
0x8f: {  	_ = 	snop  }
0x90: {  	(tm) =	ssettm $0x1  }
0x91: {  	s17 =	sld [smem:$0x3FFB];
	_ =	sdelay $0x3  }
0x92: {  	_ =	strace s17  }
0x93: {  	s2 =	sld [smem:$0x3FFC];
	_ =	sdelay $0x3  }
0x94: {  	_ =	strace s2  }
0x95: {  	s2 =	sld [smem:$0x3FFD];
	_ =	sdelay $0x3  }
0x96: {  	_ =	strace s2  }
0x97: {  	_ =	strace $0x8FFFFFFF  }
0x98: {  	s18 =	sld [smem:$0x3FDB];
	_ =	sdelay $0x1  }
0x99: {  	s19 =	simm.s32 $_scs_section_size  }
0x9a: {  	s4 =	simm.s32 $_size__tile_overlayer_lowered;
	s5 =	simm.s32 $_tile_overlayer_lowered  }
0x9b: {  	s22 =	simm.s32 $0x1BFF;
	s21 =	sshll.u32 s5, $0x1;
	s2 =	sadd.s32 s19, s18  }
0x9c: {  	s6 =	simm.s32 $0x0;
	s20 =	sshll.u32 s4, $0x1;
	s4 =	sadd.s32 s21, s2  }
0x9d: {  	[timem:s6], [sflag:s22] =	dma.local [hbm:s4], s20  }
0x9e: {  	_ =	swait.ge [sflag:s22], s20  }
0x9f: {  	s3 =	ssub.s32 $0x0, s20;
	[sflag:s22] =	ssyncset.done $0x0  }
0xa0: {  	[sflag:s22] =	ssyncadd.s32 s3;
	_ =	sdelay $0x1  }
0xa1: {  	s23 =	simm.s32 $0x1B8B  }
0xa2: {  	_ =	swait.ge [sflag:s23], $0x1  }
0xa3: {  	[sflag:s23] =	ssyncset.done $0x0  }
0xa4: {  	s25 =	simm.s32 $0x1B8E;
	s24 =	sld [smem:$0x3FFE];
	[sflag:s23] =	ssyncadd.s32 $0xFFFFFFFF  }
0xa5: {  	s26 =	simm.s32 $execute0_lowered;
	[smem:$0x3FD2] =	sst s25  }
0xa6: {  	s4 =	sshll.u32 s26, $0x1;
	_ =	strace $0x80000046;
	[dreg:$0x1] =	wrdreg $0xFFFFFFFF  }
0xa7: {  	s28 =	simm.s32 $_size_execute0_lowered;
	s2 =	sadd.s32 s2, s4;
	[dreg:$0x0] =	wrdreg $0x0  }
0xa8: {  	s4 =	sshll.u32 s28, $0x1;
	[dreg:$0x2] =	wrdreg s2  }
0xa9: {  	[dreg:$0x3] =	wrdreg s4  }
0xaa: {  	[dreg:$0x4] =	wrdreg $0xC0  }
0xab: {  	_ =	task [dreg:s6], $0x5FFFF  }
0xac: {  	[dreg:$0x1] =	wrdreg $0xFFFFFFFF  }
0xad: {  	[dreg:$0x0] =	wrdreg $0x60  }
0xae: {  	[dreg:$0x2] =	wrdreg s24  }
0xaf: {  	[dreg:$0x3] =	wrdreg $0x68000  }
0xb0: {  	[dreg:$0x4] =	wrdreg $0x9  }
0xb1: {  	_ =	task.clear_ibuf [dreg:s6], $0x5FFFF;
	_ =	strace $0x90000046  }
0xb2: {  	s29 =	simm.s32 $0x9;
	_ =	strace $0x80000048  }
0xb3: {  	_ =	swait.ge [sflag:s29], $0x1  }
0xb4: {  	[sflag:s29] =	ssyncadd.s32 $0xFFFFFFFF  }
0xb5: {  	_ =	strace $0x90000048  }
0xb6: {  	_ =	sfence  }
0xb7: {  	s30 =	sld [smem:$0x0];
	_ =	sdelay $0x2  }
0xb8: {  	s31 =	sshll.u32 s1, $0xD;
	s1 =	sshrl.u32 s1, $0x2  }
0xb9: {  	s3 =	sand.u32 $0x4000, s31;
	s1 =	sadd.s32 s1, s30  }
0xba: {  	s0 =	sor.u32 s3, s0;
	s1 =	sshll.u32 s1, $0x11  }
0xbb: {  	s0 =	sor.u32 s1, s0  }
0xbc: {  	s0 =	sadd.s32 $0x8F2B, s0  }
0xbd: {  	[sflag:s0] =	ssyncadd.remote.s32 $0x1  }
0xbe: {  	_ =	sfence.sel $0xFFFF  }
0xbf: {  	[dreg:$0x0] =	wrdreg $0xFFFFFFFF;
	(pc) =	sbr.abs _section_cstart, $3  }
0xc0: {  	[dreg:$0x1] =	wrdreg $0xFFFFFFFF  }
0xc1: {  	_ =	task.clear_ibuf [dreg:s6], $0x2FFFF;
	_ =	strace $0x9FFFFFFF  }
0xc2: {  	(tm) =	ssettm $0x7FFFFFFF  }
0xc3: {  	_ =	shalt  }
tec
execute0_lowered:
.L_overlay_start_1:
0x0: {  	(tag) =	ssettag $0x1  }
0x1: {  	s1 =	srdreg.scid;
	s6 =	rddreg [dreg:$0x0]  }
0x2: {  	s0 =	stileid.u32;
	s2 =	rddreg [dreg:$0x1]  }
0x3: {  	s3 =	simm.s32 $0x0;
	s13 =	simm.s32 $0x1;
	s14 =	smul.u32 $0x2780, s0  }
0x4: {  	s5 =	sand.u32 $0x1, s1;
	s26 =	sshll.u32 s0, $0x1;
	s9 =	smul.u32 $0x4F000, s0  }
0x5: {  	[smem:$0x7FF] =	sst s3;
	s1 =	sor.u32 s5, s26;
	s7 =	smul.u32 $0x27800, s5  }
0x6: {  	s31 =	sshll.u32 s0, $0x6;
	s5 =	ssub.s32 $0x2, s5;
	s4 =	smul.u32 $0x500, s1  }
0x7: {  	s1 =	rddreg [dreg:$0x2];
	_ =	strace $0x80000047;
	s10 =	sadd.s32 s14, s6  }
0x8: {  	s28 =	sshrl.u32 s5, $0x1;
	s29 =	sshrl.u32 s9, $0x2;
	s11 =	sadd.s32 s7, s6  }
0x9: {  	s30 =	ssub.s32 s5, s28;
	s12 =	sadd.s32 s29, s2;
	s5 =	sadd.s32 $0x17E00, s10  }
0xa: {  	s10 =	simm.s32 $0x2;
	s8 =	sadd.s32 s4, s6;
	s4 =	sadd.s32 $0x3F600, s6  }
0xb: {  	s6 =	sor.u32 $0x1C02, s31;
	s15 =	sadd.s32 $0x3FE00, s11;
	s9 =	sshrl.u32 s12, $0x3  }
0xc: {  	s11 =	simm.s32 $0x2800;
	s12 =	simm.s32 $0x80;
	s7 =	sadd.s32 $0xDE00, s8  }
0xd: {  	s8 =	smax.u32 s30, $0x1;
	s14 =	sadd.s32 s14, s15;
	s15 =	simm.s32 $0x0  }
.LBB2_1:
0xe: {  	[spmem:s9], [sflag:s6] =	dma.local [hbm:s5], $0x2780  }
0xf: {  	_ =	swait.ge [sflag:s10], $0x2780  }
0x10: {  	[sflag:s10] =	ssyncset.done $0x0  }
0x11: {  	[sflag:s10] =	ssyncadd.s32 $0xFFFFD880  }
0x12: {  	[tilespmem:s11], [sflag:$0x2] =	stream.linear.gather [hbm4b:s4+s3], $0x4000, $0x38;
	[tilespmem:$0x1A400] =	vst v63  }
0x13: {  	_ =	swait.ge [sflag:s10], $0x4000  }
0x14: {  	[sflag:s10] =	ssyncset.done $0x0  }
0x15: {  	[sflag:s10] =	ssyncadd.s32 $0xFFFFC000  }
0x16: {  	[tilespmem:s3], [sflag:$0x2] =	stream.linear.gather [hbm4b:s7+s3], $0x2800, $0x38;
	[tilespmem:$0x1A400] =	vst v63  }
0x17: {  	_ =	swait.ge [sflag:s10], $0x2800  }
0x18: {  	[sflag:s10] =	ssyncset.done $0x0  }
0x19: {  	[sflag:s10] =	ssyncadd.s32 $0xFFFFD800  }
0x1a: {  	s16 =	simm.s32 $0x0;
	[bflag:$0x0] =	sbarrier.arrive $0xFFFF  }
0x1b: {  	[spmem:s2] =	stream.indirect.scatter.add.f32 [tilespmem:s11], [sflag:$0x1], $0x80, s16, s12, $0xb8;
	[tilespmem:$0x1A400] =	vst v63  }
0x1c: {  	s24 =	simm.s32 $0x80  }
0x1d: {  	[spmem:s2] =	stream.indirect.scatter.add.f32 [tilespmem:s11], [sflag:$0x1], $0x80, s24, s12, $0xb8;
	[tilespmem:$0x1A400] =	vst v63  }
0x1e: {  	s25 =	simm.s32 $0x100  }
0x1f: {  	[spmem:s2] =	stream.indirect.scatter.add.f32 [tilespmem:s11], [sflag:$0x1], $0x80, s25, s12, $0xb8;
	[tilespmem:$0x1A400] =	vst v63  }
0x20: {  	s26 =	simm.s32 $0x180  }
0x21: {  	[spmem:s2] =	stream.indirect.scatter.add.f32 [tilespmem:s11], [sflag:$0x1], $0x80, s26, s12, $0xb8;
	[tilespmem:$0x1A400] =	vst v63  }
0x22: {  	s28 =	simm.s32 $0x200  }
0x23: {  	[spmem:s2] =	stream.indirect.scatter.add.f32 [tilespmem:s11], [sflag:$0x1], $0x80, s28, s12, $0xb8;
	[tilespmem:$0x1A400] =	vst v63  }
0x24: {  	s29 =	simm.s32 $0x280  }
0x25: {  	[spmem:s2] =	stream.indirect.scatter.add.f32 [tilespmem:s11], [sflag:$0x1], $0x80, s29, s12, $0xb8;
	[tilespmem:$0x1A400] =	vst v63  }
0x26: {  	s30 =	simm.s32 $0x300  }
0x27: {  	[spmem:s2] =	stream.indirect.scatter.add.f32 [tilespmem:s11], [sflag:$0x1], $0x80, s30, s12, $0xb8;
	[tilespmem:$0x1A400] =	vst v63  }
0x28: {  	s31 =	simm.s32 $0x380  }
0x29: {  	[spmem:s2] =	stream.indirect.scatter.add.f32 [tilespmem:s11], [sflag:$0x1], $0x80, s31, s12, $0xb8;
	[tilespmem:$0x1A400] =	vst v63  }
0x2a: {  	_ =	swait.ge [sflag:s13], $0x4000  }
0x2b: {  	[sflag:s13] =	ssyncset.done $0x0  }
0x2c: {  	[sflag:s13] =	ssyncadd.s32 $0xFFFFC000  }
0x2d: {  	_ =	swait.ge [sflag:s13], $0x4000  }
0x2e: {  	[sflag:s13] =	ssyncset.done $0x0  }
0x2f: {  	[sflag:s13] =	ssyncadd.s32 $0xFFFFC000  }
0x30: {  	_ =	swait.ge [sflag:s13], $0x4000  }
0x31: {  	[sflag:s13] =	ssyncset.done $0x0  }
0x32: {  	[sflag:s13] =	ssyncadd.s32 $0xFFFFC000  }
0x33: {  	_ =	swait.ge [sflag:s13], $0x4000  }
0x34: {  	[sflag:s13] =	ssyncset.done $0x0  }
0x35: {  	[sflag:s13] =	ssyncadd.s32 $0xFFFFC000  }
0x36: {  	_ =	swait.ge [sflag:s13], $0x4000  }
0x37: {  	[sflag:s13] =	ssyncset.done $0x0  }
0x38: {  	[sflag:s13] =	ssyncadd.s32 $0xFFFFC000  }
0x39: {  	_ =	swait.ge [sflag:s13], $0x4000  }
0x3a: {  	[sflag:s13] =	ssyncset.done $0x0  }
0x3b: {  	[sflag:s13] =	ssyncadd.s32 $0xFFFFC000  }
0x3c: {  	_ =	swait.ge [sflag:s13], $0x4000  }
0x3d: {  	[sflag:s13] =	ssyncset.done $0x0  }
0x3e: {  	[sflag:s13] =	ssyncadd.s32 $0xFFFFC000  }
0x3f: {  	_ =	swait.ge [sflag:s13], $0x4000  }
0x40: {  	s18 =	simm.s32 $0x2000;
	s16 =	simm.s32 $0x1000;
	[sflag:s13] =	ssyncset.done $0x0  }
.LBB2_2:
0x41: {  	s19 =	sshra.s32 s16, $0x2  }
0x42: {  	[sflag:s13] =	ssyncadd.s32 $0xFFFFC000;
	s16 =	smov.u32 s18;
	s17 =	sadd.s32 $0x1000, s18  }
0x43: {  	[spmem:s2] =	stream.indirect.scatter.add.f32 [tilespmem:s11], [sflag:$0x1], $0x80, s19, s12, $0xb8;
	[tilespmem:$0x1A400] =	vst v63  }
0x44: {  	p0 =	sne.s32 s18, $0x9000;
	s18 =	sadd.s32 $0x80, s19  }
0x45: {  	[spmem:s2] =	stream.indirect.scatter.add.f32 [tilespmem:s11], [sflag:$0x1], $0x80, s18, s12, $0xb8;
	[tilespmem:$0x1A400] =	vst v63  }
0x46: {  	s18 =	sadd.s32 $0x100, s19  }
0x47: {  	[spmem:s2] =	stream.indirect.scatter.add.f32 [tilespmem:s11], [sflag:$0x1], $0x80, s18, s12, $0xb8;
	[tilespmem:$0x1A400] =	vst v63  }
0x48: {  	s18 =	sadd.s32 $0x180, s19  }
0x49: {  	[spmem:s2] =	stream.indirect.scatter.add.f32 [tilespmem:s11], [sflag:$0x1], $0x80, s18, s12, $0xb8;
	[tilespmem:$0x1A400] =	vst v63  }
0x4a: {  	s18 =	sadd.s32 $0x200, s19  }
0x4b: {  	[spmem:s2] =	stream.indirect.scatter.add.f32 [tilespmem:s11], [sflag:$0x1], $0x80, s18, s12, $0xb8;
	[tilespmem:$0x1A400] =	vst v63  }
0x4c: {  	s18 =	sadd.s32 $0x280, s19  }
0x4d: {  	[spmem:s2] =	stream.indirect.scatter.add.f32 [tilespmem:s11], [sflag:$0x1], $0x80, s18, s12, $0xb8;
	[tilespmem:$0x1A400] =	vst v63  }
0x4e: {  	s18 =	sadd.s32 $0x300, s19  }
0x4f: {  	[spmem:s2] =	stream.indirect.scatter.add.f32 [tilespmem:s11], [sflag:$0x1], $0x80, s18, s12, $0xb8;
	[tilespmem:$0x1A400] =	vst v63  }
0x50: {  	s18 =	sadd.s32 $0x380, s19  }
0x51: {  	[spmem:s2] =	stream.indirect.scatter.add.f32 [tilespmem:s11], [sflag:$0x1], $0x80, s18, s12, $0xb8;
	[tilespmem:$0x1A400] =	vst v63  }
0x52: {  	_ =	swait.ge [sflag:s13], $0x4000  }
0x53: {  	[sflag:s13] =	ssyncset.done $0x0  }
0x54: {  	[sflag:s13] =	ssyncadd.s32 $0xFFFFC000  }
0x55: {  	_ =	swait.ge [sflag:s13], $0x4000  }
0x56: {  	[sflag:s13] =	ssyncset.done $0x0  }
0x57: {  	[sflag:s13] =	ssyncadd.s32 $0xFFFFC000  }
0x58: {  	_ =	swait.ge [sflag:s13], $0x4000  }
0x59: {  	[sflag:s13] =	ssyncset.done $0x0  }
0x5a: {  	[sflag:s13] =	ssyncadd.s32 $0xFFFFC000  }
0x5b: {  	_ =	swait.ge [sflag:s13], $0x4000  }
0x5c: {  	[sflag:s13] =	ssyncset.done $0x0  }
0x5d: {  	[sflag:s13] =	ssyncadd.s32 $0xFFFFC000  }
0x5e: {  	_ =	swait.ge [sflag:s13], $0x4000  }
0x5f: {  	[sflag:s13] =	ssyncset.done $0x0  }
0x60: {  	[sflag:s13] =	ssyncadd.s32 $0xFFFFC000  }
0x61: {  	_ =	swait.ge [sflag:s13], $0x4000  }
0x62: {  	[sflag:s13] =	ssyncset.done $0x0  }
0x63: {  	[sflag:s13] =	ssyncadd.s32 $0xFFFFC000  }
.Ltmp0:
0x64: {  	_ =	swait.ge [sflag:s13], $0x4000;
	(pc) =	sbr.rel @p0 .LBB2_2-.Ltmp0, $4  }
0x65: {  	[sflag:s13] =	ssyncset.done $0x0  }
0x66: {  	[sflag:s13] =	ssyncadd.s32 $0xFFFFC000  }
0x67: {  	_ =	swait.ge [sflag:s13], $0x4000  }
0x68: {  	s18 =	smov.u32 s17;
	[sflag:s13] =	ssyncset.done $0x0  }
0x69: {  	s16 =	sshra.s32 s16, $0x2;
	[sflag:s13] =	ssyncadd.s32 $0xFFFFC000  }
0x6a: {  	[spmem:s2] =	stream.indirect.scatter.add.f32 [tilespmem:s11], [sflag:$0x1], $0x80, s16, s12, $0xb8;
	[tilespmem:$0x1A400] =	vst v63  }
0x6b: {  	s17 =	sadd.s32 $0x80, s16  }
0x6c: {  	[spmem:s2] =	stream.indirect.scatter.add.f32 [tilespmem:s11], [sflag:$0x1], $0x80, s17, s12, $0xb8;
	[tilespmem:$0x1A400] =	vst v63  }
0x6d: {  	s26 =	sadd.s32 $0x100, s16  }
0x6e: {  	[spmem:s2] =	stream.indirect.scatter.add.f32 [tilespmem:s11], [sflag:$0x1], $0x80, s26, s12, $0xb8;
	[tilespmem:$0x1A400] =	vst v63  }
0x6f: {  	s28 =	sadd.s32 $0x180, s16  }
0x70: {  	[spmem:s2] =	stream.indirect.scatter.add.f32 [tilespmem:s11], [sflag:$0x1], $0x80, s28, s12, $0xb8;
	[tilespmem:$0x1A400] =	vst v63  }
0x71: {  	s29 =	sadd.s32 $0x200, s16  }
0x72: {  	[spmem:s2] =	stream.indirect.scatter.add.f32 [tilespmem:s11], [sflag:$0x1], $0x80, s29, s12, $0xb8;
	[tilespmem:$0x1A400] =	vst v63  }
0x73: {  	s30 =	sadd.s32 $0x280, s16  }
0x74: {  	[spmem:s2] =	stream.indirect.scatter.add.f32 [tilespmem:s11], [sflag:$0x1], $0x80, s30, s12, $0xb8;
	[tilespmem:$0x1A400] =	vst v63  }
0x75: {  	s31 =	sadd.s32 $0x300, s16  }
0x76: {  	[spmem:s2] =	stream.indirect.scatter.add.f32 [tilespmem:s11], [sflag:$0x1], $0x80, s31, s12, $0xb8;
	[tilespmem:$0x1A400] =	vst v63  }
0x77: {  	s16 =	sadd.s32 $0x380, s16  }
0x78: {  	[spmem:s2] =	stream.indirect.scatter.add.f32 [tilespmem:s11], [sflag:$0x1], $0x80, s16, s12, $0xb8;
	[tilespmem:$0x1A400] =	vst v63  }
0x79: {  	_ =	swait.ge [sflag:s13], $0x4000  }
0x7a: {  	[sflag:s13] =	ssyncset.done $0x0  }
0x7b: {  	[sflag:s13] =	ssyncadd.s32 $0xFFFFC000  }
0x7c: {  	_ =	swait.ge [sflag:s13], $0x4000  }
0x7d: {  	[sflag:s13] =	ssyncset.done $0x0  }
0x7e: {  	[sflag:s13] =	ssyncadd.s32 $0xFFFFC000  }
0x7f: {  	_ =	swait.ge [sflag:s13], $0x4000  }
0x80: {  	[sflag:s13] =	ssyncset.done $0x0  }
0x81: {  	[sflag:s13] =	ssyncadd.s32 $0xFFFFC000  }
0x82: {  	_ =	swait.ge [sflag:s13], $0x4000  }
0x83: {  	[sflag:s13] =	ssyncset.done $0x0  }
0x84: {  	[sflag:s13] =	ssyncadd.s32 $0xFFFFC000  }
0x85: {  	_ =	swait.ge [sflag:s13], $0x4000  }
0x86: {  	[sflag:s13] =	ssyncset.done $0x0  }
0x87: {  	[sflag:s13] =	ssyncadd.s32 $0xFFFFC000  }
0x88: {  	_ =	swait.ge [sflag:s13], $0x4000  }
0x89: {  	[sflag:s13] =	ssyncset.done $0x0  }
0x8a: {  	[sflag:s13] =	ssyncadd.s32 $0xFFFFC000  }
0x8b: {  	_ =	swait.ge [sflag:s13], $0x4000  }
0x8c: {  	[sflag:s13] =	ssyncset.done $0x0  }
0x8d: {  	[sflag:s13] =	ssyncadd.s32 $0xFFFFC000  }
0x8e: {  	_ =	swait.ge [sflag:s13], $0x4000  }
0x8f: {  	s15 =	sadd.s32 $0x1, s15;
	[sflag:s13] =	ssyncset.done $0x0  }
0x90: {  	p0 =	sne.s32 s15, s8;
	[sflag:s13] =	ssyncadd.s32 $0xFFFFC000  }
.Ltmp1:
0x91: {  	[bflag:$0x0] =	sbarrier.arrive $0xFFFF;
	(pc) =	sbr.rel @p0 .LBB2_1-.Ltmp1, $4  }
0x92: {  	[hbm:s14], [sflag:s6] =	dma.local [spmem:s9], $0x2780  }
0x93: {  	_ =	swait.ge [sflag:s10], $0x2780  }
0x94: {  	[sflag:s10] =	ssyncset.done $0x0  }
0x95: {  	[sflag:s10] =	ssyncadd.s32 $0xFFFFD880  }
0x96: {  	_ =	sfence.sel $0x180000  }
0x97: {  	[bflag:$0x0] =	sbarrier.arrive $0xFFFF  }
0x98: {  	p0 =	sne.s32 s0, $0x0;
	_ =	strace $0x90000047  }
0x99: {  	s0 =	sadd.s32 @!p0 $0x100000, s1;
	[bflag:$0x2] =	sbarrier.arrive $0xFFFF  }
0x9a: {  	[sflag:s0] =	ssyncadd.tile.s32 @!p0 $0x1;
	_ =	shalt  }
.Lfunc_end2:
_tile_overlayer_lowered:
.L_overlay_start_2:
0x9b: {  	(tag) =	ssettag $0x2  }
0x9c: {  	s0 =	rddreg [dreg:$0x0];
	s2 =	stileid.u32  }
0x9d: {  	s1 =	rddreg [dreg:$0x1];
	p0 =	sne.s32 s2, $0x0  }
0x9e: {  	s3 =	rddreg [dreg:$0x2];
	[bflag:$0x3] =	sbarrier.arrive $0xFFFF;
	s2 =	simm.s32 @!p0 $0x1C02  }
0x9f: {  	[timem:s3], [sflag:s2] =	dma.local @!p0 [hbm:s0], s1  }
0xa0: {  	s0 =	simm.s32 @!p0 $0x2  }
0xa1: {  	_ =	swait.ge @!p0 [sflag:s0], s1  }
0xa2: {  	s1 =	ssub.s32 @!p0 $0x0, s1;
	[sflag:s0] =	ssyncset.done @!p0 $0x0  }
0xa3: {  	[sflag:s0] =	ssyncadd.s32 @!p0 s1  }
0xa4: {  	[bflag:$0x3] =	sbarrier.arrive $0xFFFF  }
0xa5: {  	_ =	shalt  }

</sc_bundles>
